<compile_context>
chip_gen: v7x
topology: tpu7x:2x2x1
jax: 0.10.2.dev20260603
libtpu: 0.0.44.dev20260713+nightly
codegen_flags: <defaults>
</compile_context>

<pallas_src>
import functools

import jax
import jax.numpy as jnp
import numpy as np
from jax import lax
from jax.experimental import pallas as pl
from jax.experimental.pallas import tpu as pltpu
from jax.experimental.pallas import tpu_sc as plsc

_NUM_NEG = 29
_NCAND = _NUM_NEG + 1
_KS = (1, 5, 10)
_LANES = 16
_NUM_CORES = 2
_NUM_SUBCORES = 16
_NW = _NUM_CORES * _NUM_SUBCORES
_CHUNK = 120


_LN2 = 0.6931471805599453
_SQRT2 = 1.4142135623730951

_ROT = ((13, 15, 26, 6), (17, 29, 16, 24))


@functools.lru_cache(maxsize=None)
def _batcher_pairs(n):
    pairs = []
    p = 1
    while p < n:
        k = p
        while k >= 1:
            for j in range(k % p, n - k, 2 * k):
                for i in range(min(k, n - j - k)):
                    if (i + j) // (2 * p) == (i + j + k) // (2 * p):
                        pairs.append((i + j, i + j + k))
            k //= 2
        p *= 2
    return tuple(pairs)


def _ln(x):
    bits = lax.bitcast_convert_type(x, jnp.int32)
    e = ((bits >> 23) & 0xFF) - 127
    mant = lax.bitcast_convert_type((bits & 0x007FFFFF) | 0x3F800000,
                                    jnp.float32)
    big = mant > _SQRT2
    ione = jnp.ones((_LANES,), jnp.int32)
    izero = jnp.zeros((_LANES,), jnp.int32)
    mant = jnp.where(big, mant * 0.5, mant)
    e = (e + jnp.where(big, ione, izero)).astype(jnp.float32)
    s = (mant - 1.0) / (mant + 1.0)
    s2 = s * s
    p = 2.0 + s2 * (2.0 / 3.0 + s2 * (0.4 + s2 * (2.0 / 7.0)))
    return e * _LN2 + s * p


def _tf2x32(k1, k2, x1, x2):
    u32 = np.uint32
    ks = (u32(k1), u32(k2), u32(u32(k1) ^ u32(k2) ^ u32(0x1BD11BDA)))
    x0 = (x1 + ks[0]).astype(np.uint32)
    x1 = (x2 + ks[1]).astype(np.uint32)
    sched = ((0, 1, 2, 1), (1, 2, 0, 2), (0, 0, 1, 3), (1, 1, 2, 4),
             (0, 2, 0, 5))
    for g, a, b, inc in sched:
        for r in _ROT[g]:
            x0 = (x0 + x1).astype(np.uint32)
            x1 = x0 ^ ((x1 << u32(r)) | (x1 >> u32(32 - r)))
        x0 = (x0 + ks[a]).astype(np.uint32)
        x1 = (x1 + ks[b] + u32(inc)).astype(np.uint32)
    return x0, x1


@functools.lru_cache(maxsize=None)
def _negs_const(B, C, m):
    n = B * _NUM_NEG
    b1, b2 = _tf2x32(0, 42, np.zeros(2, np.uint32),
                     np.arange(2, dtype=np.uint32))
    cnt = np.arange(n, dtype=np.uint64)
    chi = (cnt >> np.uint64(32)).astype(np.uint32)
    clo = (cnt & np.uint64(0xFFFFFFFF)).astype(np.uint32)
    h1, h2 = _tf2x32(b1[0], b2[0], chi, clo)
    l1, l2 = _tf2x32(b1[1], b2[1], chi, clo)
    higher, lower = h1 ^ h2, l1 ^ l2
    span = np.uint32(C - m)
    mult = int(np.uint32(65536) % span)
    mult = np.uint32((mult * mult) % (1 << 32) % int(span))
    off = ((higher % span) * mult + (lower % span)).astype(np.uint32) % span
    negs = off.astype(np.int32).reshape(B, _NUM_NEG)
    t = (negs.reshape(B // _LANES, _LANES, _NUM_NEG).transpose(0, 2, 1)
         .reshape(B // _LANES, _NUM_NEG * _LANES))
    gp_w = B // _LANES // _NW
    out = np.zeros((_NW, gp_w, 512), np.int32)
    out[:, :, :_NUM_NEG * _LANES] = t.reshape(_NW, gp_w, _NUM_NEG * _LANES)
    return np.ascontiguousarray(out.reshape(_NW, 8, 128))


def _sc_stats_call(B, C, m):
    gp_w = B // _LANES // _NW
    per_w = gp_w * _NCAND * _LANES
    trow = (B // 128) * 1024
    mesh = plsc.VectorSubcoreMesh(
        core_axis_name="c", subcore_axis_name="s",
        num_cores=_NUM_CORES, num_subcores=_NUM_SUBCORES)

    g_chunks = (_NCAND * _LANES) // _CHUNK
    assert (_NCAND * _LANES) % _CHUNK == 0

    def body(scores_hbm, labt_hbm, negs_hbm, out_hbm,
             lab_v, negs_v, sort_v, cand_v, idx_v, vals_v, stat_v,
             sem, gsem):
        wid = lax.axis_index("s") * _NUM_CORES + lax.axis_index("c")
        span = gp_w * _LANES
        blk = wid >> 2
        sub = (wid & 3) * span
        cl = pltpu.async_copy(labt_hbm.at[:, pl.ds(blk * 128, 128)],
                              lab_v, sem)
        cn = pltpu.async_copy(negs_hbm.at[wid], negs_v, sem)
        cl.wait()
        cn.wait()
        gcopies = [[] for _ in range(gp_w)]
        for gl in range(gp_w):
            goff = gl * _LANES
            b = (wid * span + goff + lax.iota(jnp.int32, _LANES))
            b_term = ((b >> 7) << 10) + (b & 127)
            svs = [lab_v[t, pl.ds(sub + goff, _LANES)] for t in range(m)]
            x0c = svs[m - 1]
            for t, t2 in _batcher_pairs(m):
                lo = jnp.minimum(svs[t], svs[t2])
                hi = jnp.maximum(svs[t], svs[t2])
                svs[t], svs[t2] = lo, hi
            for t in range(m):
                sort_v[pl.ds(t * _LANES, _LANES)] = svs[t]
            one = jnp.ones((_LANES,), jnp.int32)
            zero = jnp.zeros((_LANES,), jnp.int32)
            nvs = []
            for j in range(_NUM_NEG):
                f = gl * 512 + j * _LANES
                nvs.append(negs_v[f // 128, pl.ds(f % 128, _LANES)])

            def _shift_step(t, carry):
                e = sort_v[pl.ds(t * _LANES, _LANES)]
                return tuple(nv + jnp.where(nv >= e, one, zero)
                             for nv in carry)

            nvs = list(lax.fori_loop(0, m, _shift_step, tuple(nvs)))
            cands = [x0c] + nvs
            ibase = gl * (_NCAND * _LANES)
            for j in range(_NCAND):
                cand_v[pl.ds(j * _LANES, _LANES)] = cands[j]

            def _off_step(j, _):
                c = cand_v[pl.ds(j * _LANES, _LANES)]
                idx_v[pl.ds(ibase + j * _LANES, _LANES)] = (
                    ((c >> 3) * trow) + ((c & 7) << 7) + b_term)
                return 0

            lax.fori_loop(0, _NCAND, _off_step, 0)
            gs = gsem if gl == 0 else sem
            for ch in range(g_chunks):
                off = ibase + ch * _CHUNK
                gcopies[gl].append(pltpu.async_copy(
                    scores_hbm.at[idx_v.at[pl.ds(off, _CHUNK)]],
                    vals_v.at[pl.ds(off, _CHUNK)], gs))
        parts = [jnp.zeros((_LANES,), jnp.float32) for _ in range(8)]
        for gl in range(gp_w):
            for cc in gcopies[gl]:
                cc.wait()
            goff = gl * (_NCAND * _LANES)
            x0 = vals_v[pl.ds(goff, _LANES)]
            fone = jnp.ones((_LANES,), jnp.float32)
            fzero = jnp.zeros((_LANES,), jnp.float32)

            def _rk_step(j, carry):
                rank, mx = carry
                v = vals_v[pl.ds(goff + j * _LANES, _LANES)]
                return (rank + jnp.where(v > x0, fone, fzero),
                        jnp.maximum(mx, v))

            rank, mx = lax.fori_loop(1, _NCAND, _rk_step, (fzero, x0))

            def _se_step(j, carry):
                v = vals_v[pl.ds(goff + j * _LANES, _LANES)]
                return carry + jnp.exp(v - mx)

            se = lax.fori_loop(0, _NCAND, _se_step, fzero)
            w = _LN2 / _ln(rank + 2.0)
            loss_t = _ln(se) + (mx - x0)
            mrr_t = fone / (rank + 1.0)
            for i, k in enumerate(_KS):
                hit = jnp.where(rank < k, fone, fzero)
                parts[2 * i] = parts[2 * i] + hit
                parts[2 * i + 1] = parts[2 * i + 1] + hit * w
            parts[6] = parts[6] + mrr_t
            parts[7] = parts[7] + loss_t
        for k in range(8):
            stat_v[pl.ds(k * _LANES, _LANES)] = parts[k]
        pltpu.sync_copy(stat_v, out_hbm.at[wid])

    return pl.kernel(
        body,
        out_type=jax.ShapeDtypeStruct((_NW, 8 * _LANES), jnp.float32),
        mesh=mesh,
        scratch_types=[
            pltpu.VMEM((m, 128), jnp.int32),
            pltpu.VMEM((8, 128), jnp.int32),
            pltpu.VMEM((m * _LANES,), jnp.int32),
            pltpu.VMEM((_NCAND * _LANES,), jnp.int32),
            pltpu.VMEM((per_w,), jnp.int32),
            pltpu.VMEM((per_w,), jnp.float32),
            pltpu.VMEM((8 * _LANES,), jnp.float32),
            pltpu.SemaphoreType.DMA,
            pltpu.SemaphoreType.DMA,
        ],
    )


def _tc_reduce_call(parts, B):
    inv = 1.0 / B

    def body(st_ref, out_ref):
        tot = jnp.sum(st_ref[...], axis=0, keepdims=True)
        for k in range(8):
            out_ref[k] = jnp.sum(tot[:, k * _LANES:(k + 1) * _LANES]) * inv

    return pl.pallas_call(
        body,
        out_shape=jax.ShapeDtypeStruct((8,), jnp.float32),
        out_specs=pl.BlockSpec(memory_space=pltpu.SMEM),
    )(parts)


def kernel(scores, labels):
    B, C = scores.shape
    m = labels.shape[1]
    negs = jnp.asarray(_negs_const(B, C, m))
    labt = labels.T
    phys = (scores.reshape(B // 128, 128, C // 8, 8)
            .transpose(2, 0, 3, 1).reshape(-1))
    parts = _sc_stats_call(B, C, m)(phys, labt, negs)
    return _tc_reduce_call(parts, B)

# --- scband reference (transcript-rebuilt; emitter-appended) ---
"""Pipeline reference for scband-ranker-49031346651809 (READ-ONLY COPY).

The authoritative reference and input builder live on the scoring server;
editing this copy changes nothing except your own understanding.
"""

import jax, jax.numpy as jnp
import numpy as np

NUM_NEGATIVES = 29
KS = (1, 5, 10)


def setup_inputs(seed: int = 0) -> dict:
    key = jax.random.key(seed)
    k1, k2 = jax.random.split(key)
    scores = jax.random.normal(k1, (1024, 100000), dtype=jnp.float32)
    labels = jax.random.randint(k2, (1024, 20), 0, 100000, dtype=jnp.int32)
    return {"scores": scores, "labels": labels}


def _sample_negatives(key, labels, num_classes, num_negatives):
    # Sample negatives uniformly from [0, num_classes - num_labels) and shift
    # past the (sorted) excluded label indices so negatives avoid label items.
    B, m = labels.shape
    sorted_lab = jnp.sort(labels, axis=1)
    negs = jax.random.randint(key, (B, num_negatives), 0, num_classes - m, dtype=labels.dtype)
    for j in range(m):
        e = sorted_lab[:, j:j + 1]
        negs = negs + (negs >= e).astype(negs.dtype)
    return negs


def reference(scores, labels):
    B, C = scores.shape
    key = jax.random.key(42)
    negs = _sample_negatives(key, labels, C, NUM_NEGATIVES)
    true_item = labels[:, -1:]
    candidates = jnp.concatenate([true_item, negs], axis=1)  # [B, 1+num_neg]
    sampled_scores = jnp.take_along_axis(scores, candidates, axis=1)
    # Cross-entropy with target index 0 (the true item)
    logz = jax.nn.logsumexp(sampled_scores, axis=1)
    loss = jnp.mean(logz - sampled_scores[:, 0])
    # Rank of the true item under descending sort
    order = jnp.argsort(-sampled_scores, axis=1)
    ranks = jnp.argmax((order == 0).astype(jnp.int32), axis=1).astype(jnp.float32)
    res = []
    for k in KS:
        hit = (ranks < k).astype(jnp.float32)
        res.append(jnp.mean(hit))  # recall@k
        res.append(jnp.mean(hit * (1.0 / jnp.log2(ranks + 2.0))))  # ndcg@k
    res.append(jnp.mean(1.0 / (ranks + 1.0)))  # MRR
    res.append(loss)
    return jnp.stack(res)

if __name__ == "__main__":
    import jax
    _d = setup_inputs()
    print(jax.jit(kernel)(*tuple(_d.values())))

</pallas_src>

<mosaic_0001>
#map = affine_map<(d0, d1) -> (0)>
#map1 = affine_map<(d0, d1) -> (0, 0)>
#map2 = affine_map<(d0, d1) -> (0, 0, 0)>
module attributes {stable_mosaic.version = 14 : i64} {
  func.func @body(%arg0: i32, %arg1: i32, %arg2: memref<102400000xf32, #tpu.memory_space<hbm>>, %arg3: memref<20x1024xi32, #tpu.memory_space<hbm>>, %arg4: memref<32x8x128xi32, #tpu.memory_space<hbm>>, %arg5: memref<32x128xf32, #tpu.memory_space<hbm>>, %arg6: memref<20x128xi32, #tpu.memory_space<vmem>>, %arg7: memref<8x128xi32, #tpu.memory_space<vmem>>, %arg8: memref<320xi32, #tpu.memory_space<vmem>>, %arg9: memref<480xi32, #tpu.memory_space<vmem>>, %arg10: memref<960xi32, #tpu.memory_space<vmem>>, %arg11: memref<960xf32, #tpu.memory_space<vmem>>, %arg12: memref<128xf32, #tpu.memory_space<vmem>>, %arg13: memref<!tpu.dma_semaphore, #tpu.memory_space<semaphore_mem>>, %arg14: memref<!tpu.dma_semaphore, #tpu.memory_space<semaphore_mem>>) attributes {dimension_semantics = [#tpu.dimension_semantics<core_parallel>, #tpu.dimension_semantics<subcore_parallel>], iteration_bounds = array<i64: 2, 16>, scalar_prefetch = 0 : i64, scratch_operands = 9 : i64, tpu.core_type = #tpu.core_type<sc_vector_subcore>, window_params = [{transform_indices = #map}, {transform_indices = #map1}, {transform_indices = #map2}, {transform_indices = #map1}]} {
    %mul3A = arith.constant 2 : i32
    %mul3A_0 = arith.muli %arg1, %mul3A : i32
    %add3A = arith.addi %mul3A_0, %arg0 : i32
    %shift_right_arithmetic3A = arith.constant 2 : i32
    %shift_right_arithmetic3A_1 = arith.shrsi %add3A, %shift_right_arithmetic3A : i32
    %and3A = arith.constant 3 : i32
    %and3A_2 = arith.andi %add3A, %and3A : i32
    %mul3A_3 = arith.constant 32 : i32
    %mul3A_4 = arith.muli %and3A_2, %mul3A_3 : i32
    %mul3A_5 = arith.constant 128 : i32
    %mul3A_6 = arith.muli %shift_right_arithmetic3A_1, %mul3A_5 : i32
    %dma_start3A = arith.constant 0 : i32
    %dma_start3A_7 = tpu.memref_slice %arg3[%dma_start3A, %mul3A_6] : memref<20x1024xi32, #tpu.memory_space<hbm>> -> memref<20x128xi32, #tpu.memory_space<hbm>>
    %dma_start3A_8 = arith.constant 0 : i32
    %dma_start3A_9 = tpu.memref_slice %arg3[%dma_start3A_8, %mul3A_6] : memref<20x1024xi32, #tpu.memory_space<hbm>> -> memref<20x128xi32, #tpu.memory_space<hbm>>
    tpu.enqueue_dma source(%dma_start3A_9 : memref<20x128xi32, #tpu.memory_space<hbm>>) target(%arg6 : memref<20x128xi32, #tpu.memory_space<vmem>>) target_semaphore(%arg13 : memref<!tpu.dma_semaphore, #tpu.memory_space<semaphore_mem>>)
    %dma_start3A_10 = arith.constant 0 : i32
    %dma_start3A_11 = arith.constant 0 : i32
    %dma_start3A_12 = tpu.memref_slice %arg4[%add3A, %dma_start3A_10, %dma_start3A_11] : memref<32x8x128xi32, #tpu.memory_space<hbm>> -> memref<1x8x128xi32, #tpu.memory_space<hbm>>
    %dma_start3A_13 = tpu.memref_squeeze %dma_start3A_12 : memref<1x8x128xi32, #tpu.memory_space<hbm>> -> memref<8x128xi32, #tpu.memory_space<hbm>>
    %dma_start3A_14 = arith.constant 0 : i32
    %dma_start3A_15 = arith.constant 0 : i32
    %dma_start3A_16 = tpu.memref_slice %arg4[%add3A, %dma_start3A_14, %dma_start3A_15] : memref<32x8x128xi32, #tpu.memory_space<hbm>> -> memref<1x8x128xi32, #tpu.memory_space<hbm>>
    %dma_start3A_17 = tpu.memref_squeeze %dma_start3A_16 : memref<1x8x128xi32, #tpu.memory_space<hbm>> -> memref<8x128xi32, #tpu.memory_space<hbm>>
    tpu.enqueue_dma source(%dma_start3A_17 : memref<8x128xi32, #tpu.memory_space<hbm>>) target(%arg7 : memref<8x128xi32, #tpu.memory_space<vmem>>) target_semaphore(%arg13 : memref<!tpu.dma_semaphore, #tpu.memory_space<semaphore_mem>>)
    %dma_wait3A = arith.constant 0 : i32
    %dma_wait3A_18 = tpu.memref_slice %arg3[%dma_wait3A, %mul3A_6] : memref<20x1024xi32, #tpu.memory_space<hbm>> -> memref<20x128xi32, #tpu.memory_space<hbm>>
    %dma_wait3A_19 = arith.constant 0 : i32
    %dma_wait3A_20 = tpu.memref_slice %arg3[%dma_wait3A_19, %mul3A_6] : memref<20x1024xi32, #tpu.memory_space<hbm>> -> memref<20x128xi32, #tpu.memory_space<hbm>>
    tpu.wait_dma2 semaphore(%arg13 : memref<!tpu.dma_semaphore, #tpu.memory_space<semaphore_mem>>) src(%dma_wait3A_20 : memref<20x128xi32, #tpu.memory_space<hbm>>) dst(%arg6 : memref<20x128xi32, #tpu.memory_space<vmem>>)
    %dma_wait3A_21 = arith.constant 0 : i32
    %dma_wait3A_22 = arith.constant 0 : i32
    %dma_wait3A_23 = tpu.memref_slice %arg4[%add3A, %dma_wait3A_21, %dma_wait3A_22] : memref<32x8x128xi32, #tpu.memory_space<hbm>> -> memref<1x8x128xi32, #tpu.memory_space<hbm>>
    %dma_wait3A_24 = tpu.memref_squeeze %dma_wait3A_23 : memref<1x8x128xi32, #tpu.memory_space<hbm>> -> memref<8x128xi32, #tpu.memory_space<hbm>>
    %dma_wait3A_25 = arith.constant 0 : i32
    %dma_wait3A_26 = arith.constant 0 : i32
    %dma_wait3A_27 = tpu.memref_slice %arg4[%add3A, %dma_wait3A_25, %dma_wait3A_26] : memref<32x8x128xi32, #tpu.memory_space<hbm>> -> memref<1x8x128xi32, #tpu.memory_space<hbm>>
    %dma_wait3A_28 = tpu.memref_squeeze %dma_wait3A_27 : memref<1x8x128xi32, #tpu.memory_space<hbm>> -> memref<8x128xi32, #tpu.memory_space<hbm>>
    tpu.wait_dma2 semaphore(%arg13 : memref<!tpu.dma_semaphore, #tpu.memory_space<semaphore_mem>>) src(%dma_wait3A_28 : memref<8x128xi32, #tpu.memory_space<hbm>>) dst(%arg7 : memref<8x128xi32, #tpu.memory_space<vmem>>)
    %mul3A_29 = arith.constant 32 : i32
    %mul3A_30 = arith.muli %add3A, %mul3A_29 : i32
    %add3A_31 = arith.constant 0 : i32
    %add3A_32 = arith.addi %mul3A_30, %add3A_31 : i32
    %iota3A = tpu.iota {dimensions = array<i32: 0>} : vector<16xi32>
    %add3A_33 = vector.broadcast %add3A_32 : i32 to vector<16xi32>
    %add3A_34 = arith.addi %add3A_33, %iota3A : vector<16xi32>
    %shift_right_arithmetic3A_35 = arith.constant 7 : i32
    %shift_right_arithmetic3A_36 = vector.broadcast %shift_right_arithmetic3A_35 : i32 to vector<16xi32>
    %shift_right_arithmetic3A_37 = arith.shrsi %add3A_34, %shift_right_arithmetic3A_36 : vector<16xi32>
    %shift_left3A = arith.constant 10 : i32
    %shift_left3A_38 = vector.broadcast %shift_left3A : i32 to vector<16xi32>
    %shift_left3A_39 = arith.shli %shift_right_arithmetic3A_37, %shift_left3A_38 : vector<16xi32>
    %and3A_40 = arith.constant 127 : i32
    %and3A_41 = vector.broadcast %and3A_40 : i32 to vector<16xi32>
    %and3A_42 = arith.andi %add3A_34, %and3A_41 : vector<16xi32>
    %add3A_43 = arith.addi %shift_left3A_39, %and3A_42 : vector<16xi32>
    %add3A_44 = arith.constant 0 : i32
    %add3A_45 = arith.addi %mul3A_4, %add3A_44 : i32
    %get3A = arith.constant 0 : i32
    %get3A_46 = arith.index_cast %get3A : i32 to index
    %get3A_47 = arith.index_cast %add3A_45 : i32 to index
    %get3A_48 = tpu.vector_load %arg6[%get3A_46, %get3A_47] {strides = array<i32>} : memref<20x128xi32, #tpu.memory_space<vmem>>, vector<1x16xi32>,
    %get3A_49 = vector.shape_cast %get3A_48 : vector<1x16xi32> to vector<16xi32>
    %add3A_50 = arith.constant 0 : i32
    %add3A_51 = arith.addi %mul3A_4, %add3A_50 : i32
    %get3A_52 = arith.constant 1 : i32
    %get3A_53 = arith.index_cast %get3A_52 : i32 to index
    %get3A_54 = arith.index_cast %add3A_51 : i32 to index
    %get3A_55 = tpu.vector_load %arg6[%get3A_53, %get3A_54] {strides = array<i32>} : memref<20x128xi32, #tpu.memory_space<vmem>>, vector<1x16xi32>,
    %get3A_56 = vector.shape_cast %get3A_55 : vector<1x16xi32> to vector<16xi32>
    %add3A_57 = arith.constant 0 : i32
    %add3A_58 = arith.addi %mul3A_4, %add3A_57 : i32
    %get3A_59 = arith.constant 2 : i32
    %get3A_60 = arith.index_cast %get3A_59 : i32 to index
    %get3A_61 = arith.index_cast %add3A_58 : i32 to index
    %get3A_62 = tpu.vector_load %arg6[%get3A_60, %get3A_61] {strides = array<i32>} : memref<20x128xi32, #tpu.memory_space<vmem>>, vector<1x16xi32>,
    %get3A_63 = vector.shape_cast %get3A_62 : vector<1x16xi32> to vector<16xi32>
    %add3A_64 = arith.constant 0 : i32
    %add3A_65 = arith.addi %mul3A_4, %add3A_64 : i32
    %get3A_66 = arith.constant 3 : i32
    %get3A_67 = arith.index_cast %get3A_66 : i32 to index
    %get3A_68 = arith.index_cast %add3A_65 : i32 to index
    %get3A_69 = tpu.vector_load %arg6[%get3A_67, %get3A_68] {strides = array<i32>} : memref<20x128xi32, #tpu.memory_space<vmem>>, vector<1x16xi32>,
    %get3A_70 = vector.shape_cast %get3A_69 : vector<1x16xi32> to vector<16xi32>
    %add3A_71 = arith.constant 0 : i32
    %add3A_72 = arith.addi %mul3A_4, %add3A_71 : i32
    %get3A_73 = arith.constant 4 : i32
    %get3A_74 = arith.index_cast %get3A_73 : i32 to index
    %get3A_75 = arith.index_cast %add3A_72 : i32 to index
    %get3A_76 = tpu.vector_load %arg6[%get3A_74, %get3A_75] {strides = array<i32>} : memref<20x128xi32, #tpu.memory_space<vmem>>, vector<1x16xi32>,
    %get3A_77 = vector.shape_cast %get3A_76 : vector<1x16xi32> to vector<16xi32>
    %add3A_78 = arith.constant 0 : i32
    %add3A_79 = arith.addi %mul3A_4, %add3A_78 : i32
    %get3A_80 = arith.constant 5 : i32
    %get3A_81 = arith.index_cast %get3A_80 : i32 to index
    %get3A_82 = arith.index_cast %add3A_79 : i32 to index
    %get3A_83 = tpu.vector_load %arg6[%get3A_81, %get3A_82] {strides = array<i32>} : memref<20x128xi32, #tpu.memory_space<vmem>>, vector<1x16xi32>,
    %get3A_84 = vector.shape_cast %get3A_83 : vector<1x16xi32> to vector<16xi32>
    %add3A_85 = arith.constant 0 : i32
    %add3A_86 = arith.addi %mul3A_4, %add3A_85 : i32
    %get3A_87 = arith.constant 6 : i32
    %get3A_88 = arith.index_cast %get3A_87 : i32 to index
    %get3A_89 = arith.index_cast %add3A_86 : i32 to index
    %get3A_90 = tpu.vector_load %arg6[%get3A_88, %get3A_89] {strides = array<i32>} : memref<20x128xi32, #tpu.memory_space<vmem>>, vector<1x16xi32>,
    %get3A_91 = vector.shape_cast %get3A_90 : vector<1x16xi32> to vector<16xi32>
    %add3A_92 = arith.constant 0 : i32
    %add3A_93 = arith.addi %mul3A_4, %add3A_92 : i32
    %get3A_94 = arith.constant 7 : i32
    %get3A_95 = arith.index_cast %get3A_94 : i32 to index
    %get3A_96 = arith.index_cast %add3A_93 : i32 to index
    %get3A_97 = tpu.vector_load %arg6[%get3A_95, %get3A_96] {strides = array<i32>} : memref<20x128xi32, #tpu.memory_space<vmem>>, vector<1x16xi32>,
    %get3A_98 = vector.shape_cast %get3A_97 : vector<1x16xi32> to vector<16xi32>
    %add3A_99 = arith.constant 0 : i32
    %add3A_100 = arith.addi %mul3A_4, %add3A_99 : i32
    %get3A_101 = arith.constant 8 : i32
    %get3A_102 = arith.index_cast %get3A_101 : i32 to index
    %get3A_103 = arith.index_cast %add3A_100 : i32 to index
    %get3A_104 = tpu.vector_load %arg6[%get3A_102, %get3A_103] {strides = array<i32>} : memref<20x128xi32, #tpu.memory_space<vmem>>, vector<1x16xi32>,
    %get3A_105 = vector.shape_cast %get3A_104 : vector<1x16xi32> to vector<16xi32>
    %add3A_106 = arith.constant 0 : i32
    %add3A_107 = arith.addi %mul3A_4, %add3A_106 : i32
    %get3A_108 = arith.constant 9 : i32
    %get3A_109 = arith.index_cast %get3A_108 : i32 to index
    %get3A_110 = arith.index_cast %add3A_107 : i32 to index
    %get3A_111 = tpu.vector_load %arg6[%get3A_109, %get3A_110] {strides = array<i32>} : memref<20x128xi32, #tpu.memory_space<vmem>>, vector<1x16xi32>,
    %get3A_112 = vector.shape_cast %get3A_111 : vector<1x16xi32> to vector<16xi32>
    %add3A_113 = arith.constant 0 : i32
    %add3A_114 = arith.addi %mul3A_4, %add3A_113 : i32
    %get3A_115 = arith.constant 10 : i32
    %get3A_116 = arith.index_cast %get3A_115 : i32 to index
    %get3A_117 = arith.index_cast %add3A_114 : i32 to index
    %get3A_118 = tpu.vector_load %arg6[%get3A_116, %get3A_117] {strides = array<i32>} : memref<20x128xi32, #tpu.memory_space<vmem>>, vector<1x16xi32>,
    %get3A_119 = vector.shape_cast %get3A_118 : vector<1x16xi32> to vector<16xi32>
    %add3A_120 = arith.constant 0 : i32
    %add3A_121 = arith.addi %mul3A_4, %add3A_120 : i32
    %get3A_122 = arith.constant 11 : i32
    %get3A_123 = arith.index_cast %get3A_122 : i32 to index
    %get3A_124 = arith.index_cast %add3A_121 : i32 to index
    %get3A_125 = tpu.vector_load %arg6[%get3A_123, %get3A_124] {strides = array<i32>} : memref<20x128xi32, #tpu.memory_space<vmem>>, vector<1x16xi32>,
    %get3A_126 = vector.shape_cast %get3A_125 : vector<1x16xi32> to vector<16xi32>
    %add3A_127 = arith.constant 0 : i32
    %add3A_128 = arith.addi %mul3A_4, %add3A_127 : i32
    %get3A_129 = arith.constant 12 : i32
    %get3A_130 = arith.index_cast %get3A_129 : i32 to index
    %get3A_131 = arith.index_cast %add3A_128 : i32 to index
    %get3A_132 = tpu.vector_load %arg6[%get3A_130, %get3A_131] {strides = array<i32>} : memref<20x128xi32, #tpu.memory_space<vmem>>, vector<1x16xi32>,
    %get3A_133 = vector.shape_cast %get3A_132 : vector<1x16xi32> to vector<16xi32>
    %add3A_134 = arith.constant 0 : i32
    %add3A_135 = arith.addi %mul3A_4, %add3A_134 : i32
    %get3A_136 = arith.constant 13 : i32
    %get3A_137 = arith.index_cast %get3A_136 : i32 to index
    %get3A_138 = arith.index_cast %add3A_135 : i32 to index
    %get3A_139 = tpu.vector_load %arg6[%get3A_137, %get3A_138] {strides = array<i32>} : memref<20x128xi32, #tpu.memory_space<vmem>>, vector<1x16xi32>,
    %get3A_140 = vector.shape_cast %get3A_139 : vector<1x16xi32> to vector<16xi32>
    %add3A_141 = arith.constant 0 : i32
    %add3A_142 = arith.addi %mul3A_4, %add3A_141 : i32
    %get3A_143 = arith.constant 14 : i32
    %get3A_144 = arith.index_cast %get3A_143 : i32 to index
    %get3A_145 = arith.index_cast %add3A_142 : i32 to index
    %get3A_146 = tpu.vector_load %arg6[%get3A_144, %get3A_145] {strides = array<i32>} : memref<20x128xi32, #tpu.memory_space<vmem>>, vector<1x16xi32>,
    %get3A_147 = vector.shape_cast %get3A_146 : vector<1x16xi32> to vector<16xi32>
    %add3A_148 = arith.constant 0 : i32
    %add3A_149 = arith.addi %mul3A_4, %add3A_148 : i32
    %get3A_150 = arith.constant 15 : i32
    %get3A_151 = arith.index_cast %get3A_150 : i32 to index
    %get3A_152 = arith.index_cast %add3A_149 : i32 to index
    %get3A_153 = tpu.vector_load %arg6[%get3A_151, %get3A_152] {strides = array<i32>} : memref<20x128xi32, #tpu.memory_space<vmem>>, vector<1x16xi32>,
    %get3A_154 = vector.shape_cast %get3A_153 : vector<1x16xi32> to vector<16xi32>
    %add3A_155 = arith.constant 0 : i32
    %add3A_156 = arith.addi %mul3A_4, %add3A_155 : i32
    %get3A_157 = arith.constant 16 : i32
    %get3A_158 = arith.index_cast %get3A_157 : i32 to index
    %get3A_159 = arith.index_cast %add3A_156 : i32 to index
    %get3A_160 = tpu.vector_load %arg6[%get3A_158, %get3A_159] {strides = array<i32>} : memref<20x128xi32, #tpu.memory_space<vmem>>, vector<1x16xi32>,
    %get3A_161 = vector.shape_cast %get3A_160 : vector<1x16xi32> to vector<16xi32>
    %add3A_162 = arith.constant 0 : i32
    %add3A_163 = arith.addi %mul3A_4, %add3A_162 : i32
    %get3A_164 = arith.constant 17 : i32
    %get3A_165 = arith.index_cast %get3A_164 : i32 to index
    %get3A_166 = arith.index_cast %add3A_163 : i32 to index
    %get3A_167 = tpu.vector_load %arg6[%get3A_165, %get3A_166] {strides = array<i32>} : memref<20x128xi32, #tpu.memory_space<vmem>>, vector<1x16xi32>,
    %get3A_168 = vector.shape_cast %get3A_167 : vector<1x16xi32> to vector<16xi32>
    %add3A_169 = arith.constant 0 : i32
    %add3A_170 = arith.addi %mul3A_4, %add3A_169 : i32
    %get3A_171 = arith.constant 18 : i32
    %get3A_172 = arith.index_cast %get3A_171 : i32 to index
    %get3A_173 = arith.index_cast %add3A_170 : i32 to index
    %get3A_174 = tpu.vector_load %arg6[%get3A_172, %get3A_173] {strides = array<i32>} : memref<20x128xi32, #tpu.memory_space<vmem>>, vector<1x16xi32>,
    %get3A_175 = vector.shape_cast %get3A_174 : vector<1x16xi32> to vector<16xi32>
    %add3A_176 = arith.constant 0 : i32
    %add3A_177 = arith.addi %mul3A_4, %add3A_176 : i32
    %get3A_178 = arith.constant 19 : i32
    %get3A_179 = arith.index_cast %get3A_178 : i32 to index
    %get3A_180 = arith.index_cast %add3A_177 : i32 to index
    %get3A_181 = tpu.vector_load %arg6[%get3A_179, %get3A_180] {strides = array<i32>} : memref<20x128xi32, #tpu.memory_space<vmem>>, vector<1x16xi32>,
    %get3A_182 = vector.shape_cast %get3A_181 : vector<1x16xi32> to vector<16xi32>
    %min3A = arith.minsi %get3A_49, %get3A_56 : vector<16xi32>
    %max3A = arith.maxsi %get3A_49, %get3A_56 : vector<16xi32>
    %min3A_183 = arith.minsi %get3A_63, %get3A_70 : vector<16xi32>
    %max3A_184 = arith.maxsi %get3A_63, %get3A_70 : vector<16xi32>
    %min3A_185 = arith.minsi %get3A_77, %get3A_84 : vector<16xi32>
    %max3A_186 = arith.maxsi %get3A_77, %get3A_84 : vector<16xi32>
    %min3A_187 = arith.minsi %get3A_91, %get3A_98 : vector<16xi32>
    %max3A_188 = arith.maxsi %get3A_91, %get3A_98 : vector<16xi32>
    %min3A_189 = arith.minsi %get3A_105, %get3A_112 : vector<16xi32>
    %max3A_190 = arith.maxsi %get3A_105, %get3A_112 : vector<16xi32>
    %min3A_191 = arith.minsi %get3A_119, %get3A_126 : vector<16xi32>
    %max3A_192 = arith.maxsi %get3A_119, %get3A_126 : vector<16xi32>
    %min3A_193 = arith.minsi %get3A_133, %get3A_140 : vector<16xi32>
    %max3A_194 = arith.maxsi %get3A_133, %get3A_140 : vector<16xi32>
    %min3A_195 = arith.minsi %get3A_147, %get3A_154 : vector<16xi32>
    %max3A_196 = arith.maxsi %get3A_147, %get3A_154 : vector<16xi32>
    %min3A_197 = arith.minsi %get3A_161, %get3A_168 : vector<16xi32>
    %max3A_198 = arith.maxsi %get3A_161, %get3A_168 : vector<16xi32>
    %min3A_199 = arith.minsi %get3A_175, %get3A_182 : vector<16xi32>
    %max3A_200 = arith.maxsi %get3A_175, %get3A_182 : vector<16xi32>
    %min3A_201 = arith.minsi %min3A, %min3A_183 : vector<16xi32>
    %max3A_202 = arith.maxsi %min3A, %min3A_183 : vector<16xi32>
    %min3A_203 = arith.minsi %max3A, %max3A_184 : vector<16xi32>
    %max3A_204 = arith.maxsi %max3A, %max3A_184 : vector<16xi32>
    %min3A_205 = arith.minsi %min3A_185, %min3A_187 : vector<16xi32>
    %max3A_206 = arith.maxsi %min3A_185, %min3A_187 : vector<16xi32>
    %min3A_207 = arith.minsi %max3A_186, %max3A_188 : vector<16xi32>
    %max3A_208 = arith.maxsi %max3A_186, %max3A_188 : vector<16xi32>
    %min3A_209 = arith.minsi %min3A_189, %min3A_191 : vector<16xi32>
    %max3A_210 = arith.maxsi %min3A_189, %min3A_191 : vector<16xi32>
    %min3A_211 = arith.minsi %max3A_190, %max3A_192 : vector<16xi32>
    %max3A_212 = arith.maxsi %max3A_190, %max3A_192 : vector<16xi32>
    %min3A_213 = arith.minsi %min3A_193, %min3A_195 : vector<16xi32>
    %max3A_214 = arith.maxsi %min3A_193, %min3A_195 : vector<16xi32>
    %min3A_215 = arith.minsi %max3A_194, %max3A_196 : vector<16xi32>
    %max3A_216 = arith.maxsi %max3A_194, %max3A_196 : vector<16xi32>
    %min3A_217 = arith.minsi %min3A_197, %min3A_199 : vector<16xi32>
    %max3A_218 = arith.maxsi %min3A_197, %min3A_199 : vector<16xi32>
    %min3A_219 = arith.minsi %max3A_198, %max3A_200 : vector<16xi32>
    %max3A_220 = arith.maxsi %max3A_198, %max3A_200 : vector<16xi32>
    %min3A_221 = arith.minsi %min3A_203, %max3A_202 : vector<16xi32>
    %max3A_222 = arith.maxsi %min3A_203, %max3A_202 : vector<16xi32>
    %min3A_223 = arith.minsi %min3A_207, %max3A_206 : vector<16xi32>
    %max3A_224 = arith.maxsi %min3A_207, %max3A_206 : vector<16xi32>
    %min3A_225 = arith.minsi %min3A_211, %max3A_210 : vector<16xi32>
    %max3A_226 = arith.maxsi %min3A_211, %max3A_210 : vector<16xi32>
    %min3A_227 = arith.minsi %min3A_215, %max3A_214 : vector<16xi32>
    %max3A_228 = arith.maxsi %min3A_215, %max3A_214 : vector<16xi32>
    %min3A_229 = arith.minsi %min3A_219, %max3A_218 : vector<16xi32>
    %max3A_230 = arith.maxsi %min3A_219, %max3A_218 : vector<16xi32>
    %min3A_231 = arith.minsi %min3A_201, %min3A_205 : vector<16xi32>
    %max3A_232 = arith.maxsi %min3A_201, %min3A_205 : vector<16xi32>
    %min3A_233 = arith.minsi %min3A_221, %min3A_223 : vector<16xi32>
    %max3A_234 = arith.maxsi %min3A_221, %min3A_223 : vector<16xi32>
    %min3A_235 = arith.minsi %max3A_222, %max3A_224 : vector<16xi32>
    %max3A_236 = arith.maxsi %max3A_222, %max3A_224 : vector<16xi32>
    %min3A_237 = arith.minsi %max3A_204, %max3A_208 : vector<16xi32>
    %max3A_238 = arith.maxsi %max3A_204, %max3A_208 : vector<16xi32>
    %min3A_239 = arith.minsi %min3A_209, %min3A_213 : vector<16xi32>
    %max3A_240 = arith.maxsi %min3A_209, %min3A_213 : vector<16xi32>
    %min3A_241 = arith.minsi %min3A_225, %min3A_227 : vector<16xi32>
    %max3A_242 = arith.maxsi %min3A_225, %min3A_227 : vector<16xi32>
    %min3A_243 = arith.minsi %max3A_226, %max3A_228 : vector<16xi32>
    %max3A_244 = arith.maxsi %max3A_226, %max3A_228 : vector<16xi32>
    %min3A_245 = arith.minsi %max3A_212, %max3A_216 : vector<16xi32>
    %max3A_246 = arith.maxsi %max3A_212, %max3A_216 : vector<16xi32>
    %min3A_247 = arith.minsi %min3A_235, %max3A_232 : vector<16xi32>
    %max3A_248 = arith.maxsi %min3A_235, %max3A_232 : vector<16xi32>
    %min3A_249 = arith.minsi %min3A_237, %max3A_234 : vector<16xi32>
    %max3A_250 = arith.maxsi %min3A_237, %max3A_234 : vector<16xi32>
    %min3A_251 = arith.minsi %min3A_243, %max3A_240 : vector<16xi32>
    %max3A_252 = arith.maxsi %min3A_243, %max3A_240 : vector<16xi32>
    %min3A_253 = arith.minsi %min3A_245, %max3A_242 : vector<16xi32>
    %max3A_254 = arith.maxsi %min3A_245, %max3A_242 : vector<16xi32>
    %min3A_255 = arith.minsi %min3A_233, %min3A_247 : vector<16xi32>
    %max3A_256 = arith.maxsi %min3A_233, %min3A_247 : vector<16xi32>
    %min3A_257 = arith.minsi %min3A_249, %max3A_248 : vector<16xi32>
    %max3A_258 = arith.maxsi %min3A_249, %max3A_248 : vector<16xi32>
    %min3A_259 = arith.minsi %max3A_250, %max3A_236 : vector<16xi32>
    %max3A_260 = arith.maxsi %max3A_250, %max3A_236 : vector<16xi32>
    %min3A_261 = arith.minsi %min3A_241, %min3A_251 : vector<16xi32>
    %max3A_262 = arith.maxsi %min3A_241, %min3A_251 : vector<16xi32>
    %min3A_263 = arith.minsi %min3A_253, %max3A_252 : vector<16xi32>
    %max3A_264 = arith.maxsi %min3A_253, %max3A_252 : vector<16xi32>
    %min3A_265 = arith.minsi %max3A_254, %max3A_244 : vector<16xi32>
    %max3A_266 = arith.maxsi %max3A_254, %max3A_244 : vector<16xi32>
    %min3A_267 = arith.minsi %min3A_229, %max3A_230 : vector<16xi32>
    %max3A_268 = arith.maxsi %min3A_229, %max3A_230 : vector<16xi32>
    %min3A_269 = arith.minsi %min3A_231, %min3A_239 : vector<16xi32>
    %max3A_270 = arith.maxsi %min3A_231, %min3A_239 : vector<16xi32>
    %min3A_271 = arith.minsi %min3A_255, %min3A_261 : vector<16xi32>
    %max3A_272 = arith.maxsi %min3A_255, %min3A_261 : vector<16xi32>
    %min3A_273 = arith.minsi %max3A_256, %max3A_262 : vector<16xi32>
    %max3A_274 = arith.maxsi %max3A_256, %max3A_262 : vector<16xi32>
    %min3A_275 = arith.minsi %min3A_257, %min3A_263 : vector<16xi32>
    %max3A_276 = arith.maxsi %min3A_257, %min3A_263 : vector<16xi32>
    %min3A_277 = arith.minsi %max3A_258, %max3A_264 : vector<16xi32>
    %max3A_278 = arith.maxsi %max3A_258, %max3A_264 : vector<16xi32>
    %min3A_279 = arith.minsi %min3A_259, %min3A_265 : vector<16xi32>
    %max3A_280 = arith.maxsi %min3A_259, %min3A_265 : vector<16xi32>
    %min3A_281 = arith.minsi %max3A_260, %max3A_266 : vector<16xi32>
    %max3A_282 = arith.maxsi %max3A_260, %max3A_266 : vector<16xi32>
    %min3A_283 = arith.minsi %max3A_238, %max3A_246 : vector<16xi32>
    %max3A_284 = arith.maxsi %max3A_238, %max3A_246 : vector<16xi32>
    %min3A_285 = arith.minsi %min3A_277, %max3A_270 : vector<16xi32>
    %max3A_286 = arith.maxsi %min3A_277, %max3A_270 : vector<16xi32>
    %min3A_287 = arith.minsi %min3A_279, %max3A_272 : vector<16xi32>
    %max3A_288 = arith.maxsi %min3A_279, %max3A_272 : vector<16xi32>
    %min3A_289 = arith.minsi %min3A_281, %max3A_274 : vector<16xi32>
    %max3A_290 = arith.maxsi %min3A_281, %max3A_274 : vector<16xi32>
    %min3A_291 = arith.minsi %min3A_283, %max3A_276 : vector<16xi32>
    %max3A_292 = arith.maxsi %min3A_283, %max3A_276 : vector<16xi32>
    %min3A_293 = arith.minsi %min3A_273, %min3A_285 : vector<16xi32>
    %max3A_294 = arith.maxsi %min3A_273, %min3A_285 : vector<16xi32>
    %min3A_295 = arith.minsi %min3A_275, %min3A_287 : vector<16xi32>
    %max3A_296 = arith.maxsi %min3A_275, %min3A_287 : vector<16xi32>
    %min3A_297 = arith.minsi %min3A_289, %max3A_286 : vector<16xi32>
    %max3A_298 = arith.maxsi %min3A_289, %max3A_286 : vector<16xi32>
    %min3A_299 = arith.minsi %min3A_291, %max3A_288 : vector<16xi32>
    %max3A_300 = arith.maxsi %min3A_291, %max3A_288 : vector<16xi32>
    %min3A_301 = arith.minsi %max3A_290, %max3A_278 : vector<16xi32>
    %max3A_302 = arith.maxsi %max3A_290, %max3A_278 : vector<16xi32>
    %min3A_303 = arith.minsi %max3A_292, %max3A_280 : vector<16xi32>
    %max3A_304 = arith.maxsi %max3A_292, %max3A_280 : vector<16xi32>
    %min3A_305 = arith.minsi %min3A_271, %min3A_293 : vector<16xi32>
    %max3A_306 = arith.maxsi %min3A_271, %min3A_293 : vector<16xi32>
    %min3A_307 = arith.minsi %min3A_295, %max3A_294 : vector<16xi32>
    %max3A_308 = arith.maxsi %min3A_295, %max3A_294 : vector<16xi32>
    %min3A_309 = arith.minsi %max3A_296, %min3A_297 : vector<16xi32>
    %max3A_310 = arith.maxsi %max3A_296, %min3A_297 : vector<16xi32>
    %min3A_311 = arith.minsi %min3A_299, %max3A_298 : vector<16xi32>
    %max3A_312 = arith.maxsi %min3A_299, %max3A_298 : vector<16xi32>
    %min3A_313 = arith.minsi %max3A_300, %min3A_301 : vector<16xi32>
    %max3A_314 = arith.maxsi %max3A_300, %min3A_301 : vector<16xi32>
    %min3A_315 = arith.minsi %min3A_303, %max3A_302 : vector<16xi32>
    %max3A_316 = arith.maxsi %min3A_303, %max3A_302 : vector<16xi32>
    %min3A_317 = arith.minsi %max3A_304, %max3A_282 : vector<16xi32>
    %max3A_318 = arith.maxsi %max3A_304, %max3A_282 : vector<16xi32>
    %min3A_319 = arith.minsi %min3A_267, %max3A_268 : vector<16xi32>
    %max3A_320 = arith.maxsi %min3A_267, %max3A_268 : vector<16xi32>
    %min3A_321 = arith.minsi %min3A_269, %min3A_217 : vector<16xi32>
    %max3A_322 = arith.maxsi %min3A_269, %min3A_217 : vector<16xi32>
    %min3A_323 = arith.minsi %min3A_305, %min3A_319 : vector<16xi32>
    %max3A_324 = arith.maxsi %min3A_305, %min3A_319 : vector<16xi32>
    %min3A_325 = arith.minsi %max3A_306, %max3A_320 : vector<16xi32>
    %max3A_326 = arith.maxsi %max3A_306, %max3A_320 : vector<16xi32>
    %min3A_327 = arith.minsi %min3A_307, %max3A_220 : vector<16xi32>
    %max3A_328 = arith.maxsi %min3A_307, %max3A_220 : vector<16xi32>
    %min3A_329 = arith.minsi %max3A_312, %max3A_322 : vector<16xi32>
    %max3A_330 = arith.maxsi %max3A_312, %max3A_322 : vector<16xi32>
    %min3A_331 = arith.minsi %min3A_313, %max3A_324 : vector<16xi32>
    %max3A_332 = arith.maxsi %min3A_313, %max3A_324 : vector<16xi32>
    %min3A_333 = arith.minsi %max3A_314, %max3A_326 : vector<16xi32>
    %max3A_334 = arith.maxsi %max3A_314, %max3A_326 : vector<16xi32>
    %min3A_335 = arith.minsi %min3A_315, %max3A_328 : vector<16xi32>
    %max3A_336 = arith.maxsi %min3A_315, %max3A_328 : vector<16xi32>
    %min3A_337 = arith.minsi %max3A_308, %min3A_329 : vector<16xi32>
    %max3A_338 = arith.maxsi %max3A_308, %min3A_329 : vector<16xi32>
    %min3A_339 = arith.minsi %min3A_309, %min3A_331 : vector<16xi32>
    %max3A_340 = arith.maxsi %min3A_309, %min3A_331 : vector<16xi32>
    %min3A_341 = arith.minsi %max3A_310, %min3A_333 : vector<16xi32>
    %max3A_342 = arith.maxsi %max3A_310, %min3A_333 : vector<16xi32>
    %min3A_343 = arith.minsi %min3A_311, %min3A_335 : vector<16xi32>
    %max3A_344 = arith.maxsi %min3A_311, %min3A_335 : vector<16xi32>
    %min3A_345 = arith.minsi %max3A_316, %max3A_330 : vector<16xi32>
    %max3A_346 = arith.maxsi %max3A_316, %max3A_330 : vector<16xi32>
    %min3A_347 = arith.minsi %min3A_317, %max3A_332 : vector<16xi32>
    %max3A_348 = arith.maxsi %min3A_317, %max3A_332 : vector<16xi32>
    %min3A_349 = arith.minsi %max3A_318, %max3A_334 : vector<16xi32>
    %max3A_350 = arith.maxsi %max3A_318, %max3A_334 : vector<16xi32>
    %min3A_351 = arith.minsi %max3A_284, %max3A_336 : vector<16xi32>
    %max3A_352 = arith.maxsi %max3A_284, %max3A_336 : vector<16xi32>
    %min3A_353 = arith.minsi %min3A_325, %min3A_337 : vector<16xi32>
    %max3A_354 = arith.maxsi %min3A_325, %min3A_337 : vector<16xi32>
    %min3A_355 = arith.minsi %min3A_327, %min3A_339 : vector<16xi32>
    %max3A_356 = arith.maxsi %min3A_327, %min3A_339 : vector<16xi32>
    %min3A_357 = arith.minsi %min3A_341, %max3A_338 : vector<16xi32>
    %max3A_358 = arith.maxsi %min3A_341, %max3A_338 : vector<16xi32>
    %min3A_359 = arith.minsi %min3A_343, %max3A_340 : vector<16xi32>
    %max3A_360 = arith.maxsi %min3A_343, %max3A_340 : vector<16xi32>
    %min3A_361 = arith.minsi %max3A_342, %min3A_345 : vector<16xi32>
    %max3A_362 = arith.maxsi %max3A_342, %min3A_345 : vector<16xi32>
    %min3A_363 = arith.minsi %max3A_344, %min3A_347 : vector<16xi32>
    %max3A_364 = arith.maxsi %max3A_344, %min3A_347 : vector<16xi32>
    %min3A_365 = arith.minsi %min3A_349, %max3A_346 : vector<16xi32>
    %max3A_366 = arith.maxsi %min3A_349, %max3A_346 : vector<16xi32>
    %min3A_367 = arith.minsi %min3A_351, %max3A_348 : vector<16xi32>
    %max3A_368 = arith.maxsi %min3A_351, %max3A_348 : vector<16xi32>
    %min3A_369 = arith.minsi %min3A_323, %min3A_353 : vector<16xi32>
    %max3A_370 = arith.maxsi %min3A_323, %min3A_353 : vector<16xi32>
    %min3A_371 = arith.minsi %min3A_355, %max3A_354 : vector<16xi32>
    %max3A_372 = arith.maxsi %min3A_355, %max3A_354 : vector<16xi32>
    %min3A_373 = arith.minsi %max3A_356, %min3A_357 : vector<16xi32>
    %max3A_374 = arith.maxsi %max3A_356, %min3A_357 : vector<16xi32>
    %min3A_375 = arith.minsi %min3A_359, %max3A_358 : vector<16xi32>
    %max3A_376 = arith.maxsi %min3A_359, %max3A_358 : vector<16xi32>
    %min3A_377 = arith.minsi %max3A_360, %min3A_361 : vector<16xi32>
    %max3A_378 = arith.maxsi %max3A_360, %min3A_361 : vector<16xi32>
    %min3A_379 = arith.minsi %min3A_363, %max3A_362 : vector<16xi32>
    %max3A_380 = arith.maxsi %min3A_363, %max3A_362 : vector<16xi32>
    %min3A_381 = arith.minsi %max3A_364, %min3A_365 : vector<16xi32>
    %max3A_382 = arith.maxsi %max3A_364, %min3A_365 : vector<16xi32>
    %min3A_383 = arith.minsi %min3A_367, %max3A_366 : vector<16xi32>
    %max3A_384 = arith.maxsi %min3A_367, %max3A_366 : vector<16xi32>
    %min3A_385 = arith.minsi %max3A_368, %max3A_350 : vector<16xi32>
    %max3A_386 = arith.maxsi %max3A_368, %max3A_350 : vector<16xi32>
    %swap3A = arith.constant 0 : index
    %swap3A_387 = tpu.vector_load %arg8[%swap3A] {strides = array<i32>} : memref<320xi32, #tpu.memory_space<vmem>>, vector<16xi32>,
    %swap3A_388 = vector.shape_cast %swap3A_387 : vector<16xi32> to vector<16xi32>
    %swap3A_389 = vector.shape_cast %min3A_321 : vector<16xi32> to vector<16xi32>
    tpu.vector_store %arg8[%swap3A], %swap3A_389 {strides = array<i32>} : memref<320xi32, #tpu.memory_space<vmem>>, vector<16xi32>,
    %swap3A_390 = arith.constant 16 : index
    %swap3A_391 = tpu.vector_load %arg8[%swap3A_390] {strides = array<i32>} : memref<320xi32, #tpu.memory_space<vmem>>, vector<16xi32>,
    %swap3A_392 = vector.shape_cast %swap3A_391 : vector<16xi32> to vector<16xi32>
    %swap3A_393 = vector.shape_cast %min3A_369 : vector<16xi32> to vector<16xi32>
    tpu.vector_store %arg8[%swap3A_390], %swap3A_393 {strides = array<i32>} : memref<320xi32, #tpu.memory_space<vmem>>, vector<16xi32>,
    %swap3A_394 = arith.constant 32 : index
    %swap3A_395 = tpu.vector_load %arg8[%swap3A_394] {strides = array<i32>} : memref<320xi32, #tpu.memory_space<vmem>>, vector<16xi32>,
    %swap3A_396 = vector.shape_cast %swap3A_395 : vector<16xi32> to vector<16xi32>
    %swap3A_397 = vector.shape_cast %max3A_370 : vector<16xi32> to vector<16xi32>
    tpu.vector_store %arg8[%swap3A_394], %swap3A_397 {strides = array<i32>} : memref<320xi32, #tpu.memory_space<vmem>>, vector<16xi32>,
    %swap3A_398 = arith.constant 48 : index
    %swap3A_399 = tpu.vector_load %arg8[%swap3A_398] {strides = array<i32>} : memref<320xi32, #tpu.memory_space<vmem>>, vector<16xi32>,
    %swap3A_400 = vector.shape_cast %swap3A_399 : vector<16xi32> to vector<16xi32>
    %swap3A_401 = vector.shape_cast %min3A_371 : vector<16xi32> to vector<16xi32>
    tpu.vector_store %arg8[%swap3A_398], %swap3A_401 {strides = array<i32>} : memref<320xi32, #tpu.memory_space<vmem>>, vector<16xi32>,
    %swap3A_402 = arith.constant 64 : index
    %swap3A_403 = tpu.vector_load %arg8[%swap3A_402] {strides = array<i32>} : memref<320xi32, #tpu.memory_space<vmem>>, vector<16xi32>,
    %swap3A_404 = vector.shape_cast %swap3A_403 : vector<16xi32> to vector<16xi32>
    %swap3A_405 = vector.shape_cast %max3A_372 : vector<16xi32> to vector<16xi32>
    tpu.vector_store %arg8[%swap3A_402], %swap3A_405 {strides = array<i32>} : memref<320xi32, #tpu.memory_space<vmem>>, vector<16xi32>,
    %swap3A_406 = arith.constant 80 : index
    %swap3A_407 = tpu.vector_load %arg8[%swap3A_406] {strides = array<i32>} : memref<320xi32, #tpu.memory_space<vmem>>, vector<16xi32>,
    %swap3A_408 = vector.shape_cast %swap3A_407 : vector<16xi32> to vector<16xi32>
    %swap3A_409 = vector.shape_cast %min3A_373 : vector<16xi32> to vector<16xi32>
    tpu.vector_store %arg8[%swap3A_406], %swap3A_409 {strides = array<i32>} : memref<320xi32, #tpu.memory_space<vmem>>, vector<16xi32>,
    %swap3A_410 = arith.constant 96 : index
    %swap3A_411 = tpu.vector_load %arg8[%swap3A_410] {strides = array<i32>} : memref<320xi32, #tpu.memory_space<vmem>>, vector<16xi32>,
    %swap3A_412 = vector.shape_cast %swap3A_411 : vector<16xi32> to vector<16xi32>
    %swap3A_413 = vector.shape_cast %max3A_374 : vector<16xi32> to vector<16xi32>
    tpu.vector_store %arg8[%swap3A_410], %swap3A_413 {strides = array<i32>} : memref<320xi32, #tpu.memory_space<vmem>>, vector<16xi32>,
    %swap3A_414 = arith.constant 112 : index
    %swap3A_415 = tpu.vector_load %arg8[%swap3A_414] {strides = array<i32>} : memref<320xi32, #tpu.memory_space<vmem>>, vector<16xi32>,
    %swap3A_416 = vector.shape_cast %swap3A_415 : vector<16xi32> to vector<16xi32>
    %swap3A_417 = vector.shape_cast %min3A_375 : vector<16xi32> to vector<16xi32>
    tpu.vector_store %arg8[%swap3A_414], %swap3A_417 {strides = array<i32>} : memref<320xi32, #tpu.memory_space<vmem>>, vector<16xi32>,
    %swap3A_418 = arith.constant 128 : index
    %swap3A_419 = tpu.vector_load %arg8[%swap3A_418] {strides = array<i32>} : memref<320xi32, #tpu.memory_space<vmem>>, vector<16xi32>,
    %swap3A_420 = vector.shape_cast %swap3A_419 : vector<16xi32> to vector<16xi32>
    %swap3A_421 = vector.shape_cast %max3A_376 : vector<16xi32> to vector<16xi32>
    tpu.vector_store %arg8[%swap3A_418], %swap3A_421 {strides = array<i32>} : memref<320xi32, #tpu.memory_space<vmem>>, vector<16xi32>,
    %swap3A_422 = arith.constant 144 : index
    %swap3A_423 = tpu.vector_load %arg8[%swap3A_422] {strides = array<i32>} : memref<320xi32, #tpu.memory_space<vmem>>, vector<16xi32>,
    %swap3A_424 = vector.shape_cast %swap3A_423 : vector<16xi32> to vector<16xi32>
    %swap3A_425 = vector.shape_cast %min3A_377 : vector<16xi32> to vector<16xi32>
    tpu.vector_store %arg8[%swap3A_422], %swap3A_425 {strides = array<i32>} : memref<320xi32, #tpu.memory_space<vmem>>, vector<16xi32>,
    %swap3A_426 = arith.constant 160 : index
    %swap3A_427 = tpu.vector_load %arg8[%swap3A_426] {strides = array<i32>} : memref<320xi32, #tpu.memory_space<vmem>>, vector<16xi32>,
    %swap3A_428 = vector.shape_cast %swap3A_427 : vector<16xi32> to vector<16xi32>
    %swap3A_429 = vector.shape_cast %max3A_378 : vector<16xi32> to vector<16xi32>
    tpu.vector_store %arg8[%swap3A_426], %swap3A_429 {strides = array<i32>} : memref<320xi32, #tpu.memory_space<vmem>>, vector<16xi32>,
    %swap3A_430 = arith.constant 176 : index
    %swap3A_431 = tpu.vector_load %arg8[%swap3A_430] {strides = array<i32>} : memref<320xi32, #tpu.memory_space<vmem>>, vector<16xi32>,
    %swap3A_432 = vector.shape_cast %swap3A_431 : vector<16xi32> to vector<16xi32>
    %swap3A_433 = vector.shape_cast %min3A_379 : vector<16xi32> to vector<16xi32>
    tpu.vector_store %arg8[%swap3A_430], %swap3A_433 {strides = array<i32>} : memref<320xi32, #tpu.memory_space<vmem>>, vector<16xi32>,
    %swap3A_434 = arith.constant 192 : index
    %swap3A_435 = tpu.vector_load %arg8[%swap3A_434] {strides = array<i32>} : memref<320xi32, #tpu.memory_space<vmem>>, vector<16xi32>,
    %swap3A_436 = vector.shape_cast %swap3A_435 : vector<16xi32> to vector<16xi32>
    %swap3A_437 = vector.shape_cast %max3A_380 : vector<16xi32> to vector<16xi32>
    tpu.vector_store %arg8[%swap3A_434], %swap3A_437 {strides = array<i32>} : memref<320xi32, #tpu.memory_space<vmem>>, vector<16xi32>,
    %swap3A_438 = arith.constant 208 : index
    %swap3A_439 = tpu.vector_load %arg8[%swap3A_438] {strides = array<i32>} : memref<320xi32, #tpu.memory_space<vmem>>, vector<16xi32>,
    %swap3A_440 = vector.shape_cast %swap3A_439 : vector<16xi32> to vector<16xi32>
    %swap3A_441 = vector.shape_cast %min3A_381 : vector<16xi32> to vector<16xi32>
    tpu.vector_store %arg8[%swap3A_438], %swap3A_441 {strides = array<i32>} : memref<320xi32, #tpu.memory_space<vmem>>, vector<16xi32>,
    %swap3A_442 = arith.constant 224 : index
    %swap3A_443 = tpu.vector_load %arg8[%swap3A_442] {strides = array<i32>} : memref<320xi32, #tpu.memory_space<vmem>>, vector<16xi32>,
    %swap3A_444 = vector.shape_cast %swap3A_443 : vector<16xi32> to vector<16xi32>
    %swap3A_445 = vector.shape_cast %max3A_382 : vector<16xi32> to vector<16xi32>
    tpu.vector_store %arg8[%swap3A_442], %swap3A_445 {strides = array<i32>} : memref<320xi32, #tpu.memory_space<vmem>>, vector<16xi32>,
    %swap3A_446 = arith.constant 240 : index
    %swap3A_447 = tpu.vector_load %arg8[%swap3A_446] {strides = array<i32>} : memref<320xi32, #tpu.memory_space<vmem>>, vector<16xi32>,
    %swap3A_448 = vector.shape_cast %swap3A_447 : vector<16xi32> to vector<16xi32>
    %swap3A_449 = vector.shape_cast %min3A_383 : vector<16xi32> to vector<16xi32>
    tpu.vector_store %arg8[%swap3A_446], %swap3A_449 {strides = array<i32>} : memref<320xi32, #tpu.memory_space<vmem>>, vector<16xi32>,
    %swap3A_450 = arith.constant 256 : index
    %swap3A_451 = tpu.vector_load %arg8[%swap3A_450] {strides = array<i32>} : memref<320xi32, #tpu.memory_space<vmem>>, vector<16xi32>,
    %swap3A_452 = vector.shape_cast %swap3A_451 : vector<16xi32> to vector<16xi32>
    %swap3A_453 = vector.shape_cast %max3A_384 : vector<16xi32> to vector<16xi32>
    tpu.vector_store %arg8[%swap3A_450], %swap3A_453 {strides = array<i32>} : memref<320xi32, #tpu.memory_space<vmem>>, vector<16xi32>,
    %swap3A_454 = arith.constant 272 : index
    %swap3A_455 = tpu.vector_load %arg8[%swap3A_454] {strides = array<i32>} : memref<320xi32, #tpu.memory_space<vmem>>, vector<16xi32>,
    %swap3A_456 = vector.shape_cast %swap3A_455 : vector<16xi32> to vector<16xi32>
    %swap3A_457 = vector.shape_cast %min3A_385 : vector<16xi32> to vector<16xi32>
    tpu.vector_store %arg8[%swap3A_454], %swap3A_457 {strides = array<i32>} : memref<320xi32, #tpu.memory_space<vmem>>, vector<16xi32>,
    %swap3A_458 = arith.constant 288 : index
    %swap3A_459 = tpu.vector_load %arg8[%swap3A_458] {strides = array<i32>} : memref<320xi32, #tpu.memory_space<vmem>>, vector<16xi32>,
    %swap3A_460 = vector.shape_cast %swap3A_459 : vector<16xi32> to vector<16xi32>
    %swap3A_461 = vector.shape_cast %max3A_386 : vector<16xi32> to vector<16xi32>
    tpu.vector_store %arg8[%swap3A_458], %swap3A_461 {strides = array<i32>} : memref<320xi32, #tpu.memory_space<vmem>>, vector<16xi32>,
    %swap3A_462 = arith.constant 304 : index
    %swap3A_463 = tpu.vector_load %arg8[%swap3A_462] {strides = array<i32>} : memref<320xi32, #tpu.memory_space<vmem>>, vector<16xi32>,
    %swap3A_464 = vector.shape_cast %swap3A_463 : vector<16xi32> to vector<16xi32>
    %swap3A_465 = vector.shape_cast %max3A_352 : vector<16xi32> to vector<16xi32>
    tpu.vector_store %arg8[%swap3A_462], %swap3A_465 {strides = array<i32>} : memref<320xi32, #tpu.memory_space<vmem>>, vector<16xi32>,
    %broadcast_in_dim3A = arith.constant 1 : i32
    %broadcast_in_dim3A_466 = vector.broadcast %broadcast_in_dim3A : i32 to vector<16xi32>
    %broadcast_in_dim3A_467 = arith.constant 0 : i32
    %broadcast_in_dim3A_468 = vector.broadcast %broadcast_in_dim3A_467 : i32 to vector<16xi32>
    %get3A_469 = arith.constant 0 : i32
    %get3A_470 = arith.index_cast %get3A_469 : i32 to index
    %get3A_471 = arith.constant 0 : index
    %get3A_472 = tpu.vector_load %arg7[%get3A_470, %get3A_471] {strides = array<i32>} : memref<8x128xi32, #tpu.memory_space<vmem>>, vector<1x16xi32>,
    %get3A_473 = vector.shape_cast %get3A_472 : vector<1x16xi32> to vector<16xi32>
    %get3A_474 = arith.constant 0 : i32
    %get3A_475 = arith.index_cast %get3A_474 : i32 to index
    %get3A_476 = arith.constant 16 : index
    %get3A_477 = tpu.vector_load %arg7[%get3A_475, %get3A_476] {strides = array<i32>} : memref<8x128xi32, #tpu.memory_space<vmem>>, vector<1x16xi32>,
    %get3A_478 = vector.shape_cast %get3A_477 : vector<1x16xi32> to vector<16xi32>
    %get3A_479 = arith.constant 0 : i32
    %get3A_480 = arith.index_cast %get3A_479 : i32 to index
    %get3A_481 = arith.constant 32 : index
    %get3A_482 = tpu.vector_load %arg7[%get3A_480, %get3A_481] {strides = array<i32>} : memref<8x128xi32, #tpu.memory_space<vmem>>, vector<1x16xi32>,
    %get3A_483 = vector.shape_cast %get3A_482 : vector<1x16xi32> to vector<16xi32>
    %get3A_484 = arith.constant 0 : i32
    %get3A_485 = arith.index_cast %get3A_484 : i32 to index
    %get3A_486 = arith.constant 48 : index
    %get3A_487 = tpu.vector_load %arg7[%get3A_485, %get3A_486] {strides = array<i32>} : memref<8x128xi32, #tpu.memory_space<vmem>>, vector<1x16xi32>,
    %get3A_488 = vector.shape_cast %get3A_487 : vector<1x16xi32> to vector<16xi32>
    %get3A_489 = arith.constant 0 : i32
    %get3A_490 = arith.index_cast %get3A_489 : i32 to index
    %get3A_491 = arith.constant 64 : index
    %get3A_492 = tpu.vector_load %arg7[%get3A_490, %get3A_491] {strides = array<i32>} : memref<8x128xi32, #tpu.memory_space<vmem>>, vector<1x16xi32>,
    %get3A_493 = vector.shape_cast %get3A_492 : vector<1x16xi32> to vector<16xi32>
    %get3A_494 = arith.constant 0 : i32
    %get3A_495 = arith.index_cast %get3A_494 : i32 to index
    %get3A_496 = arith.constant 80 : index
    %get3A_497 = tpu.vector_load %arg7[%get3A_495, %get3A_496] {strides = array<i32>} : memref<8x128xi32, #tpu.memory_space<vmem>>, vector<1x16xi32>,
    %get3A_498 = vector.shape_cast %get3A_497 : vector<1x16xi32> to vector<16xi32>
    %get3A_499 = arith.constant 0 : i32
    %get3A_500 = arith.index_cast %get3A_499 : i32 to index
    %get3A_501 = arith.constant 96 : index
    %get3A_502 = tpu.vector_load %arg7[%get3A_500, %get3A_501] {strides = array<i32>} : memref<8x128xi32, #tpu.memory_space<vmem>>, vector<1x16xi32>,
    %get3A_503 = vector.shape_cast %get3A_502 : vector<1x16xi32> to vector<16xi32>
    %get3A_504 = arith.constant 0 : i32
    %get3A_505 = arith.index_cast %get3A_504 : i32 to index
    %get3A_506 = arith.constant 112 : index
    %get3A_507 = tpu.vector_load %arg7[%get3A_505, %get3A_506] {strides = array<i32>} : memref<8x128xi32, #tpu.memory_space<vmem>>, vector<1x16xi32>,
    %get3A_508 = vector.shape_cast %get3A_507 : vector<1x16xi32> to vector<16xi32>
    %get3A_509 = arith.constant 1 : i32
    %get3A_510 = arith.index_cast %get3A_509 : i32 to index
    %get3A_511 = arith.constant 0 : index
    %get3A_512 = tpu.vector_load %arg7[%get3A_510, %get3A_511] {strides = array<i32>} : memref<8x128xi32, #tpu.memory_space<vmem>>, vector<1x16xi32>,
    %get3A_513 = vector.shape_cast %get3A_512 : vector<1x16xi32> to vector<16xi32>
    %get3A_514 = arith.constant 1 : i32
    %get3A_515 = arith.index_cast %get3A_514 : i32 to index
    %get3A_516 = arith.constant 16 : index
    %get3A_517 = tpu.vector_load %arg7[%get3A_515, %get3A_516] {strides = array<i32>} : memref<8x128xi32, #tpu.memory_space<vmem>>, vector<1x16xi32>,
    %get3A_518 = vector.shape_cast %get3A_517 : vector<1x16xi32> to vector<16xi32>
    %get3A_519 = arith.constant 1 : i32
    %get3A_520 = arith.index_cast %get3A_519 : i32 to index
    %get3A_521 = arith.constant 32 : index
    %get3A_522 = tpu.vector_load %arg7[%get3A_520, %get3A_521] {strides = array<i32>} : memref<8x128xi32, #tpu.memory_space<vmem>>, vector<1x16xi32>,
    %get3A_523 = vector.shape_cast %get3A_522 : vector<1x16xi32> to vector<16xi32>
    %get3A_524 = arith.constant 1 : i32
    %get3A_525 = arith.index_cast %get3A_524 : i32 to index
    %get3A_526 = arith.constant 48 : index
    %get3A_527 = tpu.vector_load %arg7[%get3A_525, %get3A_526] {strides = array<i32>} : memref<8x128xi32, #tpu.memory_space<vmem>>, vector<1x16xi32>,
    %get3A_528 = vector.shape_cast %get3A_527 : vector<1x16xi32> to vector<16xi32>
    %get3A_529 = arith.constant 1 : i32
    %get3A_530 = arith.index_cast %get3A_529 : i32 to index
    %get3A_531 = arith.constant 64 : index
    %get3A_532 = tpu.vector_load %arg7[%get3A_530, %get3A_531] {strides = array<i32>} : memref<8x128xi32, #tpu.memory_space<vmem>>, vector<1x16xi32>,
    %get3A_533 = vector.shape_cast %get3A_532 : vector<1x16xi32> to vector<16xi32>
    %get3A_534 = arith.constant 1 : i32
    %get3A_535 = arith.index_cast %get3A_534 : i32 to index
    %get3A_536 = arith.constant 80 : index
    %get3A_537 = tpu.vector_load %arg7[%get3A_535, %get3A_536] {strides = array<i32>} : memref<8x128xi32, #tpu.memory_space<vmem>>, vector<1x16xi32>,
    %get3A_538 = vector.shape_cast %get3A_537 : vector<1x16xi32> to vector<16xi32>
    %get3A_539 = arith.constant 1 : i32
    %get3A_540 = arith.index_cast %get3A_539 : i32 to index
    %get3A_541 = arith.constant 96 : index
    %get3A_542 = tpu.vector_load %arg7[%get3A_540, %get3A_541] {strides = array<i32>} : memref<8x128xi32, #tpu.memory_space<vmem>>, vector<1x16xi32>,
    %get3A_543 = vector.shape_cast %get3A_542 : vector<1x16xi32> to vector<16xi32>
    %get3A_544 = arith.constant 1 : i32
    %get3A_545 = arith.index_cast %get3A_544 : i32 to index
    %get3A_546 = arith.constant 112 : index
    %get3A_547 = tpu.vector_load %arg7[%get3A_545, %get3A_546] {strides = array<i32>} : memref<8x128xi32, #tpu.memory_space<vmem>>, vector<1x16xi32>,
    %get3A_548 = vector.shape_cast %get3A_547 : vector<1x16xi32> to vector<16xi32>
    %get3A_549 = arith.constant 2 : i32
    %get3A_550 = arith.index_cast %get3A_549 : i32 to index
    %get3A_551 = arith.constant 0 : index
    %get3A_552 = tpu.vector_load %arg7[%get3A_550, %get3A_551] {strides = array<i32>} : memref<8x128xi32, #tpu.memory_space<vmem>>, vector<1x16xi32>,
    %get3A_553 = vector.shape_cast %get3A_552 : vector<1x16xi32> to vector<16xi32>
    %get3A_554 = arith.constant 2 : i32
    %get3A_555 = arith.index_cast %get3A_554 : i32 to index
    %get3A_556 = arith.constant 16 : index
    %get3A_557 = tpu.vector_load %arg7[%get3A_555, %get3A_556] {strides = array<i32>} : memref<8x128xi32, #tpu.memory_space<vmem>>, vector<1x16xi32>,
    %get3A_558 = vector.shape_cast %get3A_557 : vector<1x16xi32> to vector<16xi32>
    %get3A_559 = arith.constant 2 : i32
    %get3A_560 = arith.index_cast %get3A_559 : i32 to index
    %get3A_561 = arith.constant 32 : index
    %get3A_562 = tpu.vector_load %arg7[%get3A_560, %get3A_561] {strides = array<i32>} : memref<8x128xi32, #tpu.memory_space<vmem>>, vector<1x16xi32>,
    %get3A_563 = vector.shape_cast %get3A_562 : vector<1x16xi32> to vector<16xi32>
    %get3A_564 = arith.constant 2 : i32
    %get3A_565 = arith.index_cast %get3A_564 : i32 to index
    %get3A_566 = arith.constant 48 : index
    %get3A_567 = tpu.vector_load %arg7[%get3A_565, %get3A_566] {strides = array<i32>} : memref<8x128xi32, #tpu.memory_space<vmem>>, vector<1x16xi32>,
    %get3A_568 = vector.shape_cast %get3A_567 : vector<1x16xi32> to vector<16xi32>
    %get3A_569 = arith.constant 2 : i32
    %get3A_570 = arith.index_cast %get3A_569 : i32 to index
    %get3A_571 = arith.constant 64 : index
    %get3A_572 = tpu.vector_load %arg7[%get3A_570, %get3A_571] {strides = array<i32>} : memref<8x128xi32, #tpu.memory_space<vmem>>, vector<1x16xi32>,
    %get3A_573 = vector.shape_cast %get3A_572 : vector<1x16xi32> to vector<16xi32>
    %get3A_574 = arith.constant 2 : i32
    %get3A_575 = arith.index_cast %get3A_574 : i32 to index
    %get3A_576 = arith.constant 80 : index
    %get3A_577 = tpu.vector_load %arg7[%get3A_575, %get3A_576] {strides = array<i32>} : memref<8x128xi32, #tpu.memory_space<vmem>>, vector<1x16xi32>,
    %get3A_578 = vector.shape_cast %get3A_577 : vector<1x16xi32> to vector<16xi32>
    %get3A_579 = arith.constant 2 : i32
    %get3A_580 = arith.index_cast %get3A_579 : i32 to index
    %get3A_581 = arith.constant 96 : index
    %get3A_582 = tpu.vector_load %arg7[%get3A_580, %get3A_581] {strides = array<i32>} : memref<8x128xi32, #tpu.memory_space<vmem>>, vector<1x16xi32>,
    %get3A_583 = vector.shape_cast %get3A_582 : vector<1x16xi32> to vector<16xi32>
    %get3A_584 = arith.constant 2 : i32
    %get3A_585 = arith.index_cast %get3A_584 : i32 to index
    %get3A_586 = arith.constant 112 : index
    %get3A_587 = tpu.vector_load %arg7[%get3A_585, %get3A_586] {strides = array<i32>} : memref<8x128xi32, #tpu.memory_space<vmem>>, vector<1x16xi32>,
    %get3A_588 = vector.shape_cast %get3A_587 : vector<1x16xi32> to vector<16xi32>
    %get3A_589 = arith.constant 3 : i32
    %get3A_590 = arith.index_cast %get3A_589 : i32 to index
    %get3A_591 = arith.constant 0 : index
    %get3A_592 = tpu.vector_load %arg7[%get3A_590, %get3A_591] {strides = array<i32>} : memref<8x128xi32, #tpu.memory_space<vmem>>, vector<1x16xi32>,
    %get3A_593 = vector.shape_cast %get3A_592 : vector<1x16xi32> to vector<16xi32>
    %get3A_594 = arith.constant 3 : i32
    %get3A_595 = arith.index_cast %get3A_594 : i32 to index
    %get3A_596 = arith.constant 16 : index
    %get3A_597 = tpu.vector_load %arg7[%get3A_595, %get3A_596] {strides = array<i32>} : memref<8x128xi32, #tpu.memory_space<vmem>>, vector<1x16xi32>,
    %get3A_598 = vector.shape_cast %get3A_597 : vector<1x16xi32> to vector<16xi32>
    %get3A_599 = arith.constant 3 : i32
    %get3A_600 = arith.index_cast %get3A_599 : i32 to index
    %get3A_601 = arith.constant 32 : index
    %get3A_602 = tpu.vector_load %arg7[%get3A_600, %get3A_601] {strides = array<i32>} : memref<8x128xi32, #tpu.memory_space<vmem>>, vector<1x16xi32>,
    %get3A_603 = vector.shape_cast %get3A_602 : vector<1x16xi32> to vector<16xi32>
    %get3A_604 = arith.constant 3 : i32
    %get3A_605 = arith.index_cast %get3A_604 : i32 to index
    %get3A_606 = arith.constant 48 : index
    %get3A_607 = tpu.vector_load %arg7[%get3A_605, %get3A_606] {strides = array<i32>} : memref<8x128xi32, #tpu.memory_space<vmem>>, vector<1x16xi32>,
    %get3A_608 = vector.shape_cast %get3A_607 : vector<1x16xi32> to vector<16xi32>
    %get3A_609 = arith.constant 3 : i32
    %get3A_610 = arith.index_cast %get3A_609 : i32 to index
    %get3A_611 = arith.constant 64 : index
    %get3A_612 = tpu.vector_load %arg7[%get3A_610, %get3A_611] {strides = array<i32>} : memref<8x128xi32, #tpu.memory_space<vmem>>, vector<1x16xi32>,
    %get3A_613 = vector.shape_cast %get3A_612 : vector<1x16xi32> to vector<16xi32>
    %scan3A = arith.constant 0 : i32
    %scan3A_614 = arith.constant 20 : i32
    %scan3A_615 = arith.addi %scan3A, %scan3A_614 : i32
    %scan3A_616 = arith.constant 1 : i32
    %scan3A_617:29 = scf.for %scan3A_1947 = %scan3A to %scan3A_615 step %scan3A_616 iter_args(%scan3A_1948 = %get3A_473, %scan3A_1949 = %get3A_478, %scan3A_1950 = %get3A_483, %scan3A_1951 = %get3A_488, %scan3A_1952 = %get3A_493, %scan3A_1953 = %get3A_498, %scan3A_1954 = %get3A_503, %scan3A_1955 = %get3A_508, %scan3A_1956 = %get3A_513, %scan3A_1957 = %get3A_518, %scan3A_1958 = %get3A_523, %scan3A_1959 = %get3A_528, %scan3A_1960 = %get3A_533, %scan3A_1961 = %get3A_538, %scan3A_1962 = %get3A_543, %scan3A_1963 = %get3A_548, %scan3A_1964 = %get3A_553, %scan3A_1965 = %get3A_558, %scan3A_1966 = %get3A_563, %scan3A_1967 = %get3A_568, %scan3A_1968 = %get3A_573, %scan3A_1969 = %get3A_578, %scan3A_1970 = %get3A_583, %scan3A_1971 = %get3A_588, %scan3A_1972 = %get3A_593, %scan3A_1973 = %get3A_598, %scan3A_1974 = %get3A_603, %scan3A_1975 = %get3A_608, %scan3A_1976 = %get3A_613) -> (vector<16xi32>, vector<16xi32>, vector<16xi32>, vector<16xi32>, vector<16xi32>, vector<16xi32>, vector<16xi32>, vector<16xi32>, vector<16xi32>, vector<16xi32>, vector<16xi32>, vector<16xi32>, vector<16xi32>, vector<16xi32>, vector<16xi32>, vector<16xi32>, vector<16xi32>, vector<16xi32>, vector<16xi32>, vector<16xi32>, vector<16xi32>, vector<16xi32>, vector<16xi32>, vector<16xi32>, vector<16xi32>, vector<16xi32>, vector<16xi32>, vector<16xi32>, vector<16xi32>)  : i32 {
      %mul3A_1977 = arith.constant 16 : i32
      %mul3A_1978 = arith.muli %scan3A_1947, %mul3A_1977 : i32
      %get3A_1979 = arith.index_cast %mul3A_1978 : i32 to index
      %get3A_1980 = tpu.vector_load %arg8[%get3A_1979] {strides = array<i32>} : memref<320xi32, #tpu.memory_space<vmem>>, vector<16xi32>,
      %get3A_1981 = vector.shape_cast %get3A_1980 : vector<16xi32> to vector<16xi32>
      %ge3A = arith.cmpi sge, %scan3A_1948, %get3A_1981 : vector<16xi32>
      %select_n3A_1982 = arith.select %ge3A, %broadcast_in_dim3A_466, %broadcast_in_dim3A_468 : vector<16xi1>, vector<16xi32>
      %add3A_1983 = arith.addi %scan3A_1948, %select_n3A_1982 : vector<16xi32>
      %ge3A_1984 = arith.cmpi sge, %scan3A_1949, %get3A_1981 : vector<16xi32>
      %select_n3A_1985 = arith.select %ge3A_1984, %broadcast_in_dim3A_466, %broadcast_in_dim3A_468 : vector<16xi1>, vector<16xi32>
      %add3A_1986 = arith.addi %scan3A_1949, %select_n3A_1985 : vector<16xi32>
      %ge3A_1987 = arith.cmpi sge, %scan3A_1950, %get3A_1981 : vector<16xi32>
      %select_n3A_1988 = arith.select %ge3A_1987, %broadcast_in_dim3A_466, %broadcast_in_dim3A_468 : vector<16xi1>, vector<16xi32>
      %add3A_1989 = arith.addi %scan3A_1950, %select_n3A_1988 : vector<16xi32>
      %ge3A_1990 = arith.cmpi sge, %scan3A_1951, %get3A_1981 : vector<16xi32>
      %select_n3A_1991 = arith.select %ge3A_1990, %broadcast_in_dim3A_466, %broadcast_in_dim3A_468 : vector<16xi1>, vector<16xi32>
      %add3A_1992 = arith.addi %scan3A_1951, %select_n3A_1991 : vector<16xi32>
      %ge3A_1993 = arith.cmpi sge, %scan3A_1952, %get3A_1981 : vector<16xi32>
      %select_n3A_1994 = arith.select %ge3A_1993, %broadcast_in_dim3A_466, %broadcast_in_dim3A_468 : vector<16xi1>, vector<16xi32>
      %add3A_1995 = arith.addi %scan3A_1952, %select_n3A_1994 : vector<16xi32>
      %ge3A_1996 = arith.cmpi sge, %scan3A_1953, %get3A_1981 : vector<16xi32>
      %select_n3A_1997 = arith.select %ge3A_1996, %broadcast_in_dim3A_466, %broadcast_in_dim3A_468 : vector<16xi1>, vector<16xi32>
      %add3A_1998 = arith.addi %scan3A_1953, %select_n3A_1997 : vector<16xi32>
      %ge3A_1999 = arith.cmpi sge, %scan3A_1954, %get3A_1981 : vector<16xi32>
      %select_n3A_2000 = arith.select %ge3A_1999, %broadcast_in_dim3A_466, %broadcast_in_dim3A_468 : vector<16xi1>, vector<16xi32>
      %add3A_2001 = arith.addi %scan3A_1954, %select_n3A_2000 : vector<16xi32>
      %ge3A_2002 = arith.cmpi sge, %scan3A_1955, %get3A_1981 : vector<16xi32>
      %select_n3A_2003 = arith.select %ge3A_2002, %broadcast_in_dim3A_466, %broadcast_in_dim3A_468 : vector<16xi1>, vector<16xi32>
      %add3A_2004 = arith.addi %scan3A_1955, %select_n3A_2003 : vector<16xi32>
      %ge3A_2005 = arith.cmpi sge, %scan3A_1956, %get3A_1981 : vector<16xi32>
      %select_n3A_2006 = arith.select %ge3A_2005, %broadcast_in_dim3A_466, %broadcast_in_dim3A_468 : vector<16xi1>, vector<16xi32>
      %add3A_2007 = arith.addi %scan3A_1956, %select_n3A_2006 : vector<16xi32>
      %ge3A_2008 = arith.cmpi sge, %scan3A_1957, %get3A_1981 : vector<16xi32>
      %select_n3A_2009 = arith.select %ge3A_2008, %broadcast_in_dim3A_466, %broadcast_in_dim3A_468 : vector<16xi1>, vector<16xi32>
      %add3A_2010 = arith.addi %scan3A_1957, %select_n3A_2009 : vector<16xi32>
      %ge3A_2011 = arith.cmpi sge, %scan3A_1958, %get3A_1981 : vector<16xi32>
      %select_n3A_2012 = arith.select %ge3A_2011, %broadcast_in_dim3A_466, %broadcast_in_dim3A_468 : vector<16xi1>, vector<16xi32>
      %add3A_2013 = arith.addi %scan3A_1958, %select_n3A_2012 : vector<16xi32>
      %ge3A_2014 = arith.cmpi sge, %scan3A_1959, %get3A_1981 : vector<16xi32>
      %select_n3A_2015 = arith.select %ge3A_2014, %broadcast_in_dim3A_466, %broadcast_in_dim3A_468 : vector<16xi1>, vector<16xi32>
      %add3A_2016 = arith.addi %scan3A_1959, %select_n3A_2015 : vector<16xi32>
      %ge3A_2017 = arith.cmpi sge, %scan3A_1960, %get3A_1981 : vector<16xi32>
      %select_n3A_2018 = arith.select %ge3A_2017, %broadcast_in_dim3A_466, %broadcast_in_dim3A_468 : vector<16xi1>, vector<16xi32>
      %add3A_2019 = arith.addi %scan3A_1960, %select_n3A_2018 : vector<16xi32>
      %ge3A_2020 = arith.cmpi sge, %scan3A_1961, %get3A_1981 : vector<16xi32>
      %select_n3A_2021 = arith.select %ge3A_2020, %broadcast_in_dim3A_466, %broadcast_in_dim3A_468 : vector<16xi1>, vector<16xi32>
      %add3A_2022 = arith.addi %scan3A_1961, %select_n3A_2021 : vector<16xi32>
      %ge3A_2023 = arith.cmpi sge, %scan3A_1962, %get3A_1981 : vector<16xi32>
      %select_n3A_2024 = arith.select %ge3A_2023, %broadcast_in_dim3A_466, %broadcast_in_dim3A_468 : vector<16xi1>, vector<16xi32>
      %add3A_2025 = arith.addi %scan3A_1962, %select_n3A_2024 : vector<16xi32>
      %ge3A_2026 = arith.cmpi sge, %scan3A_1963, %get3A_1981 : vector<16xi32>
      %select_n3A_2027 = arith.select %ge3A_2026, %broadcast_in_dim3A_466, %broadcast_in_dim3A_468 : vector<16xi1>, vector<16xi32>
      %add3A_2028 = arith.addi %scan3A_1963, %select_n3A_2027 : vector<16xi32>
      %ge3A_2029 = arith.cmpi sge, %scan3A_1964, %get3A_1981 : vector<16xi32>
      %select_n3A_2030 = arith.select %ge3A_2029, %broadcast_in_dim3A_466, %broadcast_in_dim3A_468 : vector<16xi1>, vector<16xi32>
      %add3A_2031 = arith.addi %scan3A_1964, %select_n3A_2030 : vector<16xi32>
      %ge3A_2032 = arith.cmpi sge, %scan3A_1965, %get3A_1981 : vector<16xi32>
      %select_n3A_2033 = arith.select %ge3A_2032, %broadcast_in_dim3A_466, %broadcast_in_dim3A_468 : vector<16xi1>, vector<16xi32>
      %add3A_2034 = arith.addi %scan3A_1965, %select_n3A_2033 : vector<16xi32>
      %ge3A_2035 = arith.cmpi sge, %scan3A_1966, %get3A_1981 : vector<16xi32>
      %select_n3A_2036 = arith.select %ge3A_2035, %broadcast_in_dim3A_466, %broadcast_in_dim3A_468 : vector<16xi1>, vector<16xi32>
      %add3A_2037 = arith.addi %scan3A_1966, %select_n3A_2036 : vector<16xi32>
      %ge3A_2038 = arith.cmpi sge, %scan3A_1967, %get3A_1981 : vector<16xi32>
      %select_n3A_2039 = arith.select %ge3A_2038, %broadcast_in_dim3A_466, %broadcast_in_dim3A_468 : vector<16xi1>, vector<16xi32>
      %add3A_2040 = arith.addi %scan3A_1967, %select_n3A_2039 : vector<16xi32>
      %ge3A_2041 = arith.cmpi sge, %scan3A_1968, %get3A_1981 : vector<16xi32>
      %select_n3A_2042 = arith.select %ge3A_2041, %broadcast_in_dim3A_466, %broadcast_in_dim3A_468 : vector<16xi1>, vector<16xi32>
      %add3A_2043 = arith.addi %scan3A_1968, %select_n3A_2042 : vector<16xi32>
      %ge3A_2044 = arith.cmpi sge, %scan3A_1969, %get3A_1981 : vector<16xi32>
      %select_n3A_2045 = arith.select %ge3A_2044, %broadcast_in_dim3A_466, %broadcast_in_dim3A_468 : vector<16xi1>, vector<16xi32>
      %add3A_2046 = arith.addi %scan3A_1969, %select_n3A_2045 : vector<16xi32>
      %ge3A_2047 = arith.cmpi sge, %scan3A_1970, %get3A_1981 : vector<16xi32>
      %select_n3A_2048 = arith.select %ge3A_2047, %broadcast_in_dim3A_466, %broadcast_in_dim3A_468 : vector<16xi1>, vector<16xi32>
      %add3A_2049 = arith.addi %scan3A_1970, %select_n3A_2048 : vector<16xi32>
      %ge3A_2050 = arith.cmpi sge, %scan3A_1971, %get3A_1981 : vector<16xi32>
      %select_n3A_2051 = arith.select %ge3A_2050, %broadcast_in_dim3A_466, %broadcast_in_dim3A_468 : vector<16xi1>, vector<16xi32>
      %add3A_2052 = arith.addi %scan3A_1971, %select_n3A_2051 : vector<16xi32>
      %ge3A_2053 = arith.cmpi sge, %scan3A_1972, %get3A_1981 : vector<16xi32>
      %select_n3A_2054 = arith.select %ge3A_2053, %broadcast_in_dim3A_466, %broadcast_in_dim3A_468 : vector<16xi1>, vector<16xi32>
      %add3A_2055 = arith.addi %scan3A_1972, %select_n3A_2054 : vector<16xi32>
      %ge3A_2056 = arith.cmpi sge, %scan3A_1973, %get3A_1981 : vector<16xi32>
      %select_n3A_2057 = arith.select %ge3A_2056, %broadcast_in_dim3A_466, %broadcast_in_dim3A_468 : vector<16xi1>, vector<16xi32>
      %add3A_2058 = arith.addi %scan3A_1973, %select_n3A_2057 : vector<16xi32>
      %ge3A_2059 = arith.cmpi sge, %scan3A_1974, %get3A_1981 : vector<16xi32>
      %select_n3A_2060 = arith.select %ge3A_2059, %broadcast_in_dim3A_466, %broadcast_in_dim3A_468 : vector<16xi1>, vector<16xi32>
      %add3A_2061 = arith.addi %scan3A_1974, %select_n3A_2060 : vector<16xi32>
      %ge3A_2062 = arith.cmpi sge, %scan3A_1975, %get3A_1981 : vector<16xi32>
      %select_n3A_2063 = arith.select %ge3A_2062, %broadcast_in_dim3A_466, %broadcast_in_dim3A_468 : vector<16xi1>, vector<16xi32>
      %add3A_2064 = arith.addi %scan3A_1975, %select_n3A_2063 : vector<16xi32>
      %ge3A_2065 = arith.cmpi sge, %scan3A_1976, %get3A_1981 : vector<16xi32>
      %select_n3A_2066 = arith.select %ge3A_2065, %broadcast_in_dim3A_466, %broadcast_in_dim3A_468 : vector<16xi1>, vector<16xi32>
      %add3A_2067 = arith.addi %scan3A_1976, %select_n3A_2066 : vector<16xi32>
      scf.yield %add3A_1983, %add3A_1986, %add3A_1989, %add3A_1992, %add3A_1995, %add3A_1998, %add3A_2001, %add3A_2004, %add3A_2007, %add3A_2010, %add3A_2013, %add3A_2016, %add3A_2019, %add3A_2022, %add3A_2025, %add3A_2028, %add3A_2031, %add3A_2034, %add3A_2037, %add3A_2040, %add3A_2043, %add3A_2046, %add3A_2049, %add3A_2052, %add3A_2055, %add3A_2058, %add3A_2061, %add3A_2064, %add3A_2067 : vector<16xi32>, vector<16xi32>, vector<16xi32>, vector<16xi32>, vector<16xi32>, vector<16xi32>, vector<16xi32>, vector<16xi32>, vector<16xi32>, vector<16xi32>, vector<16xi32>, vector<16xi32>, vector<16xi32>, vector<16xi32>, vector<16xi32>, vector<16xi32>, vector<16xi32>, vector<16xi32>, vector<16xi32>, vector<16xi32>, vector<16xi32>, vector<16xi32>, vector<16xi32>, vector<16xi32>, vector<16xi32>, vector<16xi32>, vector<16xi32>, vector<16xi32>, vector<16xi32>
    }
    %scan3A_618 = arith.constant 20 : i32
    %swap3A_619 = arith.constant 0 : index
    %swap3A_620 = tpu.vector_load %arg9[%swap3A_619] {strides = array<i32>} : memref<480xi32, #tpu.memory_space<vmem>>, vector<16xi32>,
    %swap3A_621 = vector.shape_cast %swap3A_620 : vector<16xi32> to vector<16xi32>
    %swap3A_622 = vector.shape_cast %get3A_182 : vector<16xi32> to vector<16xi32>
    tpu.vector_store %arg9[%swap3A_619], %swap3A_622 {strides = array<i32>} : memref<480xi32, #tpu.memory_space<vmem>>, vector<16xi32>,
    %swap3A_623 = arith.constant 16 : index
    %swap3A_624 = tpu.vector_load %arg9[%swap3A_623] {strides = array<i32>} : memref<480xi32, #tpu.memory_space<vmem>>, vector<16xi32>,
    %swap3A_625 = vector.shape_cast %swap3A_624 : vector<16xi32> to vector<16xi32>
    %swap3A_626 = vector.shape_cast %scan3A_617#0 : vector<16xi32> to vector<16xi32>
    tpu.vector_store %arg9[%swap3A_623], %swap3A_626 {strides = array<i32>} : memref<480xi32, #tpu.memory_space<vmem>>, vector<16xi32>,
    %swap3A_627 = arith.constant 32 : index
    %swap3A_628 = tpu.vector_load %arg9[%swap3A_627] {strides = array<i32>} : memref<480xi32, #tpu.memory_space<vmem>>, vector<16xi32>,
    %swap3A_629 = vector.shape_cast %swap3A_628 : vector<16xi32> to vector<16xi32>
    %swap3A_630 = vector.shape_cast %scan3A_617#1 : vector<16xi32> to vector<16xi32>
    tpu.vector_store %arg9[%swap3A_627], %swap3A_630 {strides = array<i32>} : memref<480xi32, #tpu.memory_space<vmem>>, vector<16xi32>,
    %swap3A_631 = arith.constant 48 : index
    %swap3A_632 = tpu.vector_load %arg9[%swap3A_631] {strides = array<i32>} : memref<480xi32, #tpu.memory_space<vmem>>, vector<16xi32>,
    %swap3A_633 = vector.shape_cast %swap3A_632 : vector<16xi32> to vector<16xi32>
    %swap3A_634 = vector.shape_cast %scan3A_617#2 : vector<16xi32> to vector<16xi32>
    tpu.vector_store %arg9[%swap3A_631], %swap3A_634 {strides = array<i32>} : memref<480xi32, #tpu.memory_space<vmem>>, vector<16xi32>,
    %swap3A_635 = arith.constant 64 : index
    %swap3A_636 = tpu.vector_load %arg9[%swap3A_635] {strides = array<i32>} : memref<480xi32, #tpu.memory_space<vmem>>, vector<16xi32>,
    %swap3A_637 = vector.shape_cast %swap3A_636 : vector<16xi32> to vector<16xi32>
    %swap3A_638 = vector.shape_cast %scan3A_617#3 : vector<16xi32> to vector<16xi32>
    tpu.vector_store %arg9[%swap3A_635], %swap3A_638 {strides = array<i32>} : memref<480xi32, #tpu.memory_space<vmem>>, vector<16xi32>,
    %swap3A_639 = arith.constant 80 : index
    %swap3A_640 = tpu.vector_load %arg9[%swap3A_639] {strides = array<i32>} : memref<480xi32, #tpu.memory_space<vmem>>, vector<16xi32>,
    %swap3A_641 = vector.shape_cast %swap3A_640 : vector<16xi32> to vector<16xi32>
    %swap3A_642 = vector.shape_cast %scan3A_617#4 : vector<16xi32> to vector<16xi32>
    tpu.vector_store %arg9[%swap3A_639], %swap3A_642 {strides = array<i32>} : memref<480xi32, #tpu.memory_space<vmem>>, vector<16xi32>,
    %swap3A_643 = arith.constant 96 : index
    %swap3A_644 = tpu.vector_load %arg9[%swap3A_643] {strides = array<i32>} : memref<480xi32, #tpu.memory_space<vmem>>, vector<16xi32>,
    %swap3A_645 = vector.shape_cast %swap3A_644 : vector<16xi32> to vector<16xi32>
    %swap3A_646 = vector.shape_cast %scan3A_617#5 : vector<16xi32> to vector<16xi32>
    tpu.vector_store %arg9[%swap3A_643], %swap3A_646 {strides = array<i32>} : memref<480xi32, #tpu.memory_space<vmem>>, vector<16xi32>,
    %swap3A_647 = arith.constant 112 : index
    %swap3A_648 = tpu.vector_load %arg9[%swap3A_647] {strides = array<i32>} : memref<480xi32, #tpu.memory_space<vmem>>, vector<16xi32>,
    %swap3A_649 = vector.shape_cast %swap3A_648 : vector<16xi32> to vector<16xi32>
    %swap3A_650 = vector.shape_cast %scan3A_617#6 : vector<16xi32> to vector<16xi32>
    tpu.vector_store %arg9[%swap3A_647], %swap3A_650 {strides = array<i32>} : memref<480xi32, #tpu.memory_space<vmem>>, vector<16xi32>,
    %swap3A_651 = arith.constant 128 : index
    %swap3A_652 = tpu.vector_load %arg9[%swap3A_651] {strides = array<i32>} : memref<480xi32, #tpu.memory_space<vmem>>, vector<16xi32>,
    %swap3A_653 = vector.shape_cast %swap3A_652 : vector<16xi32> to vector<16xi32>
    %swap3A_654 = vector.shape_cast %scan3A_617#7 : vector<16xi32> to vector<16xi32>
    tpu.vector_store %arg9[%swap3A_651], %swap3A_654 {strides = array<i32>} : memref<480xi32, #tpu.memory_space<vmem>>, vector<16xi32>,
    %swap3A_655 = arith.constant 144 : index
    %swap3A_656 = tpu.vector_load %arg9[%swap3A_655] {strides = array<i32>} : memref<480xi32, #tpu.memory_space<vmem>>, vector<16xi32>,
    %swap3A_657 = vector.shape_cast %swap3A_656 : vector<16xi32> to vector<16xi32>
    %swap3A_658 = vector.shape_cast %scan3A_617#8 : vector<16xi32> to vector<16xi32>
    tpu.vector_store %arg9[%swap3A_655], %swap3A_658 {strides = array<i32>} : memref<480xi32, #tpu.memory_space<vmem>>, vector<16xi32>,
    %swap3A_659 = arith.constant 160 : index
    %swap3A_660 = tpu.vector_load %arg9[%swap3A_659] {strides = array<i32>} : memref<480xi32, #tpu.memory_space<vmem>>, vector<16xi32>,
    %swap3A_661 = vector.shape_cast %swap3A_660 : vector<16xi32> to vector<16xi32>
    %swap3A_662 = vector.shape_cast %scan3A_617#9 : vector<16xi32> to vector<16xi32>
    tpu.vector_store %arg9[%swap3A_659], %swap3A_662 {strides = array<i32>} : memref<480xi32, #tpu.memory_space<vmem>>, vector<16xi32>,
    %swap3A_663 = arith.constant 176 : index
    %swap3A_664 = tpu.vector_load %arg9[%swap3A_663] {strides = array<i32>} : memref<480xi32, #tpu.memory_space<vmem>>, vector<16xi32>,
    %swap3A_665 = vector.shape_cast %swap3A_664 : vector<16xi32> to vector<16xi32>
    %swap3A_666 = vector.shape_cast %scan3A_617#10 : vector<16xi32> to vector<16xi32>
    tpu.vector_store %arg9[%swap3A_663], %swap3A_666 {strides = array<i32>} : memref<480xi32, #tpu.memory_space<vmem>>, vector<16xi32>,
    %swap3A_667 = arith.constant 192 : index
    %swap3A_668 = tpu.vector_load %arg9[%swap3A_667] {strides = array<i32>} : memref<480xi32, #tpu.memory_space<vmem>>, vector<16xi32>,
    %swap3A_669 = vector.shape_cast %swap3A_668 : vector<16xi32> to vector<16xi32>
    %swap3A_670 = vector.shape_cast %scan3A_617#11 : vector<16xi32> to vector<16xi32>
    tpu.vector_store %arg9[%swap3A_667], %swap3A_670 {strides = array<i32>} : memref<480xi32, #tpu.memory_space<vmem>>, vector<16xi32>,
    %swap3A_671 = arith.constant 208 : index
    %swap3A_672 = tpu.vector_load %arg9[%swap3A_671] {strides = array<i32>} : memref<480xi32, #tpu.memory_space<vmem>>, vector<16xi32>,
    %swap3A_673 = vector.shape_cast %swap3A_672 : vector<16xi32> to vector<16xi32>
    %swap3A_674 = vector.shape_cast %scan3A_617#12 : vector<16xi32> to vector<16xi32>
    tpu.vector_store %arg9[%swap3A_671], %swap3A_674 {strides = array<i32>} : memref<480xi32, #tpu.memory_space<vmem>>, vector<16xi32>,
    %swap3A_675 = arith.constant 224 : index
    %swap3A_676 = tpu.vector_load %arg9[%swap3A_675] {strides = array<i32>} : memref<480xi32, #tpu.memory_space<vmem>>, vector<16xi32>,
    %swap3A_677 = vector.shape_cast %swap3A_676 : vector<16xi32> to vector<16xi32>
    %swap3A_678 = vector.shape_cast %scan3A_617#13 : vector<16xi32> to vector<16xi32>
    tpu.vector_store %arg9[%swap3A_675], %swap3A_678 {strides = array<i32>} : memref<480xi32, #tpu.memory_space<vmem>>, vector<16xi32>,
    %swap3A_679 = arith.constant 240 : index
    %swap3A_680 = tpu.vector_load %arg9[%swap3A_679] {strides = array<i32>} : memref<480xi32, #tpu.memory_space<vmem>>, vector<16xi32>,
    %swap3A_681 = vector.shape_cast %swap3A_680 : vector<16xi32> to vector<16xi32>
    %swap3A_682 = vector.shape_cast %scan3A_617#14 : vector<16xi32> to vector<16xi32>
    tpu.vector_store %arg9[%swap3A_679], %swap3A_682 {strides = array<i32>} : memref<480xi32, #tpu.memory_space<vmem>>, vector<16xi32>,
    %swap3A_683 = arith.constant 256 : index
    %swap3A_684 = tpu.vector_load %arg9[%swap3A_683] {strides = array<i32>} : memref<480xi32, #tpu.memory_space<vmem>>, vector<16xi32>,
    %swap3A_685 = vector.shape_cast %swap3A_684 : vector<16xi32> to vector<16xi32>
    %swap3A_686 = vector.shape_cast %scan3A_617#15 : vector<16xi32> to vector<16xi32>
    tpu.vector_store %arg9[%swap3A_683], %swap3A_686 {strides = array<i32>} : memref<480xi32, #tpu.memory_space<vmem>>, vector<16xi32>,
    %swap3A_687 = arith.constant 272 : index
    %swap3A_688 = tpu.vector_load %arg9[%swap3A_687] {strides = array<i32>} : memref<480xi32, #tpu.memory_space<vmem>>, vector<16xi32>,
    %swap3A_689 = vector.shape_cast %swap3A_688 : vector<16xi32> to vector<16xi32>
    %swap3A_690 = vector.shape_cast %scan3A_617#16 : vector<16xi32> to vector<16xi32>
    tpu.vector_store %arg9[%swap3A_687], %swap3A_690 {strides = array<i32>} : memref<480xi32, #tpu.memory_space<vmem>>, vector<16xi32>,
    %swap3A_691 = arith.constant 288 : index
    %swap3A_692 = tpu.vector_load %arg9[%swap3A_691] {strides = array<i32>} : memref<480xi32, #tpu.memory_space<vmem>>, vector<16xi32>,
    %swap3A_693 = vector.shape_cast %swap3A_692 : vector<16xi32> to vector<16xi32>
    %swap3A_694 = vector.shape_cast %scan3A_617#17 : vector<16xi32> to vector<16xi32>
    tpu.vector_store %arg9[%swap3A_691], %swap3A_694 {strides = array<i32>} : memref<480xi32, #tpu.memory_space<vmem>>, vector<16xi32>,
    %swap3A_695 = arith.constant 304 : index
    %swap3A_696 = tpu.vector_load %arg9[%swap3A_695] {strides = array<i32>} : memref<480xi32, #tpu.memory_space<vmem>>, vector<16xi32>,
    %swap3A_697 = vector.shape_cast %swap3A_696 : vector<16xi32> to vector<16xi32>
    %swap3A_698 = vector.shape_cast %scan3A_617#18 : vector<16xi32> to vector<16xi32>
    tpu.vector_store %arg9[%swap3A_695], %swap3A_698 {strides = array<i32>} : memref<480xi32, #tpu.memory_space<vmem>>, vector<16xi32>,
    %swap3A_699 = arith.constant 320 : index
    %swap3A_700 = tpu.vector_load %arg9[%swap3A_699] {strides = array<i32>} : memref<480xi32, #tpu.memory_space<vmem>>, vector<16xi32>,
    %swap3A_701 = vector.shape_cast %swap3A_700 : vector<16xi32> to vector<16xi32>
    %swap3A_702 = vector.shape_cast %scan3A_617#19 : vector<16xi32> to vector<16xi32>
    tpu.vector_store %arg9[%swap3A_699], %swap3A_702 {strides = array<i32>} : memref<480xi32, #tpu.memory_space<vmem>>, vector<16xi32>,
    %swap3A_703 = arith.constant 336 : index
    %swap3A_704 = tpu.vector_load %arg9[%swap3A_703] {strides = array<i32>} : memref<480xi32, #tpu.memory_space<vmem>>, vector<16xi32>,
    %swap3A_705 = vector.shape_cast %swap3A_704 : vector<16xi32> to vector<16xi32>
    %swap3A_706 = vector.shape_cast %scan3A_617#20 : vector<16xi32> to vector<16xi32>
    tpu.vector_store %arg9[%swap3A_703], %swap3A_706 {strides = array<i32>} : memref<480xi32, #tpu.memory_space<vmem>>, vector<16xi32>,
    %swap3A_707 = arith.constant 352 : index
    %swap3A_708 = tpu.vector_load %arg9[%swap3A_707] {strides = array<i32>} : memref<480xi32, #tpu.memory_space<vmem>>, vector<16xi32>,
    %swap3A_709 = vector.shape_cast %swap3A_708 : vector<16xi32> to vector<16xi32>
    %swap3A_710 = vector.shape_cast %scan3A_617#21 : vector<16xi32> to vector<16xi32>
    tpu.vector_store %arg9[%swap3A_707], %swap3A_710 {strides = array<i32>} : memref<480xi32, #tpu.memory_space<vmem>>, vector<16xi32>,
    %swap3A_711 = arith.constant 368 : index
    %swap3A_712 = tpu.vector_load %arg9[%swap3A_711] {strides = array<i32>} : memref<480xi32, #tpu.memory_space<vmem>>, vector<16xi32>,
    %swap3A_713 = vector.shape_cast %swap3A_712 : vector<16xi32> to vector<16xi32>
    %swap3A_714 = vector.shape_cast %scan3A_617#22 : vector<16xi32> to vector<16xi32>
    tpu.vector_store %arg9[%swap3A_711], %swap3A_714 {strides = array<i32>} : memref<480xi32, #tpu.memory_space<vmem>>, vector<16xi32>,
    %swap3A_715 = arith.constant 384 : index
    %swap3A_716 = tpu.vector_load %arg9[%swap3A_715] {strides = array<i32>} : memref<480xi32, #tpu.memory_space<vmem>>, vector<16xi32>,
    %swap3A_717 = vector.shape_cast %swap3A_716 : vector<16xi32> to vector<16xi32>
    %swap3A_718 = vector.shape_cast %scan3A_617#23 : vector<16xi32> to vector<16xi32>
    tpu.vector_store %arg9[%swap3A_715], %swap3A_718 {strides = array<i32>} : memref<480xi32, #tpu.memory_space<vmem>>, vector<16xi32>,
    %swap3A_719 = arith.constant 400 : index
    %swap3A_720 = tpu.vector_load %arg9[%swap3A_719] {strides = array<i32>} : memref<480xi32, #tpu.memory_space<vmem>>, vector<16xi32>,
    %swap3A_721 = vector.shape_cast %swap3A_720 : vector<16xi32> to vector<16xi32>
    %swap3A_722 = vector.shape_cast %scan3A_617#24 : vector<16xi32> to vector<16xi32>
    tpu.vector_store %arg9[%swap3A_719], %swap3A_722 {strides = array<i32>} : memref<480xi32, #tpu.memory_space<vmem>>, vector<16xi32>,
    %swap3A_723 = arith.constant 416 : index
    %swap3A_724 = tpu.vector_load %arg9[%swap3A_723] {strides = array<i32>} : memref<480xi32, #tpu.memory_space<vmem>>, vector<16xi32>,
    %swap3A_725 = vector.shape_cast %swap3A_724 : vector<16xi32> to vector<16xi32>
    %swap3A_726 = vector.shape_cast %scan3A_617#25 : vector<16xi32> to vector<16xi32>
    tpu.vector_store %arg9[%swap3A_723], %swap3A_726 {strides = array<i32>} : memref<480xi32, #tpu.memory_space<vmem>>, vector<16xi32>,
    %swap3A_727 = arith.constant 432 : index
    %swap3A_728 = tpu.vector_load %arg9[%swap3A_727] {strides = array<i32>} : memref<480xi32, #tpu.memory_space<vmem>>, vector<16xi32>,
    %swap3A_729 = vector.shape_cast %swap3A_728 : vector<16xi32> to vector<16xi32>
    %swap3A_730 = vector.shape_cast %scan3A_617#26 : vector<16xi32> to vector<16xi32>
    tpu.vector_store %arg9[%swap3A_727], %swap3A_730 {strides = array<i32>} : memref<480xi32, #tpu.memory_space<vmem>>, vector<16xi32>,
    %swap3A_731 = arith.constant 448 : index
    %swap3A_732 = tpu.vector_load %arg9[%swap3A_731] {strides = array<i32>} : memref<480xi32, #tpu.memory_space<vmem>>, vector<16xi32>,
    %swap3A_733 = vector.shape_cast %swap3A_732 : vector<16xi32> to vector<16xi32>
    %swap3A_734 = vector.shape_cast %scan3A_617#27 : vector<16xi32> to vector<16xi32>
    tpu.vector_store %arg9[%swap3A_731], %swap3A_734 {strides = array<i32>} : memref<480xi32, #tpu.memory_space<vmem>>, vector<16xi32>,
    %swap3A_735 = arith.constant 464 : index
    %swap3A_736 = tpu.vector_load %arg9[%swap3A_735] {strides = array<i32>} : memref<480xi32, #tpu.memory_space<vmem>>, vector<16xi32>,
    %swap3A_737 = vector.shape_cast %swap3A_736 : vector<16xi32> to vector<16xi32>
    %swap3A_738 = vector.shape_cast %scan3A_617#28 : vector<16xi32> to vector<16xi32>
    tpu.vector_store %arg9[%swap3A_735], %swap3A_738 {strides = array<i32>} : memref<480xi32, #tpu.memory_space<vmem>>, vector<16xi32>,
    %scan3A_739 = arith.constant 0 : i32
    %scan3A_740 = arith.constant 0 : i32
    %scan3A_741 = arith.constant 30 : i32
    %scan3A_742 = arith.addi %scan3A_740, %scan3A_741 : i32
    %scan3A_743 = arith.constant 1 : i32
    %scan3A_744 = scf.for %scan3A_1947 = %scan3A_740 to %scan3A_742 step %scan3A_743 iter_args(%scan3A_1948 = %scan3A_739) -> (i32)  : i32 {
      %mul3A_1949 = arith.constant 16 : i32
      %mul3A_1950 = arith.muli %scan3A_1947, %mul3A_1949 : i32
      %get3A_1951 = arith.index_cast %mul3A_1950 : i32 to index
      %get3A_1952 = tpu.vector_load %arg9[%get3A_1951] {strides = array<i32>} : memref<480xi32, #tpu.memory_space<vmem>>, vector<16xi32>,
      %get3A_1953 = vector.shape_cast %get3A_1952 : vector<16xi32> to vector<16xi32>
      %shift_right_arithmetic3A_1954 = arith.constant 3 : i32
      %shift_right_arithmetic3A_1955 = vector.broadcast %shift_right_arithmetic3A_1954 : i32 to vector<16xi32>
      %shift_right_arithmetic3A_1956 = arith.shrsi %get3A_1953, %shift_right_arithmetic3A_1955 : vector<16xi32>
      %mul3A_1957 = arith.constant 8192 : i32
      %mul3A_1958 = vector.broadcast %mul3A_1957 : i32 to vector<16xi32>
      %mul3A_1959 = arith.muli %shift_right_arithmetic3A_1956, %mul3A_1958 : vector<16xi32>
      %and3A_1960 = arith.constant 7 : i32
      %and3A_1961 = vector.broadcast %and3A_1960 : i32 to vector<16xi32>
      %and3A_1962 = arith.andi %get3A_1953, %and3A_1961 : vector<16xi32>
      %shift_left3A_1963 = arith.constant 7 : i32
      %shift_left3A_1964 = vector.broadcast %shift_left3A_1963 : i32 to vector<16xi32>
      %shift_left3A_1965 = arith.shli %and3A_1962, %shift_left3A_1964 : vector<16xi32>
      %add3A_1966 = arith.addi %mul3A_1959, %shift_left3A_1965 : vector<16xi32>
      %add3A_1967 = arith.addi %add3A_1966, %add3A_43 : vector<16xi32>
      %mul3A_1968 = arith.constant 16 : i32
      %mul3A_1969 = arith.muli %scan3A_1947, %mul3A_1968 : i32
      %add3A_1970 = arith.constant 0 : i32
      %add3A_1971 = arith.addi %add3A_1970, %mul3A_1969 : i32
      %swap3A_1972 = arith.index_cast %add3A_1971 : i32 to index
      %swap3A_1973 = tpu.vector_load %arg10[%swap3A_1972] {strides = array<i32>} : memref<960xi32, #tpu.memory_space<vmem>>, vector<16xi32>,
      %swap3A_1974 = vector.shape_cast %swap3A_1973 : vector<16xi32> to vector<16xi32>
      %swap3A_1975 = vector.shape_cast %add3A_1967 : vector<16xi32> to vector<16xi32>
      tpu.vector_store %arg10[%swap3A_1972], %swap3A_1975 {strides = array<i32>} : memref<960xi32, #tpu.memory_space<vmem>>, vector<16xi32>,
      %scan3A_1976 = arith.constant 0 : i32
      scf.yield %scan3A_1976 : i32
    }
    %scan3A_745 = arith.constant 30 : i32
    %dma_start3A_746 = arith.constant 0 : i32
    %dma_start3A_747 = tpu.memref_slice %arg11[%dma_start3A_746] : memref<960xf32, #tpu.memory_space<vmem>> -> memref<120xf32, #tpu.memory_space<vmem>>
    %dma_start3A_748 = arith.constant 0 : i32
    %dma_start3A_749 = tpu.memref_slice %arg10[%dma_start3A_748] : memref<960xi32, #tpu.memory_space<vmem>> -> memref<120xi32, #tpu.memory_space<vmem>>
    %dma_start3A_750 = arith.constant 0 : i32
    %dma_start3A_751 = tpu.memref_slice %arg2[%dma_start3A_750] : memref<102400000xf32, #tpu.memory_space<hbm>> -> memref<102400000xf32, #tpu.memory_space<hbm>>
    tpu.enqueue_indirect_dma source(%dma_start3A_751 : memref<102400000xf32, #tpu.memory_space<hbm>>) target(%dma_start3A_747 : memref<120xf32, #tpu.memory_space<vmem>>) offsets(%dma_start3A_749 : memref<120xi32, #tpu.memory_space<vmem>>) semaphore(%arg14 : memref<!tpu.dma_semaphore, #tpu.memory_space<semaphore_mem>>)
    %dma_start3A_752 = arith.constant 120 : i32
    %dma_start3A_753 = tpu.memref_slice %arg11[%dma_start3A_752] : memref<960xf32, #tpu.memory_space<vmem>> -> memref<120xf32, #tpu.memory_space<vmem>>
    %dma_start3A_754 = arith.constant 120 : i32
    %dma_start3A_755 = tpu.memref_slice %arg10[%dma_start3A_754] : memref<960xi32, #tpu.memory_space<vmem>> -> memref<120xi32, #tpu.memory_space<vmem>>
    %dma_start3A_756 = arith.constant 0 : i32
    %dma_start3A_757 = tpu.memref_slice %arg2[%dma_start3A_756] : memref<102400000xf32, #tpu.memory_space<hbm>> -> memref<102400000xf32, #tpu.memory_space<hbm>>
    tpu.enqueue_indirect_dma source(%dma_start3A_757 : memref<102400000xf32, #tpu.memory_space<hbm>>) target(%dma_start3A_753 : memref<120xf32, #tpu.memory_space<vmem>>) offsets(%dma_start3A_755 : memref<120xi32, #tpu.memory_space<vmem>>) semaphore(%arg14 : memref<!tpu.dma_semaphore, #tpu.memory_space<semaphore_mem>>)
    %dma_start3A_758 = arith.constant 240 : i32
    %dma_start3A_759 = tpu.memref_slice %arg11[%dma_start3A_758] : memref<960xf32, #tpu.memory_space<vmem>> -> memref<120xf32, #tpu.memory_space<vmem>>
    %dma_start3A_760 = arith.constant 240 : i32
    %dma_start3A_761 = tpu.memref_slice %arg10[%dma_start3A_760] : memref<960xi32, #tpu.memory_space<vmem>> -> memref<120xi32, #tpu.memory_space<vmem>>
    %dma_start3A_762 = arith.constant 0 : i32
    %dma_start3A_763 = tpu.memref_slice %arg2[%dma_start3A_762] : memref<102400000xf32, #tpu.memory_space<hbm>> -> memref<102400000xf32, #tpu.memory_space<hbm>>
    tpu.enqueue_indirect_dma source(%dma_start3A_763 : memref<102400000xf32, #tpu.memory_space<hbm>>) target(%dma_start3A_759 : memref<120xf32, #tpu.memory_space<vmem>>) offsets(%dma_start3A_761 : memref<120xi32, #tpu.memory_space<vmem>>) semaphore(%arg14 : memref<!tpu.dma_semaphore, #tpu.memory_space<semaphore_mem>>)
    %dma_start3A_764 = arith.constant 360 : i32
    %dma_start3A_765 = tpu.memref_slice %arg11[%dma_start3A_764] : memref<960xf32, #tpu.memory_space<vmem>> -> memref<120xf32, #tpu.memory_space<vmem>>
    %dma_start3A_766 = arith.constant 360 : i32
    %dma_start3A_767 = tpu.memref_slice %arg10[%dma_start3A_766] : memref<960xi32, #tpu.memory_space<vmem>> -> memref<120xi32, #tpu.memory_space<vmem>>
    %dma_start3A_768 = arith.constant 0 : i32
    %dma_start3A_769 = tpu.memref_slice %arg2[%dma_start3A_768] : memref<102400000xf32, #tpu.memory_space<hbm>> -> memref<102400000xf32, #tpu.memory_space<hbm>>
    tpu.enqueue_indirect_dma source(%dma_start3A_769 : memref<102400000xf32, #tpu.memory_space<hbm>>) target(%dma_start3A_765 : memref<120xf32, #tpu.memory_space<vmem>>) offsets(%dma_start3A_767 : memref<120xi32, #tpu.memory_space<vmem>>) semaphore(%arg14 : memref<!tpu.dma_semaphore, #tpu.memory_space<semaphore_mem>>)
    %mul3A_770 = arith.constant 32 : i32
    %mul3A_771 = arith.muli %add3A, %mul3A_770 : i32
    %add3A_772 = arith.constant 16 : i32
    %add3A_773 = arith.addi %mul3A_771, %add3A_772 : i32
    %iota3A_774 = tpu.iota {dimensions = array<i32: 0>} : vector<16xi32>
    %add3A_775 = vector.broadcast %add3A_773 : i32 to vector<16xi32>
    %add3A_776 = arith.addi %add3A_775, %iota3A_774 : vector<16xi32>
    %shift_right_arithmetic3A_777 = arith.constant 7 : i32
    %shift_right_arithmetic3A_778 = vector.broadcast %shift_right_arithmetic3A_777 : i32 to vector<16xi32>
    %shift_right_arithmetic3A_779 = arith.shrsi %add3A_776, %shift_right_arithmetic3A_778 : vector<16xi32>
    %shift_left3A_780 = arith.constant 10 : i32
    %shift_left3A_781 = vector.broadcast %shift_left3A_780 : i32 to vector<16xi32>
    %shift_left3A_782 = arith.shli %shift_right_arithmetic3A_779, %shift_left3A_781 : vector<16xi32>
    %and3A_783 = arith.constant 127 : i32
    %and3A_784 = vector.broadcast %and3A_783 : i32 to vector<16xi32>
    %and3A_785 = arith.andi %add3A_776, %and3A_784 : vector<16xi32>
    %add3A_786 = arith.addi %shift_left3A_782, %and3A_785 : vector<16xi32>
    %add3A_787 = arith.constant 16 : i32
    %add3A_788 = arith.addi %mul3A_4, %add3A_787 : i32
    %get3A_789 = arith.constant 0 : i32
    %get3A_790 = arith.index_cast %get3A_789 : i32 to index
    %get3A_791 = arith.index_cast %add3A_788 : i32 to index
    %get3A_792 = tpu.vector_load %arg6[%get3A_790, %get3A_791] {strides = array<i32>} : memref<20x128xi32, #tpu.memory_space<vmem>>, vector<1x16xi32>,
    %get3A_793 = vector.shape_cast %get3A_792 : vector<1x16xi32> to vector<16xi32>
    %add3A_794 = arith.constant 16 : i32
    %add3A_795 = arith.addi %mul3A_4, %add3A_794 : i32
    %get3A_796 = arith.constant 1 : i32
    %get3A_797 = arith.index_cast %get3A_796 : i32 to index
    %get3A_798 = arith.index_cast %add3A_795 : i32 to index
    %get3A_799 = tpu.vector_load %arg6[%get3A_797, %get3A_798] {strides = array<i32>} : memref<20x128xi32, #tpu.memory_space<vmem>>, vector<1x16xi32>,
    %get3A_800 = vector.shape_cast %get3A_799 : vector<1x16xi32> to vector<16xi32>
    %add3A_801 = arith.constant 16 : i32
    %add3A_802 = arith.addi %mul3A_4, %add3A_801 : i32
    %get3A_803 = arith.constant 2 : i32
    %get3A_804 = arith.index_cast %get3A_803 : i32 to index
    %get3A_805 = arith.index_cast %add3A_802 : i32 to index
    %get3A_806 = tpu.vector_load %arg6[%get3A_804, %get3A_805] {strides = array<i32>} : memref<20x128xi32, #tpu.memory_space<vmem>>, vector<1x16xi32>,
    %get3A_807 = vector.shape_cast %get3A_806 : vector<1x16xi32> to vector<16xi32>
    %add3A_808 = arith.constant 16 : i32
    %add3A_809 = arith.addi %mul3A_4, %add3A_808 : i32
    %get3A_810 = arith.constant 3 : i32
    %get3A_811 = arith.index_cast %get3A_810 : i32 to index
    %get3A_812 = arith.index_cast %add3A_809 : i32 to index
    %get3A_813 = tpu.vector_load %arg6[%get3A_811, %get3A_812] {strides = array<i32>} : memref<20x128xi32, #tpu.memory_space<vmem>>, vector<1x16xi32>,
    %get3A_814 = vector.shape_cast %get3A_813 : vector<1x16xi32> to vector<16xi32>
    %add3A_815 = arith.constant 16 : i32
    %add3A_816 = arith.addi %mul3A_4, %add3A_815 : i32
    %get3A_817 = arith.constant 4 : i32
    %get3A_818 = arith.index_cast %get3A_817 : i32 to index
    %get3A_819 = arith.index_cast %add3A_816 : i32 to index
    %get3A_820 = tpu.vector_load %arg6[%get3A_818, %get3A_819] {strides = array<i32>} : memref<20x128xi32, #tpu.memory_space<vmem>>, vector<1x16xi32>,
    %get3A_821 = vector.shape_cast %get3A_820 : vector<1x16xi32> to vector<16xi32>
    %add3A_822 = arith.constant 16 : i32
    %add3A_823 = arith.addi %mul3A_4, %add3A_822 : i32
    %get3A_824 = arith.constant 5 : i32
    %get3A_825 = arith.index_cast %get3A_824 : i32 to index
    %get3A_826 = arith.index_cast %add3A_823 : i32 to index
    %get3A_827 = tpu.vector_load %arg6[%get3A_825, %get3A_826] {strides = array<i32>} : memref<20x128xi32, #tpu.memory_space<vmem>>, vector<1x16xi32>,
    %get3A_828 = vector.shape_cast %get3A_827 : vector<1x16xi32> to vector<16xi32>
    %add3A_829 = arith.constant 16 : i32
    %add3A_830 = arith.addi %mul3A_4, %add3A_829 : i32
    %get3A_831 = arith.constant 6 : i32
    %get3A_832 = arith.index_cast %get3A_831 : i32 to index
    %get3A_833 = arith.index_cast %add3A_830 : i32 to index
    %get3A_834 = tpu.vector_load %arg6[%get3A_832, %get3A_833] {strides = array<i32>} : memref<20x128xi32, #tpu.memory_space<vmem>>, vector<1x16xi32>,
    %get3A_835 = vector.shape_cast %get3A_834 : vector<1x16xi32> to vector<16xi32>
    %add3A_836 = arith.constant 16 : i32
    %add3A_837 = arith.addi %mul3A_4, %add3A_836 : i32
    %get3A_838 = arith.constant 7 : i32
    %get3A_839 = arith.index_cast %get3A_838 : i32 to index
    %get3A_840 = arith.index_cast %add3A_837 : i32 to index
    %get3A_841 = tpu.vector_load %arg6[%get3A_839, %get3A_840] {strides = array<i32>} : memref<20x128xi32, #tpu.memory_space<vmem>>, vector<1x16xi32>,
    %get3A_842 = vector.shape_cast %get3A_841 : vector<1x16xi32> to vector<16xi32>
    %add3A_843 = arith.constant 16 : i32
    %add3A_844 = arith.addi %mul3A_4, %add3A_843 : i32
    %get3A_845 = arith.constant 8 : i32
    %get3A_846 = arith.index_cast %get3A_845 : i32 to index
    %get3A_847 = arith.index_cast %add3A_844 : i32 to index
    %get3A_848 = tpu.vector_load %arg6[%get3A_846, %get3A_847] {strides = array<i32>} : memref<20x128xi32, #tpu.memory_space<vmem>>, vector<1x16xi32>,
    %get3A_849 = vector.shape_cast %get3A_848 : vector<1x16xi32> to vector<16xi32>
    %add3A_850 = arith.constant 16 : i32
    %add3A_851 = arith.addi %mul3A_4, %add3A_850 : i32
    %get3A_852 = arith.constant 9 : i32
    %get3A_853 = arith.index_cast %get3A_852 : i32 to index
    %get3A_854 = arith.index_cast %add3A_851 : i32 to index
    %get3A_855 = tpu.vector_load %arg6[%get3A_853, %get3A_854] {strides = array<i32>} : memref<20x128xi32, #tpu.memory_space<vmem>>, vector<1x16xi32>,
    %get3A_856 = vector.shape_cast %get3A_855 : vector<1x16xi32> to vector<16xi32>
    %add3A_857 = arith.constant 16 : i32
    %add3A_858 = arith.addi %mul3A_4, %add3A_857 : i32
    %get3A_859 = arith.constant 10 : i32
    %get3A_860 = arith.index_cast %get3A_859 : i32 to index
    %get3A_861 = arith.index_cast %add3A_858 : i32 to index
    %get3A_862 = tpu.vector_load %arg6[%get3A_860, %get3A_861] {strides = array<i32>} : memref<20x128xi32, #tpu.memory_space<vmem>>, vector<1x16xi32>,
    %get3A_863 = vector.shape_cast %get3A_862 : vector<1x16xi32> to vector<16xi32>
    %add3A_864 = arith.constant 16 : i32
    %add3A_865 = arith.addi %mul3A_4, %add3A_864 : i32
    %get3A_866 = arith.constant 11 : i32
    %get3A_867 = arith.index_cast %get3A_866 : i32 to index
    %get3A_868 = arith.index_cast %add3A_865 : i32 to index
    %get3A_869 = tpu.vector_load %arg6[%get3A_867, %get3A_868] {strides = array<i32>} : memref<20x128xi32, #tpu.memory_space<vmem>>, vector<1x16xi32>,
    %get3A_870 = vector.shape_cast %get3A_869 : vector<1x16xi32> to vector<16xi32>
    %add3A_871 = arith.constant 16 : i32
    %add3A_872 = arith.addi %mul3A_4, %add3A_871 : i32
    %get3A_873 = arith.constant 12 : i32
    %get3A_874 = arith.index_cast %get3A_873 : i32 to index
    %get3A_875 = arith.index_cast %add3A_872 : i32 to index
    %get3A_876 = tpu.vector_load %arg6[%get3A_874, %get3A_875] {strides = array<i32>} : memref<20x128xi32, #tpu.memory_space<vmem>>, vector<1x16xi32>,
    %get3A_877 = vector.shape_cast %get3A_876 : vector<1x16xi32> to vector<16xi32>
    %add3A_878 = arith.constant 16 : i32
    %add3A_879 = arith.addi %mul3A_4, %add3A_878 : i32
    %get3A_880 = arith.constant 13 : i32
    %get3A_881 = arith.index_cast %get3A_880 : i32 to index
    %get3A_882 = arith.index_cast %add3A_879 : i32 to index
    %get3A_883 = tpu.vector_load %arg6[%get3A_881, %get3A_882] {strides = array<i32>} : memref<20x128xi32, #tpu.memory_space<vmem>>, vector<1x16xi32>,
    %get3A_884 = vector.shape_cast %get3A_883 : vector<1x16xi32> to vector<16xi32>
    %add3A_885 = arith.constant 16 : i32
    %add3A_886 = arith.addi %mul3A_4, %add3A_885 : i32
    %get3A_887 = arith.constant 14 : i32
    %get3A_888 = arith.index_cast %get3A_887 : i32 to index
    %get3A_889 = arith.index_cast %add3A_886 : i32 to index
    %get3A_890 = tpu.vector_load %arg6[%get3A_888, %get3A_889] {strides = array<i32>} : memref<20x128xi32, #tpu.memory_space<vmem>>, vector<1x16xi32>,
    %get3A_891 = vector.shape_cast %get3A_890 : vector<1x16xi32> to vector<16xi32>
    %add3A_892 = arith.constant 16 : i32
    %add3A_893 = arith.addi %mul3A_4, %add3A_892 : i32
    %get3A_894 = arith.constant 15 : i32
    %get3A_895 = arith.index_cast %get3A_894 : i32 to index
    %get3A_896 = arith.index_cast %add3A_893 : i32 to index
    %get3A_897 = tpu.vector_load %arg6[%get3A_895, %get3A_896] {strides = array<i32>} : memref<20x128xi32, #tpu.memory_space<vmem>>, vector<1x16xi32>,
    %get3A_898 = vector.shape_cast %get3A_897 : vector<1x16xi32> to vector<16xi32>
    %add3A_899 = arith.constant 16 : i32
    %add3A_900 = arith.addi %mul3A_4, %add3A_899 : i32
    %get3A_901 = arith.constant 16 : i32
    %get3A_902 = arith.index_cast %get3A_901 : i32 to index
    %get3A_903 = arith.index_cast %add3A_900 : i32 to index
    %get3A_904 = tpu.vector_load %arg6[%get3A_902, %get3A_903] {strides = array<i32>} : memref<20x128xi32, #tpu.memory_space<vmem>>, vector<1x16xi32>,
    %get3A_905 = vector.shape_cast %get3A_904 : vector<1x16xi32> to vector<16xi32>
    %add3A_906 = arith.constant 16 : i32
    %add3A_907 = arith.addi %mul3A_4, %add3A_906 : i32
    %get3A_908 = arith.constant 17 : i32
    %get3A_909 = arith.index_cast %get3A_908 : i32 to index
    %get3A_910 = arith.index_cast %add3A_907 : i32 to index
    %get3A_911 = tpu.vector_load %arg6[%get3A_909, %get3A_910] {strides = array<i32>} : memref<20x128xi32, #tpu.memory_space<vmem>>, vector<1x16xi32>,
    %get3A_912 = vector.shape_cast %get3A_911 : vector<1x16xi32> to vector<16xi32>
    %add3A_913 = arith.constant 16 : i32
    %add3A_914 = arith.addi %mul3A_4, %add3A_913 : i32
    %get3A_915 = arith.constant 18 : i32
    %get3A_916 = arith.index_cast %get3A_915 : i32 to index
    %get3A_917 = arith.index_cast %add3A_914 : i32 to index
    %get3A_918 = tpu.vector_load %arg6[%get3A_916, %get3A_917] {strides = array<i32>} : memref<20x128xi32, #tpu.memory_space<vmem>>, vector<1x16xi32>,
    %get3A_919 = vector.shape_cast %get3A_918 : vector<1x16xi32> to vector<16xi32>
    %add3A_920 = arith.constant 16 : i32
    %add3A_921 = arith.addi %mul3A_4, %add3A_920 : i32
    %get3A_922 = arith.constant 19 : i32
    %get3A_923 = arith.index_cast %get3A_922 : i32 to index
    %get3A_924 = arith.index_cast %add3A_921 : i32 to index
    %get3A_925 = tpu.vector_load %arg6[%get3A_923, %get3A_924] {strides = array<i32>} : memref<20x128xi32, #tpu.memory_space<vmem>>, vector<1x16xi32>,
    %get3A_926 = vector.shape_cast %get3A_925 : vector<1x16xi32> to vector<16xi32>
    %min3A_927 = arith.minsi %get3A_793, %get3A_800 : vector<16xi32>
    %max3A_928 = arith.maxsi %get3A_793, %get3A_800 : vector<16xi32>
    %min3A_929 = arith.minsi %get3A_807, %get3A_814 : vector<16xi32>
    %max3A_930 = arith.maxsi %get3A_807, %get3A_814 : vector<16xi32>
    %min3A_931 = arith.minsi %get3A_821, %get3A_828 : vector<16xi32>
    %max3A_932 = arith.maxsi %get3A_821, %get3A_828 : vector<16xi32>
    %min3A_933 = arith.minsi %get3A_835, %get3A_842 : vector<16xi32>
    %max3A_934 = arith.maxsi %get3A_835, %get3A_842 : vector<16xi32>
    %min3A_935 = arith.minsi %get3A_849, %get3A_856 : vector<16xi32>
    %max3A_936 = arith.maxsi %get3A_849, %get3A_856 : vector<16xi32>
    %min3A_937 = arith.minsi %get3A_863, %get3A_870 : vector<16xi32>
    %max3A_938 = arith.maxsi %get3A_863, %get3A_870 : vector<16xi32>
    %min3A_939 = arith.minsi %get3A_877, %get3A_884 : vector<16xi32>
    %max3A_940 = arith.maxsi %get3A_877, %get3A_884 : vector<16xi32>
    %min3A_941 = arith.minsi %get3A_891, %get3A_898 : vector<16xi32>
    %max3A_942 = arith.maxsi %get3A_891, %get3A_898 : vector<16xi32>
    %min3A_943 = arith.minsi %get3A_905, %get3A_912 : vector<16xi32>
    %max3A_944 = arith.maxsi %get3A_905, %get3A_912 : vector<16xi32>
    %min3A_945 = arith.minsi %get3A_919, %get3A_926 : vector<16xi32>
    %max3A_946 = arith.maxsi %get3A_919, %get3A_926 : vector<16xi32>
    %min3A_947 = arith.minsi %min3A_927, %min3A_929 : vector<16xi32>
    %max3A_948 = arith.maxsi %min3A_927, %min3A_929 : vector<16xi32>
    %min3A_949 = arith.minsi %max3A_928, %max3A_930 : vector<16xi32>
    %max3A_950 = arith.maxsi %max3A_928, %max3A_930 : vector<16xi32>
    %min3A_951 = arith.minsi %min3A_931, %min3A_933 : vector<16xi32>
    %max3A_952 = arith.maxsi %min3A_931, %min3A_933 : vector<16xi32>
    %min3A_953 = arith.minsi %max3A_932, %max3A_934 : vector<16xi32>
    %max3A_954 = arith.maxsi %max3A_932, %max3A_934 : vector<16xi32>
    %min3A_955 = arith.minsi %min3A_935, %min3A_937 : vector<16xi32>
    %max3A_956 = arith.maxsi %min3A_935, %min3A_937 : vector<16xi32>
    %min3A_957 = arith.minsi %max3A_936, %max3A_938 : vector<16xi32>
    %max3A_958 = arith.maxsi %max3A_936, %max3A_938 : vector<16xi32>
    %min3A_959 = arith.minsi %min3A_939, %min3A_941 : vector<16xi32>
    %max3A_960 = arith.maxsi %min3A_939, %min3A_941 : vector<16xi32>
    %min3A_961 = arith.minsi %max3A_940, %max3A_942 : vector<16xi32>
    %max3A_962 = arith.maxsi %max3A_940, %max3A_942 : vector<16xi32>
    %min3A_963 = arith.minsi %min3A_943, %min3A_945 : vector<16xi32>
    %max3A_964 = arith.maxsi %min3A_943, %min3A_945 : vector<16xi32>
    %min3A_965 = arith.minsi %max3A_944, %max3A_946 : vector<16xi32>
    %max3A_966 = arith.maxsi %max3A_944, %max3A_946 : vector<16xi32>
    %min3A_967 = arith.minsi %min3A_949, %max3A_948 : vector<16xi32>
    %max3A_968 = arith.maxsi %min3A_949, %max3A_948 : vector<16xi32>
    %min3A_969 = arith.minsi %min3A_953, %max3A_952 : vector<16xi32>
    %max3A_970 = arith.maxsi %min3A_953, %max3A_952 : vector<16xi32>
    %min3A_971 = arith.minsi %min3A_957, %max3A_956 : vector<16xi32>
    %max3A_972 = arith.maxsi %min3A_957, %max3A_956 : vector<16xi32>
    %min3A_973 = arith.minsi %min3A_961, %max3A_960 : vector<16xi32>
    %max3A_974 = arith.maxsi %min3A_961, %max3A_960 : vector<16xi32>
    %min3A_975 = arith.minsi %min3A_965, %max3A_964 : vector<16xi32>
    %max3A_976 = arith.maxsi %min3A_965, %max3A_964 : vector<16xi32>
    %min3A_977 = arith.minsi %min3A_947, %min3A_951 : vector<16xi32>
    %max3A_978 = arith.maxsi %min3A_947, %min3A_951 : vector<16xi32>
    %min3A_979 = arith.minsi %min3A_967, %min3A_969 : vector<16xi32>
    %max3A_980 = arith.maxsi %min3A_967, %min3A_969 : vector<16xi32>
    %min3A_981 = arith.minsi %max3A_968, %max3A_970 : vector<16xi32>
    %max3A_982 = arith.maxsi %max3A_968, %max3A_970 : vector<16xi32>
    %min3A_983 = arith.minsi %max3A_950, %max3A_954 : vector<16xi32>
    %max3A_984 = arith.maxsi %max3A_950, %max3A_954 : vector<16xi32>
    %min3A_985 = arith.minsi %min3A_955, %min3A_959 : vector<16xi32>
    %max3A_986 = arith.maxsi %min3A_955, %min3A_959 : vector<16xi32>
    %min3A_987 = arith.minsi %min3A_971, %min3A_973 : vector<16xi32>
    %max3A_988 = arith.maxsi %min3A_971, %min3A_973 : vector<16xi32>
    %min3A_989 = arith.minsi %max3A_972, %max3A_974 : vector<16xi32>
    %max3A_990 = arith.maxsi %max3A_972, %max3A_974 : vector<16xi32>
    %min3A_991 = arith.minsi %max3A_958, %max3A_962 : vector<16xi32>
    %max3A_992 = arith.maxsi %max3A_958, %max3A_962 : vector<16xi32>
    %min3A_993 = arith.minsi %min3A_981, %max3A_978 : vector<16xi32>
    %max3A_994 = arith.maxsi %min3A_981, %max3A_978 : vector<16xi32>
    %min3A_995 = arith.minsi %min3A_983, %max3A_980 : vector<16xi32>
    %max3A_996 = arith.maxsi %min3A_983, %max3A_980 : vector<16xi32>
    %min3A_997 = arith.minsi %min3A_989, %max3A_986 : vector<16xi32>
    %max3A_998 = arith.maxsi %min3A_989, %max3A_986 : vector<16xi32>
    %min3A_999 = arith.minsi %min3A_991, %max3A_988 : vector<16xi32>
    %max3A_1000 = arith.maxsi %min3A_991, %max3A_988 : vector<16xi32>
    %min3A_1001 = arith.minsi %min3A_979, %min3A_993 : vector<16xi32>
    %max3A_1002 = arith.maxsi %min3A_979, %min3A_993 : vector<16xi32>
    %min3A_1003 = arith.minsi %min3A_995, %max3A_994 : vector<16xi32>
    %max3A_1004 = arith.maxsi %min3A_995, %max3A_994 : vector<16xi32>
    %min3A_1005 = arith.minsi %max3A_996, %max3A_982 : vector<16xi32>
    %max3A_1006 = arith.maxsi %max3A_996, %max3A_982 : vector<16xi32>
    %min3A_1007 = arith.minsi %min3A_987, %min3A_997 : vector<16xi32>
    %max3A_1008 = arith.maxsi %min3A_987, %min3A_997 : vector<16xi32>
    %min3A_1009 = arith.minsi %min3A_999, %max3A_998 : vector<16xi32>
    %max3A_1010 = arith.maxsi %min3A_999, %max3A_998 : vector<16xi32>
    %min3A_1011 = arith.minsi %max3A_1000, %max3A_990 : vector<16xi32>
    %max3A_1012 = arith.maxsi %max3A_1000, %max3A_990 : vector<16xi32>
    %min3A_1013 = arith.minsi %min3A_975, %max3A_976 : vector<16xi32>
    %max3A_1014 = arith.maxsi %min3A_975, %max3A_976 : vector<16xi32>
    %min3A_1015 = arith.minsi %min3A_977, %min3A_985 : vector<16xi32>
    %max3A_1016 = arith.maxsi %min3A_977, %min3A_985 : vector<16xi32>
    %min3A_1017 = arith.minsi %min3A_1001, %min3A_1007 : vector<16xi32>
    %max3A_1018 = arith.maxsi %min3A_1001, %min3A_1007 : vector<16xi32>
    %min3A_1019 = arith.minsi %max3A_1002, %max3A_1008 : vector<16xi32>
    %max3A_1020 = arith.maxsi %max3A_1002, %max3A_1008 : vector<16xi32>
    %min3A_1021 = arith.minsi %min3A_1003, %min3A_1009 : vector<16xi32>
    %max3A_1022 = arith.maxsi %min3A_1003, %min3A_1009 : vector<16xi32>
    %min3A_1023 = arith.minsi %max3A_1004, %max3A_1010 : vector<16xi32>
    %max3A_1024 = arith.maxsi %max3A_1004, %max3A_1010 : vector<16xi32>
    %min3A_1025 = arith.minsi %min3A_1005, %min3A_1011 : vector<16xi32>
    %max3A_1026 = arith.maxsi %min3A_1005, %min3A_1011 : vector<16xi32>
    %min3A_1027 = arith.minsi %max3A_1006, %max3A_1012 : vector<16xi32>
    %max3A_1028 = arith.maxsi %max3A_1006, %max3A_1012 : vector<16xi32>
    %min3A_1029 = arith.minsi %max3A_984, %max3A_992 : vector<16xi32>
    %max3A_1030 = arith.maxsi %max3A_984, %max3A_992 : vector<16xi32>
    %min3A_1031 = arith.minsi %min3A_1023, %max3A_1016 : vector<16xi32>
    %max3A_1032 = arith.maxsi %min3A_1023, %max3A_1016 : vector<16xi32>
    %min3A_1033 = arith.minsi %min3A_1025, %max3A_1018 : vector<16xi32>
    %max3A_1034 = arith.maxsi %min3A_1025, %max3A_1018 : vector<16xi32>
    %min3A_1035 = arith.minsi %min3A_1027, %max3A_1020 : vector<16xi32>
    %max3A_1036 = arith.maxsi %min3A_1027, %max3A_1020 : vector<16xi32>
    %min3A_1037 = arith.minsi %min3A_1029, %max3A_1022 : vector<16xi32>
    %max3A_1038 = arith.maxsi %min3A_1029, %max3A_1022 : vector<16xi32>
    %min3A_1039 = arith.minsi %min3A_1019, %min3A_1031 : vector<16xi32>
    %max3A_1040 = arith.maxsi %min3A_1019, %min3A_1031 : vector<16xi32>
    %min3A_1041 = arith.minsi %min3A_1021, %min3A_1033 : vector<16xi32>
    %max3A_1042 = arith.maxsi %min3A_1021, %min3A_1033 : vector<16xi32>
    %min3A_1043 = arith.minsi %min3A_1035, %max3A_1032 : vector<16xi32>
    %max3A_1044 = arith.maxsi %min3A_1035, %max3A_1032 : vector<16xi32>
    %min3A_1045 = arith.minsi %min3A_1037, %max3A_1034 : vector<16xi32>
    %max3A_1046 = arith.maxsi %min3A_1037, %max3A_1034 : vector<16xi32>
    %min3A_1047 = arith.minsi %max3A_1036, %max3A_1024 : vector<16xi32>
    %max3A_1048 = arith.maxsi %max3A_1036, %max3A_1024 : vector<16xi32>
    %min3A_1049 = arith.minsi %max3A_1038, %max3A_1026 : vector<16xi32>
    %max3A_1050 = arith.maxsi %max3A_1038, %max3A_1026 : vector<16xi32>
    %min3A_1051 = arith.minsi %min3A_1017, %min3A_1039 : vector<16xi32>
    %max3A_1052 = arith.maxsi %min3A_1017, %min3A_1039 : vector<16xi32>
    %min3A_1053 = arith.minsi %min3A_1041, %max3A_1040 : vector<16xi32>
    %max3A_1054 = arith.maxsi %min3A_1041, %max3A_1040 : vector<16xi32>
    %min3A_1055 = arith.minsi %max3A_1042, %min3A_1043 : vector<16xi32>
    %max3A_1056 = arith.maxsi %max3A_1042, %min3A_1043 : vector<16xi32>
    %min3A_1057 = arith.minsi %min3A_1045, %max3A_1044 : vector<16xi32>
    %max3A_1058 = arith.maxsi %min3A_1045, %max3A_1044 : vector<16xi32>
    %min3A_1059 = arith.minsi %max3A_1046, %min3A_1047 : vector<16xi32>
    %max3A_1060 = arith.maxsi %max3A_1046, %min3A_1047 : vector<16xi32>
    %min3A_1061 = arith.minsi %min3A_1049, %max3A_1048 : vector<16xi32>
    %max3A_1062 = arith.maxsi %min3A_1049, %max3A_1048 : vector<16xi32>
    %min3A_1063 = arith.minsi %max3A_1050, %max3A_1028 : vector<16xi32>
    %max3A_1064 = arith.maxsi %max3A_1050, %max3A_1028 : vector<16xi32>
    %min3A_1065 = arith.minsi %min3A_1013, %max3A_1014 : vector<16xi32>
    %max3A_1066 = arith.maxsi %min3A_1013, %max3A_1014 : vector<16xi32>
    %min3A_1067 = arith.minsi %min3A_1015, %min3A_963 : vector<16xi32>
    %max3A_1068 = arith.maxsi %min3A_1015, %min3A_963 : vector<16xi32>
    %min3A_1069 = arith.minsi %min3A_1051, %min3A_1065 : vector<16xi32>
    %max3A_1070 = arith.maxsi %min3A_1051, %min3A_1065 : vector<16xi32>
    %min3A_1071 = arith.minsi %max3A_1052, %max3A_1066 : vector<16xi32>
    %max3A_1072 = arith.maxsi %max3A_1052, %max3A_1066 : vector<16xi32>
    %min3A_1073 = arith.minsi %min3A_1053, %max3A_966 : vector<16xi32>
    %max3A_1074 = arith.maxsi %min3A_1053, %max3A_966 : vector<16xi32>
    %min3A_1075 = arith.minsi %max3A_1058, %max3A_1068 : vector<16xi32>
    %max3A_1076 = arith.maxsi %max3A_1058, %max3A_1068 : vector<16xi32>
    %min3A_1077 = arith.minsi %min3A_1059, %max3A_1070 : vector<16xi32>
    %max3A_1078 = arith.maxsi %min3A_1059, %max3A_1070 : vector<16xi32>
    %min3A_1079 = arith.minsi %max3A_1060, %max3A_1072 : vector<16xi32>
    %max3A_1080 = arith.maxsi %max3A_1060, %max3A_1072 : vector<16xi32>
    %min3A_1081 = arith.minsi %min3A_1061, %max3A_1074 : vector<16xi32>
    %max3A_1082 = arith.maxsi %min3A_1061, %max3A_1074 : vector<16xi32>
    %min3A_1083 = arith.minsi %max3A_1054, %min3A_1075 : vector<16xi32>
    %max3A_1084 = arith.maxsi %max3A_1054, %min3A_1075 : vector<16xi32>
    %min3A_1085 = arith.minsi %min3A_1055, %min3A_1077 : vector<16xi32>
    %max3A_1086 = arith.maxsi %min3A_1055, %min3A_1077 : vector<16xi32>
    %min3A_1087 = arith.minsi %max3A_1056, %min3A_1079 : vector<16xi32>
    %max3A_1088 = arith.maxsi %max3A_1056, %min3A_1079 : vector<16xi32>
    %min3A_1089 = arith.minsi %min3A_1057, %min3A_1081 : vector<16xi32>
    %max3A_1090 = arith.maxsi %min3A_1057, %min3A_1081 : vector<16xi32>
    %min3A_1091 = arith.minsi %max3A_1062, %max3A_1076 : vector<16xi32>
    %max3A_1092 = arith.maxsi %max3A_1062, %max3A_1076 : vector<16xi32>
    %min3A_1093 = arith.minsi %min3A_1063, %max3A_1078 : vector<16xi32>
    %max3A_1094 = arith.maxsi %min3A_1063, %max3A_1078 : vector<16xi32>
    %min3A_1095 = arith.minsi %max3A_1064, %max3A_1080 : vector<16xi32>
    %max3A_1096 = arith.maxsi %max3A_1064, %max3A_1080 : vector<16xi32>
    %min3A_1097 = arith.minsi %max3A_1030, %max3A_1082 : vector<16xi32>
    %max3A_1098 = arith.maxsi %max3A_1030, %max3A_1082 : vector<16xi32>
    %min3A_1099 = arith.minsi %min3A_1071, %min3A_1083 : vector<16xi32>
    %max3A_1100 = arith.maxsi %min3A_1071, %min3A_1083 : vector<16xi32>
    %min3A_1101 = arith.minsi %min3A_1073, %min3A_1085 : vector<16xi32>
    %max3A_1102 = arith.maxsi %min3A_1073, %min3A_1085 : vector<16xi32>
    %min3A_1103 = arith.minsi %min3A_1087, %max3A_1084 : vector<16xi32>
    %max3A_1104 = arith.maxsi %min3A_1087, %max3A_1084 : vector<16xi32>
    %min3A_1105 = arith.minsi %min3A_1089, %max3A_1086 : vector<16xi32>
    %max3A_1106 = arith.maxsi %min3A_1089, %max3A_1086 : vector<16xi32>
    %min3A_1107 = arith.minsi %max3A_1088, %min3A_1091 : vector<16xi32>
    %max3A_1108 = arith.maxsi %max3A_1088, %min3A_1091 : vector<16xi32>
    %min3A_1109 = arith.minsi %max3A_1090, %min3A_1093 : vector<16xi32>
    %max3A_1110 = arith.maxsi %max3A_1090, %min3A_1093 : vector<16xi32>
    %min3A_1111 = arith.minsi %min3A_1095, %max3A_1092 : vector<16xi32>
    %max3A_1112 = arith.maxsi %min3A_1095, %max3A_1092 : vector<16xi32>
    %min3A_1113 = arith.minsi %min3A_1097, %max3A_1094 : vector<16xi32>
    %max3A_1114 = arith.maxsi %min3A_1097, %max3A_1094 : vector<16xi32>
    %min3A_1115 = arith.minsi %min3A_1069, %min3A_1099 : vector<16xi32>
    %max3A_1116 = arith.maxsi %min3A_1069, %min3A_1099 : vector<16xi32>
    %min3A_1117 = arith.minsi %min3A_1101, %max3A_1100 : vector<16xi32>
    %max3A_1118 = arith.maxsi %min3A_1101, %max3A_1100 : vector<16xi32>
    %min3A_1119 = arith.minsi %max3A_1102, %min3A_1103 : vector<16xi32>
    %max3A_1120 = arith.maxsi %max3A_1102, %min3A_1103 : vector<16xi32>
    %min3A_1121 = arith.minsi %min3A_1105, %max3A_1104 : vector<16xi32>
    %max3A_1122 = arith.maxsi %min3A_1105, %max3A_1104 : vector<16xi32>
    %min3A_1123 = arith.minsi %max3A_1106, %min3A_1107 : vector<16xi32>
    %max3A_1124 = arith.maxsi %max3A_1106, %min3A_1107 : vector<16xi32>
    %min3A_1125 = arith.minsi %min3A_1109, %max3A_1108 : vector<16xi32>
    %max3A_1126 = arith.maxsi %min3A_1109, %max3A_1108 : vector<16xi32>
    %min3A_1127 = arith.minsi %max3A_1110, %min3A_1111 : vector<16xi32>
    %max3A_1128 = arith.maxsi %max3A_1110, %min3A_1111 : vector<16xi32>
    %min3A_1129 = arith.minsi %min3A_1113, %max3A_1112 : vector<16xi32>
    %max3A_1130 = arith.maxsi %min3A_1113, %max3A_1112 : vector<16xi32>
    %min3A_1131 = arith.minsi %max3A_1114, %max3A_1096 : vector<16xi32>
    %max3A_1132 = arith.maxsi %max3A_1114, %max3A_1096 : vector<16xi32>
    %swap3A_1133 = arith.constant 0 : index
    %swap3A_1134 = tpu.vector_load %arg8[%swap3A_1133] {strides = array<i32>} : memref<320xi32, #tpu.memory_space<vmem>>, vector<16xi32>,
    %swap3A_1135 = vector.shape_cast %swap3A_1134 : vector<16xi32> to vector<16xi32>
    %swap3A_1136 = vector.shape_cast %min3A_1067 : vector<16xi32> to vector<16xi32>
    tpu.vector_store %arg8[%swap3A_1133], %swap3A_1136 {strides = array<i32>} : memref<320xi32, #tpu.memory_space<vmem>>, vector<16xi32>,
    %swap3A_1137 = arith.constant 16 : index
    %swap3A_1138 = tpu.vector_load %arg8[%swap3A_1137] {strides = array<i32>} : memref<320xi32, #tpu.memory_space<vmem>>, vector<16xi32>,
    %swap3A_1139 = vector.shape_cast %swap3A_1138 : vector<16xi32> to vector<16xi32>
    %swap3A_1140 = vector.shape_cast %min3A_1115 : vector<16xi32> to vector<16xi32>
    tpu.vector_store %arg8[%swap3A_1137], %swap3A_1140 {strides = array<i32>} : memref<320xi32, #tpu.memory_space<vmem>>, vector<16xi32>,
    %swap3A_1141 = arith.constant 32 : index
    %swap3A_1142 = tpu.vector_load %arg8[%swap3A_1141] {strides = array<i32>} : memref<320xi32, #tpu.memory_space<vmem>>, vector<16xi32>,
    %swap3A_1143 = vector.shape_cast %swap3A_1142 : vector<16xi32> to vector<16xi32>
    %swap3A_1144 = vector.shape_cast %max3A_1116 : vector<16xi32> to vector<16xi32>
    tpu.vector_store %arg8[%swap3A_1141], %swap3A_1144 {strides = array<i32>} : memref<320xi32, #tpu.memory_space<vmem>>, vector<16xi32>,
    %swap3A_1145 = arith.constant 48 : index
    %swap3A_1146 = tpu.vector_load %arg8[%swap3A_1145] {strides = array<i32>} : memref<320xi32, #tpu.memory_space<vmem>>, vector<16xi32>,
    %swap3A_1147 = vector.shape_cast %swap3A_1146 : vector<16xi32> to vector<16xi32>
    %swap3A_1148 = vector.shape_cast %min3A_1117 : vector<16xi32> to vector<16xi32>
    tpu.vector_store %arg8[%swap3A_1145], %swap3A_1148 {strides = array<i32>} : memref<320xi32, #tpu.memory_space<vmem>>, vector<16xi32>,
    %swap3A_1149 = arith.constant 64 : index
    %swap3A_1150 = tpu.vector_load %arg8[%swap3A_1149] {strides = array<i32>} : memref<320xi32, #tpu.memory_space<vmem>>, vector<16xi32>,
    %swap3A_1151 = vector.shape_cast %swap3A_1150 : vector<16xi32> to vector<16xi32>
    %swap3A_1152 = vector.shape_cast %max3A_1118 : vector<16xi32> to vector<16xi32>
    tpu.vector_store %arg8[%swap3A_1149], %swap3A_1152 {strides = array<i32>} : memref<320xi32, #tpu.memory_space<vmem>>, vector<16xi32>,
    %swap3A_1153 = arith.constant 80 : index
    %swap3A_1154 = tpu.vector_load %arg8[%swap3A_1153] {strides = array<i32>} : memref<320xi32, #tpu.memory_space<vmem>>, vector<16xi32>,
    %swap3A_1155 = vector.shape_cast %swap3A_1154 : vector<16xi32> to vector<16xi32>
    %swap3A_1156 = vector.shape_cast %min3A_1119 : vector<16xi32> to vector<16xi32>
    tpu.vector_store %arg8[%swap3A_1153], %swap3A_1156 {strides = array<i32>} : memref<320xi32, #tpu.memory_space<vmem>>, vector<16xi32>,
    %swap3A_1157 = arith.constant 96 : index
    %swap3A_1158 = tpu.vector_load %arg8[%swap3A_1157] {strides = array<i32>} : memref<320xi32, #tpu.memory_space<vmem>>, vector<16xi32>,
    %swap3A_1159 = vector.shape_cast %swap3A_1158 : vector<16xi32> to vector<16xi32>
    %swap3A_1160 = vector.shape_cast %max3A_1120 : vector<16xi32> to vector<16xi32>
    tpu.vector_store %arg8[%swap3A_1157], %swap3A_1160 {strides = array<i32>} : memref<320xi32, #tpu.memory_space<vmem>>, vector<16xi32>,
    %swap3A_1161 = arith.constant 112 : index
    %swap3A_1162 = tpu.vector_load %arg8[%swap3A_1161] {strides = array<i32>} : memref<320xi32, #tpu.memory_space<vmem>>, vector<16xi32>,
    %swap3A_1163 = vector.shape_cast %swap3A_1162 : vector<16xi32> to vector<16xi32>
    %swap3A_1164 = vector.shape_cast %min3A_1121 : vector<16xi32> to vector<16xi32>
    tpu.vector_store %arg8[%swap3A_1161], %swap3A_1164 {strides = array<i32>} : memref<320xi32, #tpu.memory_space<vmem>>, vector<16xi32>,
    %swap3A_1165 = arith.constant 128 : index
    %swap3A_1166 = tpu.vector_load %arg8[%swap3A_1165] {strides = array<i32>} : memref<320xi32, #tpu.memory_space<vmem>>, vector<16xi32>,
    %swap3A_1167 = vector.shape_cast %swap3A_1166 : vector<16xi32> to vector<16xi32>
    %swap3A_1168 = vector.shape_cast %max3A_1122 : vector<16xi32> to vector<16xi32>
    tpu.vector_store %arg8[%swap3A_1165], %swap3A_1168 {strides = array<i32>} : memref<320xi32, #tpu.memory_space<vmem>>, vector<16xi32>,
    %swap3A_1169 = arith.constant 144 : index
    %swap3A_1170 = tpu.vector_load %arg8[%swap3A_1169] {strides = array<i32>} : memref<320xi32, #tpu.memory_space<vmem>>, vector<16xi32>,
    %swap3A_1171 = vector.shape_cast %swap3A_1170 : vector<16xi32> to vector<16xi32>
    %swap3A_1172 = vector.shape_cast %min3A_1123 : vector<16xi32> to vector<16xi32>
    tpu.vector_store %arg8[%swap3A_1169], %swap3A_1172 {strides = array<i32>} : memref<320xi32, #tpu.memory_space<vmem>>, vector<16xi32>,
    %swap3A_1173 = arith.constant 160 : index
    %swap3A_1174 = tpu.vector_load %arg8[%swap3A_1173] {strides = array<i32>} : memref<320xi32, #tpu.memory_space<vmem>>, vector<16xi32>,
    %swap3A_1175 = vector.shape_cast %swap3A_1174 : vector<16xi32> to vector<16xi32>
    %swap3A_1176 = vector.shape_cast %max3A_1124 : vector<16xi32> to vector<16xi32>
    tpu.vector_store %arg8[%swap3A_1173], %swap3A_1176 {strides = array<i32>} : memref<320xi32, #tpu.memory_space<vmem>>, vector<16xi32>,
    %swap3A_1177 = arith.constant 176 : index
    %swap3A_1178 = tpu.vector_load %arg8[%swap3A_1177] {strides = array<i32>} : memref<320xi32, #tpu.memory_space<vmem>>, vector<16xi32>,
    %swap3A_1179 = vector.shape_cast %swap3A_1178 : vector<16xi32> to vector<16xi32>
    %swap3A_1180 = vector.shape_cast %min3A_1125 : vector<16xi32> to vector<16xi32>
    tpu.vector_store %arg8[%swap3A_1177], %swap3A_1180 {strides = array<i32>} : memref<320xi32, #tpu.memory_space<vmem>>, vector<16xi32>,
    %swap3A_1181 = arith.constant 192 : index
    %swap3A_1182 = tpu.vector_load %arg8[%swap3A_1181] {strides = array<i32>} : memref<320xi32, #tpu.memory_space<vmem>>, vector<16xi32>,
    %swap3A_1183 = vector.shape_cast %swap3A_1182 : vector<16xi32> to vector<16xi32>
    %swap3A_1184 = vector.shape_cast %max3A_1126 : vector<16xi32> to vector<16xi32>
    tpu.vector_store %arg8[%swap3A_1181], %swap3A_1184 {strides = array<i32>} : memref<320xi32, #tpu.memory_space<vmem>>, vector<16xi32>,
    %swap3A_1185 = arith.constant 208 : index
    %swap3A_1186 = tpu.vector_load %arg8[%swap3A_1185] {strides = array<i32>} : memref<320xi32, #tpu.memory_space<vmem>>, vector<16xi32>,
    %swap3A_1187 = vector.shape_cast %swap3A_1186 : vector<16xi32> to vector<16xi32>
    %swap3A_1188 = vector.shape_cast %min3A_1127 : vector<16xi32> to vector<16xi32>
    tpu.vector_store %arg8[%swap3A_1185], %swap3A_1188 {strides = array<i32>} : memref<320xi32, #tpu.memory_space<vmem>>, vector<16xi32>,
    %swap3A_1189 = arith.constant 224 : index
    %swap3A_1190 = tpu.vector_load %arg8[%swap3A_1189] {strides = array<i32>} : memref<320xi32, #tpu.memory_space<vmem>>, vector<16xi32>,
    %swap3A_1191 = vector.shape_cast %swap3A_1190 : vector<16xi32> to vector<16xi32>
    %swap3A_1192 = vector.shape_cast %max3A_1128 : vector<16xi32> to vector<16xi32>
    tpu.vector_store %arg8[%swap3A_1189], %swap3A_1192 {strides = array<i32>} : memref<320xi32, #tpu.memory_space<vmem>>, vector<16xi32>,
    %swap3A_1193 = arith.constant 240 : index
    %swap3A_1194 = tpu.vector_load %arg8[%swap3A_1193] {strides = array<i32>} : memref<320xi32, #tpu.memory_space<vmem>>, vector<16xi32>,
    %swap3A_1195 = vector.shape_cast %swap3A_1194 : vector<16xi32> to vector<16xi32>
    %swap3A_1196 = vector.shape_cast %min3A_1129 : vector<16xi32> to vector<16xi32>
    tpu.vector_store %arg8[%swap3A_1193], %swap3A_1196 {strides = array<i32>} : memref<320xi32, #tpu.memory_space<vmem>>, vector<16xi32>,
    %swap3A_1197 = arith.constant 256 : index
    %swap3A_1198 = tpu.vector_load %arg8[%swap3A_1197] {strides = array<i32>} : memref<320xi32, #tpu.memory_space<vmem>>, vector<16xi32>,
    %swap3A_1199 = vector.shape_cast %swap3A_1198 : vector<16xi32> to vector<16xi32>
    %swap3A_1200 = vector.shape_cast %max3A_1130 : vector<16xi32> to vector<16xi32>
    tpu.vector_store %arg8[%swap3A_1197], %swap3A_1200 {strides = array<i32>} : memref<320xi32, #tpu.memory_space<vmem>>, vector<16xi32>,
    %swap3A_1201 = arith.constant 272 : index
    %swap3A_1202 = tpu.vector_load %arg8[%swap3A_1201] {strides = array<i32>} : memref<320xi32, #tpu.memory_space<vmem>>, vector<16xi32>,
    %swap3A_1203 = vector.shape_cast %swap3A_1202 : vector<16xi32> to vector<16xi32>
    %swap3A_1204 = vector.shape_cast %min3A_1131 : vector<16xi32> to vector<16xi32>
    tpu.vector_store %arg8[%swap3A_1201], %swap3A_1204 {strides = array<i32>} : memref<320xi32, #tpu.memory_space<vmem>>, vector<16xi32>,
    %swap3A_1205 = arith.constant 288 : index
    %swap3A_1206 = tpu.vector_load %arg8[%swap3A_1205] {strides = array<i32>} : memref<320xi32, #tpu.memory_space<vmem>>, vector<16xi32>,
    %swap3A_1207 = vector.shape_cast %swap3A_1206 : vector<16xi32> to vector<16xi32>
    %swap3A_1208 = vector.shape_cast %max3A_1132 : vector<16xi32> to vector<16xi32>
    tpu.vector_store %arg8[%swap3A_1205], %swap3A_1208 {strides = array<i32>} : memref<320xi32, #tpu.memory_space<vmem>>, vector<16xi32>,
    %swap3A_1209 = arith.constant 304 : index
    %swap3A_1210 = tpu.vector_load %arg8[%swap3A_1209] {strides = array<i32>} : memref<320xi32, #tpu.memory_space<vmem>>, vector<16xi32>,
    %swap3A_1211 = vector.shape_cast %swap3A_1210 : vector<16xi32> to vector<16xi32>
    %swap3A_1212 = vector.shape_cast %max3A_1098 : vector<16xi32> to vector<16xi32>
    tpu.vector_store %arg8[%swap3A_1209], %swap3A_1212 {strides = array<i32>} : memref<320xi32, #tpu.memory_space<vmem>>, vector<16xi32>,
    %broadcast_in_dim3A_1213 = arith.constant 1 : i32
    %broadcast_in_dim3A_1214 = vector.broadcast %broadcast_in_dim3A_1213 : i32 to vector<16xi32>
    %broadcast_in_dim3A_1215 = arith.constant 0 : i32
    %broadcast_in_dim3A_1216 = vector.broadcast %broadcast_in_dim3A_1215 : i32 to vector<16xi32>
    %get3A_1217 = arith.constant 4 : i32
    %get3A_1218 = arith.index_cast %get3A_1217 : i32 to index
    %get3A_1219 = arith.constant 0 : index
    %get3A_1220 = tpu.vector_load %arg7[%get3A_1218, %get3A_1219] {strides = array<i32>} : memref<8x128xi32, #tpu.memory_space<vmem>>, vector<1x16xi32>,
    %get3A_1221 = vector.shape_cast %get3A_1220 : vector<1x16xi32> to vector<16xi32>
    %get3A_1222 = arith.constant 4 : i32
    %get3A_1223 = arith.index_cast %get3A_1222 : i32 to index
    %get3A_1224 = arith.constant 16 : index
    %get3A_1225 = tpu.vector_load %arg7[%get3A_1223, %get3A_1224] {strides = array<i32>} : memref<8x128xi32, #tpu.memory_space<vmem>>, vector<1x16xi32>,
    %get3A_1226 = vector.shape_cast %get3A_1225 : vector<1x16xi32> to vector<16xi32>
    %get3A_1227 = arith.constant 4 : i32
    %get3A_1228 = arith.index_cast %get3A_1227 : i32 to index
    %get3A_1229 = arith.constant 32 : index
    %get3A_1230 = tpu.vector_load %arg7[%get3A_1228, %get3A_1229] {strides = array<i32>} : memref<8x128xi32, #tpu.memory_space<vmem>>, vector<1x16xi32>,
    %get3A_1231 = vector.shape_cast %get3A_1230 : vector<1x16xi32> to vector<16xi32>
    %get3A_1232 = arith.constant 4 : i32
    %get3A_1233 = arith.index_cast %get3A_1232 : i32 to index
    %get3A_1234 = arith.constant 48 : index
    %get3A_1235 = tpu.vector_load %arg7[%get3A_1233, %get3A_1234] {strides = array<i32>} : memref<8x128xi32, #tpu.memory_space<vmem>>, vector<1x16xi32>,
    %get3A_1236 = vector.shape_cast %get3A_1235 : vector<1x16xi32> to vector<16xi32>
    %get3A_1237 = arith.constant 4 : i32
    %get3A_1238 = arith.index_cast %get3A_1237 : i32 to index
    %get3A_1239 = arith.constant 64 : index
    %get3A_1240 = tpu.vector_load %arg7[%get3A_1238, %get3A_1239] {strides = array<i32>} : memref<8x128xi32, #tpu.memory_space<vmem>>, vector<1x16xi32>,
    %get3A_1241 = vector.shape_cast %get3A_1240 : vector<1x16xi32> to vector<16xi32>
    %get3A_1242 = arith.constant 4 : i32
    %get3A_1243 = arith.index_cast %get3A_1242 : i32 to index
    %get3A_1244 = arith.constant 80 : index
    %get3A_1245 = tpu.vector_load %arg7[%get3A_1243, %get3A_1244] {strides = array<i32>} : memref<8x128xi32, #tpu.memory_space<vmem>>, vector<1x16xi32>,
    %get3A_1246 = vector.shape_cast %get3A_1245 : vector<1x16xi32> to vector<16xi32>
    %get3A_1247 = arith.constant 4 : i32
    %get3A_1248 = arith.index_cast %get3A_1247 : i32 to index
    %get3A_1249 = arith.constant 96 : index
    %get3A_1250 = tpu.vector_load %arg7[%get3A_1248, %get3A_1249] {strides = array<i32>} : memref<8x128xi32, #tpu.memory_space<vmem>>, vector<1x16xi32>,
    %get3A_1251 = vector.shape_cast %get3A_1250 : vector<1x16xi32> to vector<16xi32>
    %get3A_1252 = arith.constant 4 : i32
    %get3A_1253 = arith.index_cast %get3A_1252 : i32 to index
    %get3A_1254 = arith.constant 112 : index
    %get3A_1255 = tpu.vector_load %arg7[%get3A_1253, %get3A_1254] {strides = array<i32>} : memref<8x128xi32, #tpu.memory_space<vmem>>, vector<1x16xi32>,
    %get3A_1256 = vector.shape_cast %get3A_1255 : vector<1x16xi32> to vector<16xi32>
    %get3A_1257 = arith.constant 5 : i32
    %get3A_1258 = arith.index_cast %get3A_1257 : i32 to index
    %get3A_1259 = arith.constant 0 : index
    %get3A_1260 = tpu.vector_load %arg7[%get3A_1258, %get3A_1259] {strides = array<i32>} : memref<8x128xi32, #tpu.memory_space<vmem>>, vector<1x16xi32>,
    %get3A_1261 = vector.shape_cast %get3A_1260 : vector<1x16xi32> to vector<16xi32>
    %get3A_1262 = arith.constant 5 : i32
    %get3A_1263 = arith.index_cast %get3A_1262 : i32 to index
    %get3A_1264 = arith.constant 16 : index
    %get3A_1265 = tpu.vector_load %arg7[%get3A_1263, %get3A_1264] {strides = array<i32>} : memref<8x128xi32, #tpu.memory_space<vmem>>, vector<1x16xi32>,
    %get3A_1266 = vector.shape_cast %get3A_1265 : vector<1x16xi32> to vector<16xi32>
    %get3A_1267 = arith.constant 5 : i32
    %get3A_1268 = arith.index_cast %get3A_1267 : i32 to index
    %get3A_1269 = arith.constant 32 : index
    %get3A_1270 = tpu.vector_load %arg7[%get3A_1268, %get3A_1269] {strides = array<i32>} : memref<8x128xi32, #tpu.memory_space<vmem>>, vector<1x16xi32>,
    %get3A_1271 = vector.shape_cast %get3A_1270 : vector<1x16xi32> to vector<16xi32>
    %get3A_1272 = arith.constant 5 : i32
    %get3A_1273 = arith.index_cast %get3A_1272 : i32 to index
    %get3A_1274 = arith.constant 48 : index
    %get3A_1275 = tpu.vector_load %arg7[%get3A_1273, %get3A_1274] {strides = array<i32>} : memref<8x128xi32, #tpu.memory_space<vmem>>, vector<1x16xi32>,
    %get3A_1276 = vector.shape_cast %get3A_1275 : vector<1x16xi32> to vector<16xi32>
    %get3A_1277 = arith.constant 5 : i32
    %get3A_1278 = arith.index_cast %get3A_1277 : i32 to index
    %get3A_1279 = arith.constant 64 : index
    %get3A_1280 = tpu.vector_load %arg7[%get3A_1278, %get3A_1279] {strides = array<i32>} : memref<8x128xi32, #tpu.memory_space<vmem>>, vector<1x16xi32>,
    %get3A_1281 = vector.shape_cast %get3A_1280 : vector<1x16xi32> to vector<16xi32>
    %get3A_1282 = arith.constant 5 : i32
    %get3A_1283 = arith.index_cast %get3A_1282 : i32 to index
    %get3A_1284 = arith.constant 80 : index
    %get3A_1285 = tpu.vector_load %arg7[%get3A_1283, %get3A_1284] {strides = array<i32>} : memref<8x128xi32, #tpu.memory_space<vmem>>, vector<1x16xi32>,
    %get3A_1286 = vector.shape_cast %get3A_1285 : vector<1x16xi32> to vector<16xi32>
    %get3A_1287 = arith.constant 5 : i32
    %get3A_1288 = arith.index_cast %get3A_1287 : i32 to index
    %get3A_1289 = arith.constant 96 : index
    %get3A_1290 = tpu.vector_load %arg7[%get3A_1288, %get3A_1289] {strides = array<i32>} : memref<8x128xi32, #tpu.memory_space<vmem>>, vector<1x16xi32>,
    %get3A_1291 = vector.shape_cast %get3A_1290 : vector<1x16xi32> to vector<16xi32>
    %get3A_1292 = arith.constant 5 : i32
    %get3A_1293 = arith.index_cast %get3A_1292 : i32 to index
    %get3A_1294 = arith.constant 112 : index
    %get3A_1295 = tpu.vector_load %arg7[%get3A_1293, %get3A_1294] {strides = array<i32>} : memref<8x128xi32, #tpu.memory_space<vmem>>, vector<1x16xi32>,
    %get3A_1296 = vector.shape_cast %get3A_1295 : vector<1x16xi32> to vector<16xi32>
    %get3A_1297 = arith.constant 6 : i32
    %get3A_1298 = arith.index_cast %get3A_1297 : i32 to index
    %get3A_1299 = arith.constant 0 : index
    %get3A_1300 = tpu.vector_load %arg7[%get3A_1298, %get3A_1299] {strides = array<i32>} : memref<8x128xi32, #tpu.memory_space<vmem>>, vector<1x16xi32>,
    %get3A_1301 = vector.shape_cast %get3A_1300 : vector<1x16xi32> to vector<16xi32>
    %get3A_1302 = arith.constant 6 : i32
    %get3A_1303 = arith.index_cast %get3A_1302 : i32 to index
    %get3A_1304 = arith.constant 16 : index
    %get3A_1305 = tpu.vector_load %arg7[%get3A_1303, %get3A_1304] {strides = array<i32>} : memref<8x128xi32, #tpu.memory_space<vmem>>, vector<1x16xi32>,
    %get3A_1306 = vector.shape_cast %get3A_1305 : vector<1x16xi32> to vector<16xi32>
    %get3A_1307 = arith.constant 6 : i32
    %get3A_1308 = arith.index_cast %get3A_1307 : i32 to index
    %get3A_1309 = arith.constant 32 : index
    %get3A_1310 = tpu.vector_load %arg7[%get3A_1308, %get3A_1309] {strides = array<i32>} : memref<8x128xi32, #tpu.memory_space<vmem>>, vector<1x16xi32>,
    %get3A_1311 = vector.shape_cast %get3A_1310 : vector<1x16xi32> to vector<16xi32>
    %get3A_1312 = arith.constant 6 : i32
    %get3A_1313 = arith.index_cast %get3A_1312 : i32 to index
    %get3A_1314 = arith.constant 48 : index
    %get3A_1315 = tpu.vector_load %arg7[%get3A_1313, %get3A_1314] {strides = array<i32>} : memref<8x128xi32, #tpu.memory_space<vmem>>, vector<1x16xi32>,
    %get3A_1316 = vector.shape_cast %get3A_1315 : vector<1x16xi32> to vector<16xi32>
    %get3A_1317 = arith.constant 6 : i32
    %get3A_1318 = arith.index_cast %get3A_1317 : i32 to index
    %get3A_1319 = arith.constant 64 : index
    %get3A_1320 = tpu.vector_load %arg7[%get3A_1318, %get3A_1319] {strides = array<i32>} : memref<8x128xi32, #tpu.memory_space<vmem>>, vector<1x16xi32>,
    %get3A_1321 = vector.shape_cast %get3A_1320 : vector<1x16xi32> to vector<16xi32>
    %get3A_1322 = arith.constant 6 : i32
    %get3A_1323 = arith.index_cast %get3A_1322 : i32 to index
    %get3A_1324 = arith.constant 80 : index
    %get3A_1325 = tpu.vector_load %arg7[%get3A_1323, %get3A_1324] {strides = array<i32>} : memref<8x128xi32, #tpu.memory_space<vmem>>, vector<1x16xi32>,
    %get3A_1326 = vector.shape_cast %get3A_1325 : vector<1x16xi32> to vector<16xi32>
    %get3A_1327 = arith.constant 6 : i32
    %get3A_1328 = arith.index_cast %get3A_1327 : i32 to index
    %get3A_1329 = arith.constant 96 : index
    %get3A_1330 = tpu.vector_load %arg7[%get3A_1328, %get3A_1329] {strides = array<i32>} : memref<8x128xi32, #tpu.memory_space<vmem>>, vector<1x16xi32>,
    %get3A_1331 = vector.shape_cast %get3A_1330 : vector<1x16xi32> to vector<16xi32>
    %get3A_1332 = arith.constant 6 : i32
    %get3A_1333 = arith.index_cast %get3A_1332 : i32 to index
    %get3A_1334 = arith.constant 112 : index
    %get3A_1335 = tpu.vector_load %arg7[%get3A_1333, %get3A_1334] {strides = array<i32>} : memref<8x128xi32, #tpu.memory_space<vmem>>, vector<1x16xi32>,
    %get3A_1336 = vector.shape_cast %get3A_1335 : vector<1x16xi32> to vector<16xi32>
    %get3A_1337 = arith.constant 7 : i32
    %get3A_1338 = arith.index_cast %get3A_1337 : i32 to index
    %get3A_1339 = arith.constant 0 : index
    %get3A_1340 = tpu.vector_load %arg7[%get3A_1338, %get3A_1339] {strides = array<i32>} : memref<8x128xi32, #tpu.memory_space<vmem>>, vector<1x16xi32>,
    %get3A_1341 = vector.shape_cast %get3A_1340 : vector<1x16xi32> to vector<16xi32>
    %get3A_1342 = arith.constant 7 : i32
    %get3A_1343 = arith.index_cast %get3A_1342 : i32 to index
    %get3A_1344 = arith.constant 16 : index
    %get3A_1345 = tpu.vector_load %arg7[%get3A_1343, %get3A_1344] {strides = array<i32>} : memref<8x128xi32, #tpu.memory_space<vmem>>, vector<1x16xi32>,
    %get3A_1346 = vector.shape_cast %get3A_1345 : vector<1x16xi32> to vector<16xi32>
    %get3A_1347 = arith.constant 7 : i32
    %get3A_1348 = arith.index_cast %get3A_1347 : i32 to index
    %get3A_1349 = arith.constant 32 : index
    %get3A_1350 = tpu.vector_load %arg7[%get3A_1348, %get3A_1349] {strides = array<i32>} : memref<8x128xi32, #tpu.memory_space<vmem>>, vector<1x16xi32>,
    %get3A_1351 = vector.shape_cast %get3A_1350 : vector<1x16xi32> to vector<16xi32>
    %get3A_1352 = arith.constant 7 : i32
    %get3A_1353 = arith.index_cast %get3A_1352 : i32 to index
    %get3A_1354 = arith.constant 48 : index
    %get3A_1355 = tpu.vector_load %arg7[%get3A_1353, %get3A_1354] {strides = array<i32>} : memref<8x128xi32, #tpu.memory_space<vmem>>, vector<1x16xi32>,
    %get3A_1356 = vector.shape_cast %get3A_1355 : vector<1x16xi32> to vector<16xi32>
    %get3A_1357 = arith.constant 7 : i32
    %get3A_1358 = arith.index_cast %get3A_1357 : i32 to index
    %get3A_1359 = arith.constant 64 : index
    %get3A_1360 = tpu.vector_load %arg7[%get3A_1358, %get3A_1359] {strides = array<i32>} : memref<8x128xi32, #tpu.memory_space<vmem>>, vector<1x16xi32>,
    %get3A_1361 = vector.shape_cast %get3A_1360 : vector<1x16xi32> to vector<16xi32>
    %scan3A_1362 = arith.constant 0 : i32
    %scan3A_1363 = arith.constant 20 : i32
    %scan3A_1364 = arith.addi %scan3A_1362, %scan3A_1363 : i32
    %scan3A_1365 = arith.constant 1 : i32
    %scan3A_1366:29 = scf.for %scan3A_1947 = %scan3A_1362 to %scan3A_1364 step %scan3A_1365 iter_args(%scan3A_1948 = %get3A_1221, %scan3A_1949 = %get3A_1226, %scan3A_1950 = %get3A_1231, %scan3A_1951 = %get3A_1236, %scan3A_1952 = %get3A_1241, %scan3A_1953 = %get3A_1246, %scan3A_1954 = %get3A_1251, %scan3A_1955 = %get3A_1256, %scan3A_1956 = %get3A_1261, %scan3A_1957 = %get3A_1266, %scan3A_1958 = %get3A_1271, %scan3A_1959 = %get3A_1276, %scan3A_1960 = %get3A_1281, %scan3A_1961 = %get3A_1286, %scan3A_1962 = %get3A_1291, %scan3A_1963 = %get3A_1296, %scan3A_1964 = %get3A_1301, %scan3A_1965 = %get3A_1306, %scan3A_1966 = %get3A_1311, %scan3A_1967 = %get3A_1316, %scan3A_1968 = %get3A_1321, %scan3A_1969 = %get3A_1326, %scan3A_1970 = %get3A_1331, %scan3A_1971 = %get3A_1336, %scan3A_1972 = %get3A_1341, %scan3A_1973 = %get3A_1346, %scan3A_1974 = %get3A_1351, %scan3A_1975 = %get3A_1356, %scan3A_1976 = %get3A_1361) -> (vector<16xi32>, vector<16xi32>, vector<16xi32>, vector<16xi32>, vector<16xi32>, vector<16xi32>, vector<16xi32>, vector<16xi32>, vector<16xi32>, vector<16xi32>, vector<16xi32>, vector<16xi32>, vector<16xi32>, vector<16xi32>, vector<16xi32>, vector<16xi32>, vector<16xi32>, vector<16xi32>, vector<16xi32>, vector<16xi32>, vector<16xi32>, vector<16xi32>, vector<16xi32>, vector<16xi32>, vector<16xi32>, vector<16xi32>, vector<16xi32>, vector<16xi32>, vector<16xi32>)  : i32 {
      %mul3A_1977 = arith.constant 16 : i32
      %mul3A_1978 = arith.muli %scan3A_1947, %mul3A_1977 : i32
      %get3A_1979 = arith.index_cast %mul3A_1978 : i32 to index
      %get3A_1980 = tpu.vector_load %arg8[%get3A_1979] {strides = array<i32>} : memref<320xi32, #tpu.memory_space<vmem>>, vector<16xi32>,
      %get3A_1981 = vector.shape_cast %get3A_1980 : vector<16xi32> to vector<16xi32>
      %ge3A = arith.cmpi sge, %scan3A_1948, %get3A_1981 : vector<16xi32>
      %select_n3A_1982 = arith.select %ge3A, %broadcast_in_dim3A_1214, %broadcast_in_dim3A_1216 : vector<16xi1>, vector<16xi32>
      %add3A_1983 = arith.addi %scan3A_1948, %select_n3A_1982 : vector<16xi32>
      %ge3A_1984 = arith.cmpi sge, %scan3A_1949, %get3A_1981 : vector<16xi32>
      %select_n3A_1985 = arith.select %ge3A_1984, %broadcast_in_dim3A_1214, %broadcast_in_dim3A_1216 : vector<16xi1>, vector<16xi32>
      %add3A_1986 = arith.addi %scan3A_1949, %select_n3A_1985 : vector<16xi32>
      %ge3A_1987 = arith.cmpi sge, %scan3A_1950, %get3A_1981 : vector<16xi32>
      %select_n3A_1988 = arith.select %ge3A_1987, %broadcast_in_dim3A_1214, %broadcast_in_dim3A_1216 : vector<16xi1>, vector<16xi32>
      %add3A_1989 = arith.addi %scan3A_1950, %select_n3A_1988 : vector<16xi32>
      %ge3A_1990 = arith.cmpi sge, %scan3A_1951, %get3A_1981 : vector<16xi32>
      %select_n3A_1991 = arith.select %ge3A_1990, %broadcast_in_dim3A_1214, %broadcast_in_dim3A_1216 : vector<16xi1>, vector<16xi32>
      %add3A_1992 = arith.addi %scan3A_1951, %select_n3A_1991 : vector<16xi32>
      %ge3A_1993 = arith.cmpi sge, %scan3A_1952, %get3A_1981 : vector<16xi32>
      %select_n3A_1994 = arith.select %ge3A_1993, %broadcast_in_dim3A_1214, %broadcast_in_dim3A_1216 : vector<16xi1>, vector<16xi32>
      %add3A_1995 = arith.addi %scan3A_1952, %select_n3A_1994 : vector<16xi32>
      %ge3A_1996 = arith.cmpi sge, %scan3A_1953, %get3A_1981 : vector<16xi32>
      %select_n3A_1997 = arith.select %ge3A_1996, %broadcast_in_dim3A_1214, %broadcast_in_dim3A_1216 : vector<16xi1>, vector<16xi32>
      %add3A_1998 = arith.addi %scan3A_1953, %select_n3A_1997 : vector<16xi32>
      %ge3A_1999 = arith.cmpi sge, %scan3A_1954, %get3A_1981 : vector<16xi32>
      %select_n3A_2000 = arith.select %ge3A_1999, %broadcast_in_dim3A_1214, %broadcast_in_dim3A_1216 : vector<16xi1>, vector<16xi32>
      %add3A_2001 = arith.addi %scan3A_1954, %select_n3A_2000 : vector<16xi32>
      %ge3A_2002 = arith.cmpi sge, %scan3A_1955, %get3A_1981 : vector<16xi32>
      %select_n3A_2003 = arith.select %ge3A_2002, %broadcast_in_dim3A_1214, %broadcast_in_dim3A_1216 : vector<16xi1>, vector<16xi32>
      %add3A_2004 = arith.addi %scan3A_1955, %select_n3A_2003 : vector<16xi32>
      %ge3A_2005 = arith.cmpi sge, %scan3A_1956, %get3A_1981 : vector<16xi32>
      %select_n3A_2006 = arith.select %ge3A_2005, %broadcast_in_dim3A_1214, %broadcast_in_dim3A_1216 : vector<16xi1>, vector<16xi32>
      %add3A_2007 = arith.addi %scan3A_1956, %select_n3A_2006 : vector<16xi32>
      %ge3A_2008 = arith.cmpi sge, %scan3A_1957, %get3A_1981 : vector<16xi32>
      %select_n3A_2009 = arith.select %ge3A_2008, %broadcast_in_dim3A_1214, %broadcast_in_dim3A_1216 : vector<16xi1>, vector<16xi32>
      %add3A_2010 = arith.addi %scan3A_1957, %select_n3A_2009 : vector<16xi32>
      %ge3A_2011 = arith.cmpi sge, %scan3A_1958, %get3A_1981 : vector<16xi32>
      %select_n3A_2012 = arith.select %ge3A_2011, %broadcast_in_dim3A_1214, %broadcast_in_dim3A_1216 : vector<16xi1>, vector<16xi32>
      %add3A_2013 = arith.addi %scan3A_1958, %select_n3A_2012 : vector<16xi32>
      %ge3A_2014 = arith.cmpi sge, %scan3A_1959, %get3A_1981 : vector<16xi32>
      %select_n3A_2015 = arith.select %ge3A_2014, %broadcast_in_dim3A_1214, %broadcast_in_dim3A_1216 : vector<16xi1>, vector<16xi32>
      %add3A_2016 = arith.addi %scan3A_1959, %select_n3A_2015 : vector<16xi32>
      %ge3A_2017 = arith.cmpi sge, %scan3A_1960, %get3A_1981 : vector<16xi32>
      %select_n3A_2018 = arith.select %ge3A_2017, %broadcast_in_dim3A_1214, %broadcast_in_dim3A_1216 : vector<16xi1>, vector<16xi32>
      %add3A_2019 = arith.addi %scan3A_1960, %select_n3A_2018 : vector<16xi32>
      %ge3A_2020 = arith.cmpi sge, %scan3A_1961, %get3A_1981 : vector<16xi32>
      %select_n3A_2021 = arith.select %ge3A_2020, %broadcast_in_dim3A_1214, %broadcast_in_dim3A_1216 : vector<16xi1>, vector<16xi32>
      %add3A_2022 = arith.addi %scan3A_1961, %select_n3A_2021 : vector<16xi32>
      %ge3A_2023 = arith.cmpi sge, %scan3A_1962, %get3A_1981 : vector<16xi32>
      %select_n3A_2024 = arith.select %ge3A_2023, %broadcast_in_dim3A_1214, %broadcast_in_dim3A_1216 : vector<16xi1>, vector<16xi32>
      %add3A_2025 = arith.addi %scan3A_1962, %select_n3A_2024 : vector<16xi32>
      %ge3A_2026 = arith.cmpi sge, %scan3A_1963, %get3A_1981 : vector<16xi32>
      %select_n3A_2027 = arith.select %ge3A_2026, %broadcast_in_dim3A_1214, %broadcast_in_dim3A_1216 : vector<16xi1>, vector<16xi32>
      %add3A_2028 = arith.addi %scan3A_1963, %select_n3A_2027 : vector<16xi32>
      %ge3A_2029 = arith.cmpi sge, %scan3A_1964, %get3A_1981 : vector<16xi32>
      %select_n3A_2030 = arith.select %ge3A_2029, %broadcast_in_dim3A_1214, %broadcast_in_dim3A_1216 : vector<16xi1>, vector<16xi32>
      %add3A_2031 = arith.addi %scan3A_1964, %select_n3A_2030 : vector<16xi32>
      %ge3A_2032 = arith.cmpi sge, %scan3A_1965, %get3A_1981 : vector<16xi32>
      %select_n3A_2033 = arith.select %ge3A_2032, %broadcast_in_dim3A_1214, %broadcast_in_dim3A_1216 : vector<16xi1>, vector<16xi32>
      %add3A_2034 = arith.addi %scan3A_1965, %select_n3A_2033 : vector<16xi32>
      %ge3A_2035 = arith.cmpi sge, %scan3A_1966, %get3A_1981 : vector<16xi32>
      %select_n3A_2036 = arith.select %ge3A_2035, %broadcast_in_dim3A_1214, %broadcast_in_dim3A_1216 : vector<16xi1>, vector<16xi32>
      %add3A_2037 = arith.addi %scan3A_1966, %select_n3A_2036 : vector<16xi32>
      %ge3A_2038 = arith.cmpi sge, %scan3A_1967, %get3A_1981 : vector<16xi32>
      %select_n3A_2039 = arith.select %ge3A_2038, %broadcast_in_dim3A_1214, %broadcast_in_dim3A_1216 : vector<16xi1>, vector<16xi32>
      %add3A_2040 = arith.addi %scan3A_1967, %select_n3A_2039 : vector<16xi32>
      %ge3A_2041 = arith.cmpi sge, %scan3A_1968, %get3A_1981 : vector<16xi32>
      %select_n3A_2042 = arith.select %ge3A_2041, %broadcast_in_dim3A_1214, %broadcast_in_dim3A_1216 : vector<16xi1>, vector<16xi32>
      %add3A_2043 = arith.addi %scan3A_1968, %select_n3A_2042 : vector<16xi32>
      %ge3A_2044 = arith.cmpi sge, %scan3A_1969, %get3A_1981 : vector<16xi32>
      %select_n3A_2045 = arith.select %ge3A_2044, %broadcast_in_dim3A_1214, %broadcast_in_dim3A_1216 : vector<16xi1>, vector<16xi32>
      %add3A_2046 = arith.addi %scan3A_1969, %select_n3A_2045 : vector<16xi32>
      %ge3A_2047 = arith.cmpi sge, %scan3A_1970, %get3A_1981 : vector<16xi32>
      %select_n3A_2048 = arith.select %ge3A_2047, %broadcast_in_dim3A_1214, %broadcast_in_dim3A_1216 : vector<16xi1>, vector<16xi32>
      %add3A_2049 = arith.addi %scan3A_1970, %select_n3A_2048 : vector<16xi32>
      %ge3A_2050 = arith.cmpi sge, %scan3A_1971, %get3A_1981 : vector<16xi32>
      %select_n3A_2051 = arith.select %ge3A_2050, %broadcast_in_dim3A_1214, %broadcast_in_dim3A_1216 : vector<16xi1>, vector<16xi32>
      %add3A_2052 = arith.addi %scan3A_1971, %select_n3A_2051 : vector<16xi32>
      %ge3A_2053 = arith.cmpi sge, %scan3A_1972, %get3A_1981 : vector<16xi32>
      %select_n3A_2054 = arith.select %ge3A_2053, %broadcast_in_dim3A_1214, %broadcast_in_dim3A_1216 : vector<16xi1>, vector<16xi32>
      %add3A_2055 = arith.addi %scan3A_1972, %select_n3A_2054 : vector<16xi32>
      %ge3A_2056 = arith.cmpi sge, %scan3A_1973, %get3A_1981 : vector<16xi32>
      %select_n3A_2057 = arith.select %ge3A_2056, %broadcast_in_dim3A_1214, %broadcast_in_dim3A_1216 : vector<16xi1>, vector<16xi32>
      %add3A_2058 = arith.addi %scan3A_1973, %select_n3A_2057 : vector<16xi32>
      %ge3A_2059 = arith.cmpi sge, %scan3A_1974, %get3A_1981 : vector<16xi32>
      %select_n3A_2060 = arith.select %ge3A_2059, %broadcast_in_dim3A_1214, %broadcast_in_dim3A_1216 : vector<16xi1>, vector<16xi32>
      %add3A_2061 = arith.addi %scan3A_1974, %select_n3A_2060 : vector<16xi32>
      %ge3A_2062 = arith.cmpi sge, %scan3A_1975, %get3A_1981 : vector<16xi32>
      %select_n3A_2063 = arith.select %ge3A_2062, %broadcast_in_dim3A_1214, %broadcast_in_dim3A_1216 : vector<16xi1>, vector<16xi32>
      %add3A_2064 = arith.addi %scan3A_1975, %select_n3A_2063 : vector<16xi32>
      %ge3A_2065 = arith.cmpi sge, %scan3A_1976, %get3A_1981 : vector<16xi32>
      %select_n3A_2066 = arith.select %ge3A_2065, %broadcast_in_dim3A_1214, %broadcast_in_dim3A_1216 : vector<16xi1>, vector<16xi32>
      %add3A_2067 = arith.addi %scan3A_1976, %select_n3A_2066 : vector<16xi32>
      scf.yield %add3A_1983, %add3A_1986, %add3A_1989, %add3A_1992, %add3A_1995, %add3A_1998, %add3A_2001, %add3A_2004, %add3A_2007, %add3A_2010, %add3A_2013, %add3A_2016, %add3A_2019, %add3A_2022, %add3A_2025, %add3A_2028, %add3A_2031, %add3A_2034, %add3A_2037, %add3A_2040, %add3A_2043, %add3A_2046, %add3A_2049, %add3A_2052, %add3A_2055, %add3A_2058, %add3A_2061, %add3A_2064, %add3A_2067 : vector<16xi32>, vector<16xi32>, vector<16xi32>, vector<16xi32>, vector<16xi32>, vector<16xi32>, vector<16xi32>, vector<16xi32>, vector<16xi32>, vector<16xi32>, vector<16xi32>, vector<16xi32>, vector<16xi32>, vector<16xi32>, vector<16xi32>, vector<16xi32>, vector<16xi32>, vector<16xi32>, vector<16xi32>, vector<16xi32>, vector<16xi32>, vector<16xi32>, vector<16xi32>, vector<16xi32>, vector<16xi32>, vector<16xi32>, vector<16xi32>, vector<16xi32>, vector<16xi32>
    }
    %scan3A_1367 = arith.constant 20 : i32
    %swap3A_1368 = arith.constant 0 : index
    %swap3A_1369 = tpu.vector_load %arg9[%swap3A_1368] {strides = array<i32>} : memref<480xi32, #tpu.memory_space<vmem>>, vector<16xi32>,
    %swap3A_1370 = vector.shape_cast %swap3A_1369 : vector<16xi32> to vector<16xi32>
    %swap3A_1371 = vector.shape_cast %get3A_926 : vector<16xi32> to vector<16xi32>
    tpu.vector_store %arg9[%swap3A_1368], %swap3A_1371 {strides = array<i32>} : memref<480xi32, #tpu.memory_space<vmem>>, vector<16xi32>,
    %swap3A_1372 = arith.constant 16 : index
    %swap3A_1373 = tpu.vector_load %arg9[%swap3A_1372] {strides = array<i32>} : memref<480xi32, #tpu.memory_space<vmem>>, vector<16xi32>,
    %swap3A_1374 = vector.shape_cast %swap3A_1373 : vector<16xi32> to vector<16xi32>
    %swap3A_1375 = vector.shape_cast %scan3A_1366#0 : vector<16xi32> to vector<16xi32>
    tpu.vector_store %arg9[%swap3A_1372], %swap3A_1375 {strides = array<i32>} : memref<480xi32, #tpu.memory_space<vmem>>, vector<16xi32>,
    %swap3A_1376 = arith.constant 32 : index
    %swap3A_1377 = tpu.vector_load %arg9[%swap3A_1376] {strides = array<i32>} : memref<480xi32, #tpu.memory_space<vmem>>, vector<16xi32>,
    %swap3A_1378 = vector.shape_cast %swap3A_1377 : vector<16xi32> to vector<16xi32>
    %swap3A_1379 = vector.shape_cast %scan3A_1366#1 : vector<16xi32> to vector<16xi32>
    tpu.vector_store %arg9[%swap3A_1376], %swap3A_1379 {strides = array<i32>} : memref<480xi32, #tpu.memory_space<vmem>>, vector<16xi32>,
    %swap3A_1380 = arith.constant 48 : index
    %swap3A_1381 = tpu.vector_load %arg9[%swap3A_1380] {strides = array<i32>} : memref<480xi32, #tpu.memory_space<vmem>>, vector<16xi32>,
    %swap3A_1382 = vector.shape_cast %swap3A_1381 : vector<16xi32> to vector<16xi32>
    %swap3A_1383 = vector.shape_cast %scan3A_1366#2 : vector<16xi32> to vector<16xi32>
    tpu.vector_store %arg9[%swap3A_1380], %swap3A_1383 {strides = array<i32>} : memref<480xi32, #tpu.memory_space<vmem>>, vector<16xi32>,
    %swap3A_1384 = arith.constant 64 : index
    %swap3A_1385 = tpu.vector_load %arg9[%swap3A_1384] {strides = array<i32>} : memref<480xi32, #tpu.memory_space<vmem>>, vector<16xi32>,
    %swap3A_1386 = vector.shape_cast %swap3A_1385 : vector<16xi32> to vector<16xi32>
    %swap3A_1387 = vector.shape_cast %scan3A_1366#3 : vector<16xi32> to vector<16xi32>
    tpu.vector_store %arg9[%swap3A_1384], %swap3A_1387 {strides = array<i32>} : memref<480xi32, #tpu.memory_space<vmem>>, vector<16xi32>,
    %swap3A_1388 = arith.constant 80 : index
    %swap3A_1389 = tpu.vector_load %arg9[%swap3A_1388] {strides = array<i32>} : memref<480xi32, #tpu.memory_space<vmem>>, vector<16xi32>,
    %swap3A_1390 = vector.shape_cast %swap3A_1389 : vector<16xi32> to vector<16xi32>
    %swap3A_1391 = vector.shape_cast %scan3A_1366#4 : vector<16xi32> to vector<16xi32>
    tpu.vector_store %arg9[%swap3A_1388], %swap3A_1391 {strides = array<i32>} : memref<480xi32, #tpu.memory_space<vmem>>, vector<16xi32>,
    %swap3A_1392 = arith.constant 96 : index
    %swap3A_1393 = tpu.vector_load %arg9[%swap3A_1392] {strides = array<i32>} : memref<480xi32, #tpu.memory_space<vmem>>, vector<16xi32>,
    %swap3A_1394 = vector.shape_cast %swap3A_1393 : vector<16xi32> to vector<16xi32>
    %swap3A_1395 = vector.shape_cast %scan3A_1366#5 : vector<16xi32> to vector<16xi32>
    tpu.vector_store %arg9[%swap3A_1392], %swap3A_1395 {strides = array<i32>} : memref<480xi32, #tpu.memory_space<vmem>>, vector<16xi32>,
    %swap3A_1396 = arith.constant 112 : index
    %swap3A_1397 = tpu.vector_load %arg9[%swap3A_1396] {strides = array<i32>} : memref<480xi32, #tpu.memory_space<vmem>>, vector<16xi32>,
    %swap3A_1398 = vector.shape_cast %swap3A_1397 : vector<16xi32> to vector<16xi32>
    %swap3A_1399 = vector.shape_cast %scan3A_1366#6 : vector<16xi32> to vector<16xi32>
    tpu.vector_store %arg9[%swap3A_1396], %swap3A_1399 {strides = array<i32>} : memref<480xi32, #tpu.memory_space<vmem>>, vector<16xi32>,
    %swap3A_1400 = arith.constant 128 : index
    %swap3A_1401 = tpu.vector_load %arg9[%swap3A_1400] {strides = array<i32>} : memref<480xi32, #tpu.memory_space<vmem>>, vector<16xi32>,
    %swap3A_1402 = vector.shape_cast %swap3A_1401 : vector<16xi32> to vector<16xi32>
    %swap3A_1403 = vector.shape_cast %scan3A_1366#7 : vector<16xi32> to vector<16xi32>
    tpu.vector_store %arg9[%swap3A_1400], %swap3A_1403 {strides = array<i32>} : memref<480xi32, #tpu.memory_space<vmem>>, vector<16xi32>,
    %swap3A_1404 = arith.constant 144 : index
    %swap3A_1405 = tpu.vector_load %arg9[%swap3A_1404] {strides = array<i32>} : memref<480xi32, #tpu.memory_space<vmem>>, vector<16xi32>,
    %swap3A_1406 = vector.shape_cast %swap3A_1405 : vector<16xi32> to vector<16xi32>
    %swap3A_1407 = vector.shape_cast %scan3A_1366#8 : vector<16xi32> to vector<16xi32>
    tpu.vector_store %arg9[%swap3A_1404], %swap3A_1407 {strides = array<i32>} : memref<480xi32, #tpu.memory_space<vmem>>, vector<16xi32>,
    %swap3A_1408 = arith.constant 160 : index
    %swap3A_1409 = tpu.vector_load %arg9[%swap3A_1408] {strides = array<i32>} : memref<480xi32, #tpu.memory_space<vmem>>, vector<16xi32>,
    %swap3A_1410 = vector.shape_cast %swap3A_1409 : vector<16xi32> to vector<16xi32>
    %swap3A_1411 = vector.shape_cast %scan3A_1366#9 : vector<16xi32> to vector<16xi32>
    tpu.vector_store %arg9[%swap3A_1408], %swap3A_1411 {strides = array<i32>} : memref<480xi32, #tpu.memory_space<vmem>>, vector<16xi32>,
    %swap3A_1412 = arith.constant 176 : index
    %swap3A_1413 = tpu.vector_load %arg9[%swap3A_1412] {strides = array<i32>} : memref<480xi32, #tpu.memory_space<vmem>>, vector<16xi32>,
    %swap3A_1414 = vector.shape_cast %swap3A_1413 : vector<16xi32> to vector<16xi32>
    %swap3A_1415 = vector.shape_cast %scan3A_1366#10 : vector<16xi32> to vector<16xi32>
    tpu.vector_store %arg9[%swap3A_1412], %swap3A_1415 {strides = array<i32>} : memref<480xi32, #tpu.memory_space<vmem>>, vector<16xi32>,
    %swap3A_1416 = arith.constant 192 : index
    %swap3A_1417 = tpu.vector_load %arg9[%swap3A_1416] {strides = array<i32>} : memref<480xi32, #tpu.memory_space<vmem>>, vector<16xi32>,
    %swap3A_1418 = vector.shape_cast %swap3A_1417 : vector<16xi32> to vector<16xi32>
    %swap3A_1419 = vector.shape_cast %scan3A_1366#11 : vector<16xi32> to vector<16xi32>
    tpu.vector_store %arg9[%swap3A_1416], %swap3A_1419 {strides = array<i32>} : memref<480xi32, #tpu.memory_space<vmem>>, vector<16xi32>,
    %swap3A_1420 = arith.constant 208 : index
    %swap3A_1421 = tpu.vector_load %arg9[%swap3A_1420] {strides = array<i32>} : memref<480xi32, #tpu.memory_space<vmem>>, vector<16xi32>,
    %swap3A_1422 = vector.shape_cast %swap3A_1421 : vector<16xi32> to vector<16xi32>
    %swap3A_1423 = vector.shape_cast %scan3A_1366#12 : vector<16xi32> to vector<16xi32>
    tpu.vector_store %arg9[%swap3A_1420], %swap3A_1423 {strides = array<i32>} : memref<480xi32, #tpu.memory_space<vmem>>, vector<16xi32>,
    %swap3A_1424 = arith.constant 224 : index
    %swap3A_1425 = tpu.vector_load %arg9[%swap3A_1424] {strides = array<i32>} : memref<480xi32, #tpu.memory_space<vmem>>, vector<16xi32>,
    %swap3A_1426 = vector.shape_cast %swap3A_1425 : vector<16xi32> to vector<16xi32>
    %swap3A_1427 = vector.shape_cast %scan3A_1366#13 : vector<16xi32> to vector<16xi32>
    tpu.vector_store %arg9[%swap3A_1424], %swap3A_1427 {strides = array<i32>} : memref<480xi32, #tpu.memory_space<vmem>>, vector<16xi32>,
    %swap3A_1428 = arith.constant 240 : index
    %swap3A_1429 = tpu.vector_load %arg9[%swap3A_1428] {strides = array<i32>} : memref<480xi32, #tpu.memory_space<vmem>>, vector<16xi32>,
    %swap3A_1430 = vector.shape_cast %swap3A_1429 : vector<16xi32> to vector<16xi32>
    %swap3A_1431 = vector.shape_cast %scan3A_1366#14 : vector<16xi32> to vector<16xi32>
    tpu.vector_store %arg9[%swap3A_1428], %swap3A_1431 {strides = array<i32>} : memref<480xi32, #tpu.memory_space<vmem>>, vector<16xi32>,
    %swap3A_1432 = arith.constant 256 : index
    %swap3A_1433 = tpu.vector_load %arg9[%swap3A_1432] {strides = array<i32>} : memref<480xi32, #tpu.memory_space<vmem>>, vector<16xi32>,
    %swap3A_1434 = vector.shape_cast %swap3A_1433 : vector<16xi32> to vector<16xi32>
    %swap3A_1435 = vector.shape_cast %scan3A_1366#15 : vector<16xi32> to vector<16xi32>
    tpu.vector_store %arg9[%swap3A_1432], %swap3A_1435 {strides = array<i32>} : memref<480xi32, #tpu.memory_space<vmem>>, vector<16xi32>,
    %swap3A_1436 = arith.constant 272 : index
    %swap3A_1437 = tpu.vector_load %arg9[%swap3A_1436] {strides = array<i32>} : memref<480xi32, #tpu.memory_space<vmem>>, vector<16xi32>,
    %swap3A_1438 = vector.shape_cast %swap3A_1437 : vector<16xi32> to vector<16xi32>
    %swap3A_1439 = vector.shape_cast %scan3A_1366#16 : vector<16xi32> to vector<16xi32>
    tpu.vector_store %arg9[%swap3A_1436], %swap3A_1439 {strides = array<i32>} : memref<480xi32, #tpu.memory_space<vmem>>, vector<16xi32>,
    %swap3A_1440 = arith.constant 288 : index
    %swap3A_1441 = tpu.vector_load %arg9[%swap3A_1440] {strides = array<i32>} : memref<480xi32, #tpu.memory_space<vmem>>, vector<16xi32>,
    %swap3A_1442 = vector.shape_cast %swap3A_1441 : vector<16xi32> to vector<16xi32>
    %swap3A_1443 = vector.shape_cast %scan3A_1366#17 : vector<16xi32> to vector<16xi32>
    tpu.vector_store %arg9[%swap3A_1440], %swap3A_1443 {strides = array<i32>} : memref<480xi32, #tpu.memory_space<vmem>>, vector<16xi32>,
    %swap3A_1444 = arith.constant 304 : index
    %swap3A_1445 = tpu.vector_load %arg9[%swap3A_1444] {strides = array<i32>} : memref<480xi32, #tpu.memory_space<vmem>>, vector<16xi32>,
    %swap3A_1446 = vector.shape_cast %swap3A_1445 : vector<16xi32> to vector<16xi32>
    %swap3A_1447 = vector.shape_cast %scan3A_1366#18 : vector<16xi32> to vector<16xi32>
    tpu.vector_store %arg9[%swap3A_1444], %swap3A_1447 {strides = array<i32>} : memref<480xi32, #tpu.memory_space<vmem>>, vector<16xi32>,
    %swap3A_1448 = arith.constant 320 : index
    %swap3A_1449 = tpu.vector_load %arg9[%swap3A_1448] {strides = array<i32>} : memref<480xi32, #tpu.memory_space<vmem>>, vector<16xi32>,
    %swap3A_1450 = vector.shape_cast %swap3A_1449 : vector<16xi32> to vector<16xi32>
    %swap3A_1451 = vector.shape_cast %scan3A_1366#19 : vector<16xi32> to vector<16xi32>
    tpu.vector_store %arg9[%swap3A_1448], %swap3A_1451 {strides = array<i32>} : memref<480xi32, #tpu.memory_space<vmem>>, vector<16xi32>,
    %swap3A_1452 = arith.constant 336 : index
    %swap3A_1453 = tpu.vector_load %arg9[%swap3A_1452] {strides = array<i32>} : memref<480xi32, #tpu.memory_space<vmem>>, vector<16xi32>,
    %swap3A_1454 = vector.shape_cast %swap3A_1453 : vector<16xi32> to vector<16xi32>
    %swap3A_1455 = vector.shape_cast %scan3A_1366#20 : vector<16xi32> to vector<16xi32>
    tpu.vector_store %arg9[%swap3A_1452], %swap3A_1455 {strides = array<i32>} : memref<480xi32, #tpu.memory_space<vmem>>, vector<16xi32>,
    %swap3A_1456 = arith.constant 352 : index
    %swap3A_1457 = tpu.vector_load %arg9[%swap3A_1456] {strides = array<i32>} : memref<480xi32, #tpu.memory_space<vmem>>, vector<16xi32>,
    %swap3A_1458 = vector.shape_cast %swap3A_1457 : vector<16xi32> to vector<16xi32>
    %swap3A_1459 = vector.shape_cast %scan3A_1366#21 : vector<16xi32> to vector<16xi32>
    tpu.vector_store %arg9[%swap3A_1456], %swap3A_1459 {strides = array<i32>} : memref<480xi32, #tpu.memory_space<vmem>>, vector<16xi32>,
    %swap3A_1460 = arith.constant 368 : index
    %swap3A_1461 = tpu.vector_load %arg9[%swap3A_1460] {strides = array<i32>} : memref<480xi32, #tpu.memory_space<vmem>>, vector<16xi32>,
    %swap3A_1462 = vector.shape_cast %swap3A_1461 : vector<16xi32> to vector<16xi32>
    %swap3A_1463 = vector.shape_cast %scan3A_1366#22 : vector<16xi32> to vector<16xi32>
    tpu.vector_store %arg9[%swap3A_1460], %swap3A_1463 {strides = array<i32>} : memref<480xi32, #tpu.memory_space<vmem>>, vector<16xi32>,
    %swap3A_1464 = arith.constant 384 : index
    %swap3A_1465 = tpu.vector_load %arg9[%swap3A_1464] {strides = array<i32>} : memref<480xi32, #tpu.memory_space<vmem>>, vector<16xi32>,
    %swap3A_1466 = vector.shape_cast %swap3A_1465 : vector<16xi32> to vector<16xi32>
    %swap3A_1467 = vector.shape_cast %scan3A_1366#23 : vector<16xi32> to vector<16xi32>
    tpu.vector_store %arg9[%swap3A_1464], %swap3A_1467 {strides = array<i32>} : memref<480xi32, #tpu.memory_space<vmem>>, vector<16xi32>,
    %swap3A_1468 = arith.constant 400 : index
    %swap3A_1469 = tpu.vector_load %arg9[%swap3A_1468] {strides = array<i32>} : memref<480xi32, #tpu.memory_space<vmem>>, vector<16xi32>,
    %swap3A_1470 = vector.shape_cast %swap3A_1469 : vector<16xi32> to vector<16xi32>
    %swap3A_1471 = vector.shape_cast %scan3A_1366#24 : vector<16xi32> to vector<16xi32>
    tpu.vector_store %arg9[%swap3A_1468], %swap3A_1471 {strides = array<i32>} : memref<480xi32, #tpu.memory_space<vmem>>, vector<16xi32>,
    %swap3A_1472 = arith.constant 416 : index
    %swap3A_1473 = tpu.vector_load %arg9[%swap3A_1472] {strides = array<i32>} : memref<480xi32, #tpu.memory_space<vmem>>, vector<16xi32>,
    %swap3A_1474 = vector.shape_cast %swap3A_1473 : vector<16xi32> to vector<16xi32>
    %swap3A_1475 = vector.shape_cast %scan3A_1366#25 : vector<16xi32> to vector<16xi32>
    tpu.vector_store %arg9[%swap3A_1472], %swap3A_1475 {strides = array<i32>} : memref<480xi32, #tpu.memory_space<vmem>>, vector<16xi32>,
    %swap3A_1476 = arith.constant 432 : index
    %swap3A_1477 = tpu.vector_load %arg9[%swap3A_1476] {strides = array<i32>} : memref<480xi32, #tpu.memory_space<vmem>>, vector<16xi32>,
    %swap3A_1478 = vector.shape_cast %swap3A_1477 : vector<16xi32> to vector<16xi32>
    %swap3A_1479 = vector.shape_cast %scan3A_1366#26 : vector<16xi32> to vector<16xi32>
    tpu.vector_store %arg9[%swap3A_1476], %swap3A_1479 {strides = array<i32>} : memref<480xi32, #tpu.memory_space<vmem>>, vector<16xi32>,
    %swap3A_1480 = arith.constant 448 : index
    %swap3A_1481 = tpu.vector_load %arg9[%swap3A_1480] {strides = array<i32>} : memref<480xi32, #tpu.memory_space<vmem>>, vector<16xi32>,
    %swap3A_1482 = vector.shape_cast %swap3A_1481 : vector<16xi32> to vector<16xi32>
    %swap3A_1483 = vector.shape_cast %scan3A_1366#27 : vector<16xi32> to vector<16xi32>
    tpu.vector_store %arg9[%swap3A_1480], %swap3A_1483 {strides = array<i32>} : memref<480xi32, #tpu.memory_space<vmem>>, vector<16xi32>,
    %swap3A_1484 = arith.constant 464 : index
    %swap3A_1485 = tpu.vector_load %arg9[%swap3A_1484] {strides = array<i32>} : memref<480xi32, #tpu.memory_space<vmem>>, vector<16xi32>,
    %swap3A_1486 = vector.shape_cast %swap3A_1485 : vector<16xi32> to vector<16xi32>
    %swap3A_1487 = vector.shape_cast %scan3A_1366#28 : vector<16xi32> to vector<16xi32>
    tpu.vector_store %arg9[%swap3A_1484], %swap3A_1487 {strides = array<i32>} : memref<480xi32, #tpu.memory_space<vmem>>, vector<16xi32>,
    %scan3A_1488 = arith.constant 0 : i32
    %scan3A_1489 = arith.constant 0 : i32
    %scan3A_1490 = arith.constant 30 : i32
    %scan3A_1491 = arith.addi %scan3A_1489, %scan3A_1490 : i32
    %scan3A_1492 = arith.constant 1 : i32
    %scan3A_1493 = scf.for %scan3A_1947 = %scan3A_1489 to %scan3A_1491 step %scan3A_1492 iter_args(%scan3A_1948 = %scan3A_1488) -> (i32)  : i32 {
      %mul3A_1949 = arith.constant 16 : i32
      %mul3A_1950 = arith.muli %scan3A_1947, %mul3A_1949 : i32
      %get3A_1951 = arith.index_cast %mul3A_1950 : i32 to index
      %get3A_1952 = tpu.vector_load %arg9[%get3A_1951] {strides = array<i32>} : memref<480xi32, #tpu.memory_space<vmem>>, vector<16xi32>,
      %get3A_1953 = vector.shape_cast %get3A_1952 : vector<16xi32> to vector<16xi32>
      %shift_right_arithmetic3A_1954 = arith.constant 3 : i32
      %shift_right_arithmetic3A_1955 = vector.broadcast %shift_right_arithmetic3A_1954 : i32 to vector<16xi32>
      %shift_right_arithmetic3A_1956 = arith.shrsi %get3A_1953, %shift_right_arithmetic3A_1955 : vector<16xi32>
      %mul3A_1957 = arith.constant 8192 : i32
      %mul3A_1958 = vector.broadcast %mul3A_1957 : i32 to vector<16xi32>
      %mul3A_1959 = arith.muli %shift_right_arithmetic3A_1956, %mul3A_1958 : vector<16xi32>
      %and3A_1960 = arith.constant 7 : i32
      %and3A_1961 = vector.broadcast %and3A_1960 : i32 to vector<16xi32>
      %and3A_1962 = arith.andi %get3A_1953, %and3A_1961 : vector<16xi32>
      %shift_left3A_1963 = arith.constant 7 : i32
      %shift_left3A_1964 = vector.broadcast %shift_left3A_1963 : i32 to vector<16xi32>
      %shift_left3A_1965 = arith.shli %and3A_1962, %shift_left3A_1964 : vector<16xi32>
      %add3A_1966 = arith.addi %mul3A_1959, %shift_left3A_1965 : vector<16xi32>
      %add3A_1967 = arith.addi %add3A_1966, %add3A_786 : vector<16xi32>
      %mul3A_1968 = arith.constant 16 : i32
      %mul3A_1969 = arith.muli %scan3A_1947, %mul3A_1968 : i32
      %add3A_1970 = arith.constant 480 : i32
      %add3A_1971 = arith.addi %add3A_1970, %mul3A_1969 : i32
      %swap3A_1972 = arith.index_cast %add3A_1971 : i32 to index
      %swap3A_1973 = tpu.vector_load %arg10[%swap3A_1972] {strides = array<i32>} : memref<960xi32, #tpu.memory_space<vmem>>, vector<16xi32>,
      %swap3A_1974 = vector.shape_cast %swap3A_1973 : vector<16xi32> to vector<16xi32>
      %swap3A_1975 = vector.shape_cast %add3A_1967 : vector<16xi32> to vector<16xi32>
      tpu.vector_store %arg10[%swap3A_1972], %swap3A_1975 {strides = array<i32>} : memref<960xi32, #tpu.memory_space<vmem>>, vector<16xi32>,
      %scan3A_1976 = arith.constant 0 : i32
      scf.yield %scan3A_1976 : i32
    }
    %scan3A_1494 = arith.constant 30 : i32
    %dma_start3A_1495 = arith.constant 480 : i32
    %dma_start3A_1496 = tpu.memref_slice %arg11[%dma_start3A_1495] : memref<960xf32, #tpu.memory_space<vmem>> -> memref<120xf32, #tpu.memory_space<vmem>>
    %dma_start3A_1497 = arith.constant 480 : i32
    %dma_start3A_1498 = tpu.memref_slice %arg10[%dma_start3A_1497] : memref<960xi32, #tpu.memory_space<vmem>> -> memref<120xi32, #tpu.memory_space<vmem>>
    %dma_start3A_1499 = arith.constant 0 : i32
    %dma_start3A_1500 = tpu.memref_slice %arg2[%dma_start3A_1499] : memref<102400000xf32, #tpu.memory_space<hbm>> -> memref<102400000xf32, #tpu.memory_space<hbm>>
    tpu.enqueue_indirect_dma source(%dma_start3A_1500 : memref<102400000xf32, #tpu.memory_space<hbm>>) target(%dma_start3A_1496 : memref<120xf32, #tpu.memory_space<vmem>>) offsets(%dma_start3A_1498 : memref<120xi32, #tpu.memory_space<vmem>>) semaphore(%arg13 : memref<!tpu.dma_semaphore, #tpu.memory_space<semaphore_mem>>)
    %dma_start3A_1501 = arith.constant 600 : i32
    %dma_start3A_1502 = tpu.memref_slice %arg11[%dma_start3A_1501] : memref<960xf32, #tpu.memory_space<vmem>> -> memref<120xf32, #tpu.memory_space<vmem>>
    %dma_start3A_1503 = arith.constant 600 : i32
    %dma_start3A_1504 = tpu.memref_slice %arg10[%dma_start3A_1503] : memref<960xi32, #tpu.memory_space<vmem>> -> memref<120xi32, #tpu.memory_space<vmem>>
    %dma_start3A_1505 = arith.constant 0 : i32
    %dma_start3A_1506 = tpu.memref_slice %arg2[%dma_start3A_1505] : memref<102400000xf32, #tpu.memory_space<hbm>> -> memref<102400000xf32, #tpu.memory_space<hbm>>
    tpu.enqueue_indirect_dma source(%dma_start3A_1506 : memref<102400000xf32, #tpu.memory_space<hbm>>) target(%dma_start3A_1502 : memref<120xf32, #tpu.memory_space<vmem>>) offsets(%dma_start3A_1504 : memref<120xi32, #tpu.memory_space<vmem>>) semaphore(%arg13 : memref<!tpu.dma_semaphore, #tpu.memory_space<semaphore_mem>>)
    %dma_start3A_1507 = arith.constant 720 : i32
    %dma_start3A_1508 = tpu.memref_slice %arg11[%dma_start3A_1507] : memref<960xf32, #tpu.memory_space<vmem>> -> memref<120xf32, #tpu.memory_space<vmem>>
    %dma_start3A_1509 = arith.constant 720 : i32
    %dma_start3A_1510 = tpu.memref_slice %arg10[%dma_start3A_1509] : memref<960xi32, #tpu.memory_space<vmem>> -> memref<120xi32, #tpu.memory_space<vmem>>
    %dma_start3A_1511 = arith.constant 0 : i32
    %dma_start3A_1512 = tpu.memref_slice %arg2[%dma_start3A_1511] : memref<102400000xf32, #tpu.memory_space<hbm>> -> memref<102400000xf32, #tpu.memory_space<hbm>>
    tpu.enqueue_indirect_dma source(%dma_start3A_1512 : memref<102400000xf32, #tpu.memory_space<hbm>>) target(%dma_start3A_1508 : memref<120xf32, #tpu.memory_space<vmem>>) offsets(%dma_start3A_1510 : memref<120xi32, #tpu.memory_space<vmem>>) semaphore(%arg13 : memref<!tpu.dma_semaphore, #tpu.memory_space<semaphore_mem>>)
    %dma_start3A_1513 = arith.constant 840 : i32
    %dma_start3A_1514 = tpu.memref_slice %arg11[%dma_start3A_1513] : memref<960xf32, #tpu.memory_space<vmem>> -> memref<120xf32, #tpu.memory_space<vmem>>
    %dma_start3A_1515 = arith.constant 840 : i32
    %dma_start3A_1516 = tpu.memref_slice %arg10[%dma_start3A_1515] : memref<960xi32, #tpu.memory_space<vmem>> -> memref<120xi32, #tpu.memory_space<vmem>>
    %dma_start3A_1517 = arith.constant 0 : i32
    %dma_start3A_1518 = tpu.memref_slice %arg2[%dma_start3A_1517] : memref<102400000xf32, #tpu.memory_space<hbm>> -> memref<102400000xf32, #tpu.memory_space<hbm>>
    tpu.enqueue_indirect_dma source(%dma_start3A_1518 : memref<102400000xf32, #tpu.memory_space<hbm>>) target(%dma_start3A_1514 : memref<120xf32, #tpu.memory_space<vmem>>) offsets(%dma_start3A_1516 : memref<120xi32, #tpu.memory_space<vmem>>) semaphore(%arg13 : memref<!tpu.dma_semaphore, #tpu.memory_space<semaphore_mem>>)
    %broadcast_in_dim3A_1519 = arith.constant 0.000000e+00 : f32
    %broadcast_in_dim3A_1520 = vector.broadcast %broadcast_in_dim3A_1519 : f32 to vector<16xf32>
    %broadcast_in_dim3A_1521 = arith.constant 0.000000e+00 : f32
    %broadcast_in_dim3A_1522 = vector.broadcast %broadcast_in_dim3A_1521 : f32 to vector<16xf32>
    %broadcast_in_dim3A_1523 = arith.constant 0.000000e+00 : f32
    %broadcast_in_dim3A_1524 = vector.broadcast %broadcast_in_dim3A_1523 : f32 to vector<16xf32>
    %broadcast_in_dim3A_1525 = arith.constant 0.000000e+00 : f32
    %broadcast_in_dim3A_1526 = vector.broadcast %broadcast_in_dim3A_1525 : f32 to vector<16xf32>
    %broadcast_in_dim3A_1527 = arith.constant 0.000000e+00 : f32
    %broadcast_in_dim3A_1528 = vector.broadcast %broadcast_in_dim3A_1527 : f32 to vector<16xf32>
    %broadcast_in_dim3A_1529 = arith.constant 0.000000e+00 : f32
    %broadcast_in_dim3A_1530 = vector.broadcast %broadcast_in_dim3A_1529 : f32 to vector<16xf32>
    %broadcast_in_dim3A_1531 = arith.constant 0.000000e+00 : f32
    %broadcast_in_dim3A_1532 = vector.broadcast %broadcast_in_dim3A_1531 : f32 to vector<16xf32>
    %broadcast_in_dim3A_1533 = arith.constant 0.000000e+00 : f32
    %broadcast_in_dim3A_1534 = vector.broadcast %broadcast_in_dim3A_1533 : f32 to vector<16xf32>
    %dma_wait3A_1535 = arith.constant 0 : i32
    %dma_wait3A_1536 = tpu.memref_slice %arg11[%dma_wait3A_1535] : memref<960xf32, #tpu.memory_space<vmem>> -> memref<120xf32, #tpu.memory_space<vmem>>
    %dma_wait3A_1537 = arith.constant 0 : i32
    %dma_wait3A_1538 = tpu.memref_slice %arg10[%dma_wait3A_1537] : memref<960xi32, #tpu.memory_space<vmem>> -> memref<120xi32, #tpu.memory_space<vmem>>
    %dma_wait3A_1539 = arith.constant 0 : i32
    %dma_wait3A_1540 = tpu.memref_slice %arg2[%dma_wait3A_1539] : memref<102400000xf32, #tpu.memory_space<hbm>> -> memref<102400000xf32, #tpu.memory_space<hbm>>
    tpu.wait_indirect_dma semaphore(%arg14 : memref<!tpu.dma_semaphore, #tpu.memory_space<semaphore_mem>>) src(%dma_wait3A_1540 : memref<102400000xf32, #tpu.memory_space<hbm>>) dst(%dma_wait3A_1536 : memref<120xf32, #tpu.memory_space<vmem>>)
    %dma_wait3A_1541 = arith.constant 120 : i32
    %dma_wait3A_1542 = tpu.memref_slice %arg11[%dma_wait3A_1541] : memref<960xf32, #tpu.memory_space<vmem>> -> memref<120xf32, #tpu.memory_space<vmem>>
    %dma_wait3A_1543 = arith.constant 120 : i32
    %dma_wait3A_1544 = tpu.memref_slice %arg10[%dma_wait3A_1543] : memref<960xi32, #tpu.memory_space<vmem>> -> memref<120xi32, #tpu.memory_space<vmem>>
    %dma_wait3A_1545 = arith.constant 0 : i32
    %dma_wait3A_1546 = tpu.memref_slice %arg2[%dma_wait3A_1545] : memref<102400000xf32, #tpu.memory_space<hbm>> -> memref<102400000xf32, #tpu.memory_space<hbm>>
    tpu.wait_indirect_dma semaphore(%arg14 : memref<!tpu.dma_semaphore, #tpu.memory_space<semaphore_mem>>) src(%dma_wait3A_1546 : memref<102400000xf32, #tpu.memory_space<hbm>>) dst(%dma_wait3A_1542 : memref<120xf32, #tpu.memory_space<vmem>>)
    %dma_wait3A_1547 = arith.constant 240 : i32
    %dma_wait3A_1548 = tpu.memref_slice %arg11[%dma_wait3A_1547] : memref<960xf32, #tpu.memory_space<vmem>> -> memref<120xf32, #tpu.memory_space<vmem>>
    %dma_wait3A_1549 = arith.constant 240 : i32
    %dma_wait3A_1550 = tpu.memref_slice %arg10[%dma_wait3A_1549] : memref<960xi32, #tpu.memory_space<vmem>> -> memref<120xi32, #tpu.memory_space<vmem>>
    %dma_wait3A_1551 = arith.constant 0 : i32
    %dma_wait3A_1552 = tpu.memref_slice %arg2[%dma_wait3A_1551] : memref<102400000xf32, #tpu.memory_space<hbm>> -> memref<102400000xf32, #tpu.memory_space<hbm>>
    tpu.wait_indirect_dma semaphore(%arg14 : memref<!tpu.dma_semaphore, #tpu.memory_space<semaphore_mem>>) src(%dma_wait3A_1552 : memref<102400000xf32, #tpu.memory_space<hbm>>) dst(%dma_wait3A_1548 : memref<120xf32, #tpu.memory_space<vmem>>)
    %dma_wait3A_1553 = arith.constant 360 : i32
    %dma_wait3A_1554 = tpu.memref_slice %arg11[%dma_wait3A_1553] : memref<960xf32, #tpu.memory_space<vmem>> -> memref<120xf32, #tpu.memory_space<vmem>>
    %dma_wait3A_1555 = arith.constant 360 : i32
    %dma_wait3A_1556 = tpu.memref_slice %arg10[%dma_wait3A_1555] : memref<960xi32, #tpu.memory_space<vmem>> -> memref<120xi32, #tpu.memory_space<vmem>>
    %dma_wait3A_1557 = arith.constant 0 : i32
    %dma_wait3A_1558 = tpu.memref_slice %arg2[%dma_wait3A_1557] : memref<102400000xf32, #tpu.memory_space<hbm>> -> memref<102400000xf32, #tpu.memory_space<hbm>>
    tpu.wait_indirect_dma semaphore(%arg14 : memref<!tpu.dma_semaphore, #tpu.memory_space<semaphore_mem>>) src(%dma_wait3A_1558 : memref<102400000xf32, #tpu.memory_space<hbm>>) dst(%dma_wait3A_1554 : memref<120xf32, #tpu.memory_space<vmem>>)
    %get3A_1559 = arith.constant 0 : index
    %get3A_1560 = tpu.vector_load %arg11[%get3A_1559] {strides = array<i32>} : memref<960xf32, #tpu.memory_space<vmem>>, vector<16xf32>,
    %get3A_1561 = vector.shape_cast %get3A_1560 : vector<16xf32> to vector<16xf32>
    %broadcast_in_dim3A_1562 = arith.constant 1.000000e+00 : f32
    %broadcast_in_dim3A_1563 = vector.broadcast %broadcast_in_dim3A_1562 : f32 to vector<16xf32>
    %broadcast_in_dim3A_1564 = arith.constant 0.000000e+00 : f32
    %broadcast_in_dim3A_1565 = vector.broadcast %broadcast_in_dim3A_1564 : f32 to vector<16xf32>
    %scan3A_1566 = arith.constant 1 : i32
    %scan3A_1567 = arith.constant 29 : i32
    %scan3A_1568 = arith.addi %scan3A_1566, %scan3A_1567 : i32
    %scan3A_1569 = arith.constant 1 : i32
    %scan3A_1570:2 = scf.for %scan3A_1947 = %scan3A_1566 to %scan3A_1568 step %scan3A_1569 iter_args(%scan3A_1948 = %broadcast_in_dim3A_1565, %scan3A_1949 = %get3A_1561) -> (vector<16xf32>, vector<16xf32>)  : i32 {
      %mul3A_1950 = arith.constant 16 : i32
      %mul3A_1951 = arith.muli %scan3A_1947, %mul3A_1950 : i32
      %add3A_1952 = arith.constant 0 : i32
      %add3A_1953 = arith.addi %add3A_1952, %mul3A_1951 : i32
      %get3A_1954 = arith.index_cast %add3A_1953 : i32 to index
      %get3A_1955 = tpu.vector_load %arg11[%get3A_1954] {strides = array<i32>} : memref<960xf32, #tpu.memory_space<vmem>>, vector<16xf32>,
      %get3A_1956 = vector.shape_cast %get3A_1955 : vector<16xf32> to vector<16xf32>
      %gt3A_1957 = arith.cmpf ogt, %get3A_1956, %get3A_1561 : vector<16xf32>
      %select_n3A_1958 = arith.select %gt3A_1957, %broadcast_in_dim3A_1563, %broadcast_in_dim3A_1565 : vector<16xi1>, vector<16xf32>
      %add3A_1959 = arith.addf %scan3A_1948, %select_n3A_1958 : vector<16xf32>
      %max3A_1960 = arith.maximumf %scan3A_1949, %get3A_1956 : vector<16xf32>
      scf.yield %add3A_1959, %max3A_1960 : vector<16xf32>, vector<16xf32>
    }
    %scan3A_1571 = arith.constant 29 : i32
    %scan3A_1572 = arith.constant 0 : i32
    %scan3A_1573 = arith.constant 30 : i32
    %scan3A_1574 = arith.addi %scan3A_1572, %scan3A_1573 : i32
    %scan3A_1575 = arith.constant 1 : i32
    %scan3A_1576 = scf.for %scan3A_1947 = %scan3A_1572 to %scan3A_1574 step %scan3A_1575 iter_args(%scan3A_1948 = %broadcast_in_dim3A_1565) -> (vector<16xf32>)  : i32 {
      %mul3A_1949 = arith.constant 16 : i32
      %mul3A_1950 = arith.muli %scan3A_1947, %mul3A_1949 : i32
      %add3A_1951 = arith.constant 0 : i32
      %add3A_1952 = arith.addi %add3A_1951, %mul3A_1950 : i32
      %get3A_1953 = arith.index_cast %add3A_1952 : i32 to index
      %get3A_1954 = tpu.vector_load %arg11[%get3A_1953] {strides = array<i32>} : memref<960xf32, #tpu.memory_space<vmem>>, vector<16xf32>,
      %get3A_1955 = vector.shape_cast %get3A_1954 : vector<16xf32> to vector<16xf32>
      %sub3A_1956 = arith.subf %get3A_1955, %scan3A_1570#1 : vector<16xf32>
      %exp3A = math.exp %sub3A_1956 : vector<16xf32>
      %add3A_1957 = arith.addf %scan3A_1948, %exp3A : vector<16xf32>
      scf.yield %add3A_1957 : vector<16xf32>
    }
    %scan3A_1577 = arith.constant 30 : i32
    %add3A_1578 = arith.constant 2.000000e+00 : f32
    %add3A_1579 = vector.broadcast %add3A_1578 : f32 to vector<16xf32>
    %add3A_1580 = arith.addf %scan3A_1570#0, %add3A_1579 : vector<16xf32>
    %bitcast_convert_type3A = tpu.bitcast %add3A_1580 : vector<16xf32> -> vector<16xi32>
    %shift_right_arithmetic3A_1581 = arith.constant 23 : i32
    %shift_right_arithmetic3A_1582 = vector.broadcast %shift_right_arithmetic3A_1581 : i32 to vector<16xi32>
    %shift_right_arithmetic3A_1583 = arith.shrsi %bitcast_convert_type3A, %shift_right_arithmetic3A_1582 : vector<16xi32>
    %and3A_1584 = arith.constant 255 : i32
    %and3A_1585 = vector.broadcast %and3A_1584 : i32 to vector<16xi32>
    %and3A_1586 = arith.andi %shift_right_arithmetic3A_1583, %and3A_1585 : vector<16xi32>
    %sub3A = arith.constant 127 : i32
    %sub3A_1587 = vector.broadcast %sub3A : i32 to vector<16xi32>
    %sub3A_1588 = arith.subi %and3A_1586, %sub3A_1587 : vector<16xi32>
    %and3A_1589 = arith.constant 8388607 : i32
    %and3A_1590 = vector.broadcast %and3A_1589 : i32 to vector<16xi32>
    %and3A_1591 = arith.andi %bitcast_convert_type3A, %and3A_1590 : vector<16xi32>
    %or3A = arith.constant 1065353216 : i32
    %or3A_1592 = vector.broadcast %or3A : i32 to vector<16xi32>
    %or3A_1593 = arith.ori %and3A_1591, %or3A_1592 : vector<16xi32>
    %bitcast_convert_type3A_1594 = tpu.bitcast %or3A_1593 : vector<16xi32> -> vector<16xf32>
    %gt3A = arith.constant 1.41421354 : f32
    %gt3A_1595 = vector.broadcast %gt3A : f32 to vector<16xf32>
    %gt3A_1596 = arith.cmpf ogt, %bitcast_convert_type3A_1594, %gt3A_1595 : vector<16xf32>
    %broadcast_in_dim3A_1597 = arith.constant 1 : i32
    %broadcast_in_dim3A_1598 = vector.broadcast %broadcast_in_dim3A_1597 : i32 to vector<16xi32>
    %broadcast_in_dim3A_1599 = arith.constant 0 : i32
    %broadcast_in_dim3A_1600 = vector.broadcast %broadcast_in_dim3A_1599 : i32 to vector<16xi32>
    %mul3A_1601 = arith.constant 5.000000e-01 : f32
    %mul3A_1602 = vector.broadcast %mul3A_1601 : f32 to vector<16xf32>
    %mul3A_1603 = arith.mulf %bitcast_convert_type3A_1594, %mul3A_1602 : vector<16xf32>
    %select_n3A = arith.select %gt3A_1596, %mul3A_1603, %bitcast_convert_type3A_1594 : vector<16xi1>, vector<16xf32>
    %select_n3A_1604 = arith.select %gt3A_1596, %broadcast_in_dim3A_1598, %broadcast_in_dim3A_1600 : vector<16xi1>, vector<16xi32>
    %add3A_1605 = arith.addi %sub3A_1588, %select_n3A_1604 : vector<16xi32>
    %convert_element_type3A = arith.sitofp %add3A_1605 : vector<16xi32> to vector<16xf32>
    %sub3A_1606 = arith.constant 1.000000e+00 : f32
    %sub3A_1607 = vector.broadcast %sub3A_1606 : f32 to vector<16xf32>
    %sub3A_1608 = arith.subf %select_n3A, %sub3A_1607 : vector<16xf32>
    %add3A_1609 = arith.constant 1.000000e+00 : f32
    %add3A_1610 = vector.broadcast %add3A_1609 : f32 to vector<16xf32>
    %add3A_1611 = arith.addf %select_n3A, %add3A_1610 : vector<16xf32>
    %div3A = arith.divf %sub3A_1608, %add3A_1611 : vector<16xf32>
    %mul3A_1612 = arith.mulf %div3A, %div3A : vector<16xf32>
    %mul3A_1613 = arith.constant 0.285714298 : f32
    %mul3A_1614 = vector.broadcast %mul3A_1613 : f32 to vector<16xf32>
    %mul3A_1615 = arith.mulf %mul3A_1612, %mul3A_1614 : vector<16xf32>
    %add3A_1616 = arith.constant 4.000000e-01 : f32
    %add3A_1617 = vector.broadcast %add3A_1616 : f32 to vector<16xf32>
    %add3A_1618 = arith.addf %add3A_1617, %mul3A_1615 : vector<16xf32>
    %mul3A_1619 = arith.mulf %mul3A_1612, %add3A_1618 : vector<16xf32>
    %add3A_1620 = arith.constant 0.666666686 : f32
    %add3A_1621 = vector.broadcast %add3A_1620 : f32 to vector<16xf32>
    %add3A_1622 = arith.addf %add3A_1621, %mul3A_1619 : vector<16xf32>
    %mul3A_1623 = arith.mulf %mul3A_1612, %add3A_1622 : vector<16xf32>
    %add3A_1624 = arith.constant 2.000000e+00 : f32
    %add3A_1625 = vector.broadcast %add3A_1624 : f32 to vector<16xf32>
    %add3A_1626 = arith.addf %add3A_1625, %mul3A_1623 : vector<16xf32>
    %mul3A_1627 = arith.constant 0.693147182 : f32
    %mul3A_1628 = vector.broadcast %mul3A_1627 : f32 to vector<16xf32>
    %mul3A_1629 = arith.mulf %convert_element_type3A, %mul3A_1628 : vector<16xf32>
    %mul3A_1630 = arith.mulf %div3A, %add3A_1626 : vector<16xf32>
    %add3A_1631 = arith.addf %mul3A_1629, %mul3A_1630 : vector<16xf32>
    %div3A_1632 = arith.constant 0.693147182 : f32
    %div3A_1633 = vector.broadcast %div3A_1632 : f32 to vector<16xf32>
    %div3A_1634 = arith.divf %div3A_1633, %add3A_1631 : vector<16xf32>
    %bitcast_convert_type3A_1635 = tpu.bitcast %scan3A_1576 : vector<16xf32> -> vector<16xi32>
    %shift_right_arithmetic3A_1636 = arith.constant 23 : i32
    %shift_right_arithmetic3A_1637 = vector.broadcast %shift_right_arithmetic3A_1636 : i32 to vector<16xi32>
    %shift_right_arithmetic3A_1638 = arith.shrsi %bitcast_convert_type3A_1635, %shift_right_arithmetic3A_1637 : vector<16xi32>
    %and3A_1639 = arith.constant 255 : i32
    %and3A_1640 = vector.broadcast %and3A_1639 : i32 to vector<16xi32>
    %and3A_1641 = arith.andi %shift_right_arithmetic3A_1638, %and3A_1640 : vector<16xi32>
    %sub3A_1642 = arith.constant 127 : i32
    %sub3A_1643 = vector.broadcast %sub3A_1642 : i32 to vector<16xi32>
    %sub3A_1644 = arith.subi %and3A_1641, %sub3A_1643 : vector<16xi32>
    %and3A_1645 = arith.constant 8388607 : i32
    %and3A_1646 = vector.broadcast %and3A_1645 : i32 to vector<16xi32>
    %and3A_1647 = arith.andi %bitcast_convert_type3A_1635, %and3A_1646 : vector<16xi32>
    %or3A_1648 = arith.constant 1065353216 : i32
    %or3A_1649 = vector.broadcast %or3A_1648 : i32 to vector<16xi32>
    %or3A_1650 = arith.ori %and3A_1647, %or3A_1649 : vector<16xi32>
    %bitcast_convert_type3A_1651 = tpu.bitcast %or3A_1650 : vector<16xi32> -> vector<16xf32>
    %gt3A_1652 = arith.constant 1.41421354 : f32
    %gt3A_1653 = vector.broadcast %gt3A_1652 : f32 to vector<16xf32>
    %gt3A_1654 = arith.cmpf ogt, %bitcast_convert_type3A_1651, %gt3A_1653 : vector<16xf32>
    %broadcast_in_dim3A_1655 = arith.constant 1 : i32
    %broadcast_in_dim3A_1656 = vector.broadcast %broadcast_in_dim3A_1655 : i32 to vector<16xi32>
    %broadcast_in_dim3A_1657 = arith.constant 0 : i32
    %broadcast_in_dim3A_1658 = vector.broadcast %broadcast_in_dim3A_1657 : i32 to vector<16xi32>
    %mul3A_1659 = arith.constant 5.000000e-01 : f32
    %mul3A_1660 = vector.broadcast %mul3A_1659 : f32 to vector<16xf32>
    %mul3A_1661 = arith.mulf %bitcast_convert_type3A_1651, %mul3A_1660 : vector<16xf32>
    %select_n3A_1662 = arith.select %gt3A_1654, %mul3A_1661, %bitcast_convert_type3A_1651 : vector<16xi1>, vector<16xf32>
    %select_n3A_1663 = arith.select %gt3A_1654, %broadcast_in_dim3A_1656, %broadcast_in_dim3A_1658 : vector<16xi1>, vector<16xi32>
    %add3A_1664 = arith.addi %sub3A_1644, %select_n3A_1663 : vector<16xi32>
    %convert_element_type3A_1665 = arith.sitofp %add3A_1664 : vector<16xi32> to vector<16xf32>
    %sub3A_1666 = arith.constant 1.000000e+00 : f32
    %sub3A_1667 = vector.broadcast %sub3A_1666 : f32 to vector<16xf32>
    %sub3A_1668 = arith.subf %select_n3A_1662, %sub3A_1667 : vector<16xf32>
    %add3A_1669 = arith.constant 1.000000e+00 : f32
    %add3A_1670 = vector.broadcast %add3A_1669 : f32 to vector<16xf32>
    %add3A_1671 = arith.addf %select_n3A_1662, %add3A_1670 : vector<16xf32>
    %div3A_1672 = arith.divf %sub3A_1668, %add3A_1671 : vector<16xf32>
    %mul3A_1673 = arith.mulf %div3A_1672, %div3A_1672 : vector<16xf32>
    %mul3A_1674 = arith.constant 0.285714298 : f32
    %mul3A_1675 = vector.broadcast %mul3A_1674 : f32 to vector<16xf32>
    %mul3A_1676 = arith.mulf %mul3A_1673, %mul3A_1675 : vector<16xf32>
    %add3A_1677 = arith.constant 4.000000e-01 : f32
    %add3A_1678 = vector.broadcast %add3A_1677 : f32 to vector<16xf32>
    %add3A_1679 = arith.addf %add3A_1678, %mul3A_1676 : vector<16xf32>
    %mul3A_1680 = arith.mulf %mul3A_1673, %add3A_1679 : vector<16xf32>
    %add3A_1681 = arith.constant 0.666666686 : f32
    %add3A_1682 = vector.broadcast %add3A_1681 : f32 to vector<16xf32>
    %add3A_1683 = arith.addf %add3A_1682, %mul3A_1680 : vector<16xf32>
    %mul3A_1684 = arith.mulf %mul3A_1673, %add3A_1683 : vector<16xf32>
    %add3A_1685 = arith.constant 2.000000e+00 : f32
    %add3A_1686 = vector.broadcast %add3A_1685 : f32 to vector<16xf32>
    %add3A_1687 = arith.addf %add3A_1686, %mul3A_1684 : vector<16xf32>
    %mul3A_1688 = arith.constant 0.693147182 : f32
    %mul3A_1689 = vector.broadcast %mul3A_1688 : f32 to vector<16xf32>
    %mul3A_1690 = arith.mulf %convert_element_type3A_1665, %mul3A_1689 : vector<16xf32>
    %mul3A_1691 = arith.mulf %div3A_1672, %add3A_1687 : vector<16xf32>
    %add3A_1692 = arith.addf %mul3A_1690, %mul3A_1691 : vector<16xf32>
    %sub3A_1693 = arith.subf %scan3A_1570#1, %get3A_1561 : vector<16xf32>
    %add3A_1694 = arith.addf %add3A_1692, %sub3A_1693 : vector<16xf32>
    %add3A_1695 = arith.constant 1.000000e+00 : f32
    %add3A_1696 = vector.broadcast %add3A_1695 : f32 to vector<16xf32>
    %add3A_1697 = arith.addf %scan3A_1570#0, %add3A_1696 : vector<16xf32>
    %div3A_1698 = arith.divf %broadcast_in_dim3A_1563, %add3A_1697 : vector<16xf32>
    %lt3A = arith.constant 1.000000e+00 : f32
    %lt3A_1699 = vector.broadcast %lt3A : f32 to vector<16xf32>
    %lt3A_1700 = arith.cmpf olt, %scan3A_1570#0, %lt3A_1699 : vector<16xf32>
    %select_n3A_1701 = arith.select %lt3A_1700, %broadcast_in_dim3A_1563, %broadcast_in_dim3A_1565 : vector<16xi1>, vector<16xf32>
    %add3A_1702 = arith.addf %broadcast_in_dim3A_1520, %select_n3A_1701 : vector<16xf32>
    %mul3A_1703 = arith.mulf %select_n3A_1701, %div3A_1634 : vector<16xf32>
    %add3A_1704 = arith.addf %broadcast_in_dim3A_1522, %mul3A_1703 : vector<16xf32>
    %lt3A_1705 = arith.constant 5.000000e+00 : f32
    %lt3A_1706 = vector.broadcast %lt3A_1705 : f32 to vector<16xf32>
    %lt3A_1707 = arith.cmpf olt, %scan3A_1570#0, %lt3A_1706 : vector<16xf32>
    %select_n3A_1708 = arith.select %lt3A_1707, %broadcast_in_dim3A_1563, %broadcast_in_dim3A_1565 : vector<16xi1>, vector<16xf32>
    %add3A_1709 = arith.addf %broadcast_in_dim3A_1524, %select_n3A_1708 : vector<16xf32>
    %mul3A_1710 = arith.mulf %select_n3A_1708, %div3A_1634 : vector<16xf32>
    %add3A_1711 = arith.addf %broadcast_in_dim3A_1526, %mul3A_1710 : vector<16xf32>
    %lt3A_1712 = arith.constant 1.000000e+01 : f32
    %lt3A_1713 = vector.broadcast %lt3A_1712 : f32 to vector<16xf32>
    %lt3A_1714 = arith.cmpf olt, %scan3A_1570#0, %lt3A_1713 : vector<16xf32>
    %select_n3A_1715 = arith.select %lt3A_1714, %broadcast_in_dim3A_1563, %broadcast_in_dim3A_1565 : vector<16xi1>, vector<16xf32>
    %add3A_1716 = arith.addf %broadcast_in_dim3A_1528, %select_n3A_1715 : vector<16xf32>
    %mul3A_1717 = arith.mulf %select_n3A_1715, %div3A_1634 : vector<16xf32>
    %add3A_1718 = arith.addf %broadcast_in_dim3A_1530, %mul3A_1717 : vector<16xf32>
    %add3A_1719 = arith.addf %broadcast_in_dim3A_1532, %div3A_1698 : vector<16xf32>
    %add3A_1720 = arith.addf %broadcast_in_dim3A_1534, %add3A_1694 : vector<16xf32>
    %dma_wait3A_1721 = arith.constant 480 : i32
    %dma_wait3A_1722 = tpu.memref_slice %arg11[%dma_wait3A_1721] : memref<960xf32, #tpu.memory_space<vmem>> -> memref<120xf32, #tpu.memory_space<vmem>>
    %dma_wait3A_1723 = arith.constant 480 : i32
    %dma_wait3A_1724 = tpu.memref_slice %arg10[%dma_wait3A_1723] : memref<960xi32, #tpu.memory_space<vmem>> -> memref<120xi32, #tpu.memory_space<vmem>>
    %dma_wait3A_1725 = arith.constant 0 : i32
    %dma_wait3A_1726 = tpu.memref_slice %arg2[%dma_wait3A_1725] : memref<102400000xf32, #tpu.memory_space<hbm>> -> memref<102400000xf32, #tpu.memory_space<hbm>>
    tpu.wait_indirect_dma semaphore(%arg13 : memref<!tpu.dma_semaphore, #tpu.memory_space<semaphore_mem>>) src(%dma_wait3A_1726 : memref<102400000xf32, #tpu.memory_space<hbm>>) dst(%dma_wait3A_1722 : memref<120xf32, #tpu.memory_space<vmem>>)
    %dma_wait3A_1727 = arith.constant 600 : i32
    %dma_wait3A_1728 = tpu.memref_slice %arg11[%dma_wait3A_1727] : memref<960xf32, #tpu.memory_space<vmem>> -> memref<120xf32, #tpu.memory_space<vmem>>
    %dma_wait3A_1729 = arith.constant 600 : i32
    %dma_wait3A_1730 = tpu.memref_slice %arg10[%dma_wait3A_1729] : memref<960xi32, #tpu.memory_space<vmem>> -> memref<120xi32, #tpu.memory_space<vmem>>
    %dma_wait3A_1731 = arith.constant 0 : i32
    %dma_wait3A_1732 = tpu.memref_slice %arg2[%dma_wait3A_1731] : memref<102400000xf32, #tpu.memory_space<hbm>> -> memref<102400000xf32, #tpu.memory_space<hbm>>
    tpu.wait_indirect_dma semaphore(%arg13 : memref<!tpu.dma_semaphore, #tpu.memory_space<semaphore_mem>>) src(%dma_wait3A_1732 : memref<102400000xf32, #tpu.memory_space<hbm>>) dst(%dma_wait3A_1728 : memref<120xf32, #tpu.memory_space<vmem>>)
    %dma_wait3A_1733 = arith.constant 720 : i32
    %dma_wait3A_1734 = tpu.memref_slice %arg11[%dma_wait3A_1733] : memref<960xf32, #tpu.memory_space<vmem>> -> memref<120xf32, #tpu.memory_space<vmem>>
    %dma_wait3A_1735 = arith.constant 720 : i32
    %dma_wait3A_1736 = tpu.memref_slice %arg10[%dma_wait3A_1735] : memref<960xi32, #tpu.memory_space<vmem>> -> memref<120xi32, #tpu.memory_space<vmem>>
    %dma_wait3A_1737 = arith.constant 0 : i32
    %dma_wait3A_1738 = tpu.memref_slice %arg2[%dma_wait3A_1737] : memref<102400000xf32, #tpu.memory_space<hbm>> -> memref<102400000xf32, #tpu.memory_space<hbm>>
    tpu.wait_indirect_dma semaphore(%arg13 : memref<!tpu.dma_semaphore, #tpu.memory_space<semaphore_mem>>) src(%dma_wait3A_1738 : memref<102400000xf32, #tpu.memory_space<hbm>>) dst(%dma_wait3A_1734 : memref<120xf32, #tpu.memory_space<vmem>>)
    %dma_wait3A_1739 = arith.constant 840 : i32
    %dma_wait3A_1740 = tpu.memref_slice %arg11[%dma_wait3A_1739] : memref<960xf32, #tpu.memory_space<vmem>> -> memref<120xf32, #tpu.memory_space<vmem>>
    %dma_wait3A_1741 = arith.constant 840 : i32
    %dma_wait3A_1742 = tpu.memref_slice %arg10[%dma_wait3A_1741] : memref<960xi32, #tpu.memory_space<vmem>> -> memref<120xi32, #tpu.memory_space<vmem>>
    %dma_wait3A_1743 = arith.constant 0 : i32
    %dma_wait3A_1744 = tpu.memref_slice %arg2[%dma_wait3A_1743] : memref<102400000xf32, #tpu.memory_space<hbm>> -> memref<102400000xf32, #tpu.memory_space<hbm>>
    tpu.wait_indirect_dma semaphore(%arg13 : memref<!tpu.dma_semaphore, #tpu.memory_space<semaphore_mem>>) src(%dma_wait3A_1744 : memref<102400000xf32, #tpu.memory_space<hbm>>) dst(%dma_wait3A_1740 : memref<120xf32, #tpu.memory_space<vmem>>)
    %get3A_1745 = arith.constant 480 : index
    %get3A_1746 = tpu.vector_load %arg11[%get3A_1745] {strides = array<i32>} : memref<960xf32, #tpu.memory_space<vmem>>, vector<16xf32>,
    %get3A_1747 = vector.shape_cast %get3A_1746 : vector<16xf32> to vector<16xf32>
    %broadcast_in_dim3A_1748 = arith.constant 1.000000e+00 : f32
    %broadcast_in_dim3A_1749 = vector.broadcast %broadcast_in_dim3A_1748 : f32 to vector<16xf32>
    %broadcast_in_dim3A_1750 = arith.constant 0.000000e+00 : f32
    %broadcast_in_dim3A_1751 = vector.broadcast %broadcast_in_dim3A_1750 : f32 to vector<16xf32>
    %scan3A_1752 = arith.constant 1 : i32
    %scan3A_1753 = arith.constant 29 : i32
    %scan3A_1754 = arith.addi %scan3A_1752, %scan3A_1753 : i32
    %scan3A_1755 = arith.constant 1 : i32
    %scan3A_1756:2 = scf.for %scan3A_1947 = %scan3A_1752 to %scan3A_1754 step %scan3A_1755 iter_args(%scan3A_1948 = %broadcast_in_dim3A_1751, %scan3A_1949 = %get3A_1747) -> (vector<16xf32>, vector<16xf32>)  : i32 {
      %mul3A_1950 = arith.constant 16 : i32
      %mul3A_1951 = arith.muli %scan3A_1947, %mul3A_1950 : i32
      %add3A_1952 = arith.constant 480 : i32
      %add3A_1953 = arith.addi %add3A_1952, %mul3A_1951 : i32
      %get3A_1954 = arith.index_cast %add3A_1953 : i32 to index
      %get3A_1955 = tpu.vector_load %arg11[%get3A_1954] {strides = array<i32>} : memref<960xf32, #tpu.memory_space<vmem>>, vector<16xf32>,
      %get3A_1956 = vector.shape_cast %get3A_1955 : vector<16xf32> to vector<16xf32>
      %gt3A_1957 = arith.cmpf ogt, %get3A_1956, %get3A_1747 : vector<16xf32>
      %select_n3A_1958 = arith.select %gt3A_1957, %broadcast_in_dim3A_1749, %broadcast_in_dim3A_1751 : vector<16xi1>, vector<16xf32>
      %add3A_1959 = arith.addf %scan3A_1948, %select_n3A_1958 : vector<16xf32>
      %max3A_1960 = arith.maximumf %scan3A_1949, %get3A_1956 : vector<16xf32>
      scf.yield %add3A_1959, %max3A_1960 : vector<16xf32>, vector<16xf32>
    }
    %scan3A_1757 = arith.constant 29 : i32
    %scan3A_1758 = arith.constant 0 : i32
    %scan3A_1759 = arith.constant 30 : i32
    %scan3A_1760 = arith.addi %scan3A_1758, %scan3A_1759 : i32
    %scan3A_1761 = arith.constant 1 : i32
    %scan3A_1762 = scf.for %scan3A_1947 = %scan3A_1758 to %scan3A_1760 step %scan3A_1761 iter_args(%scan3A_1948 = %broadcast_in_dim3A_1751) -> (vector<16xf32>)  : i32 {
      %mul3A_1949 = arith.constant 16 : i32
      %mul3A_1950 = arith.muli %scan3A_1947, %mul3A_1949 : i32
      %add3A_1951 = arith.constant 480 : i32
      %add3A_1952 = arith.addi %add3A_1951, %mul3A_1950 : i32
      %get3A_1953 = arith.index_cast %add3A_1952 : i32 to index
      %get3A_1954 = tpu.vector_load %arg11[%get3A_1953] {strides = array<i32>} : memref<960xf32, #tpu.memory_space<vmem>>, vector<16xf32>,
      %get3A_1955 = vector.shape_cast %get3A_1954 : vector<16xf32> to vector<16xf32>
      %sub3A_1956 = arith.subf %get3A_1955, %scan3A_1756#1 : vector<16xf32>
      %exp3A = math.exp %sub3A_1956 : vector<16xf32>
      %add3A_1957 = arith.addf %scan3A_1948, %exp3A : vector<16xf32>
      scf.yield %add3A_1957 : vector<16xf32>
    }
    %scan3A_1763 = arith.constant 30 : i32
    %add3A_1764 = arith.constant 2.000000e+00 : f32
    %add3A_1765 = vector.broadcast %add3A_1764 : f32 to vector<16xf32>
    %add3A_1766 = arith.addf %scan3A_1756#0, %add3A_1765 : vector<16xf32>
    %bitcast_convert_type3A_1767 = tpu.bitcast %add3A_1766 : vector<16xf32> -> vector<16xi32>
    %shift_right_arithmetic3A_1768 = arith.constant 23 : i32
    %shift_right_arithmetic3A_1769 = vector.broadcast %shift_right_arithmetic3A_1768 : i32 to vector<16xi32>
    %shift_right_arithmetic3A_1770 = arith.shrsi %bitcast_convert_type3A_1767, %shift_right_arithmetic3A_1769 : vector<16xi32>
    %and3A_1771 = arith.constant 255 : i32
    %and3A_1772 = vector.broadcast %and3A_1771 : i32 to vector<16xi32>
    %and3A_1773 = arith.andi %shift_right_arithmetic3A_1770, %and3A_1772 : vector<16xi32>
    %sub3A_1774 = arith.constant 127 : i32
    %sub3A_1775 = vector.broadcast %sub3A_1774 : i32 to vector<16xi32>
    %sub3A_1776 = arith.subi %and3A_1773, %sub3A_1775 : vector<16xi32>
    %and3A_1777 = arith.constant 8388607 : i32
    %and3A_1778 = vector.broadcast %and3A_1777 : i32 to vector<16xi32>
    %and3A_1779 = arith.andi %bitcast_convert_type3A_1767, %and3A_1778 : vector<16xi32>
    %or3A_1780 = arith.constant 1065353216 : i32
    %or3A_1781 = vector.broadcast %or3A_1780 : i32 to vector<16xi32>
    %or3A_1782 = arith.ori %and3A_1779, %or3A_1781 : vector<16xi32>
    %bitcast_convert_type3A_1783 = tpu.bitcast %or3A_1782 : vector<16xi32> -> vector<16xf32>
    %gt3A_1784 = arith.constant 1.41421354 : f32
    %gt3A_1785 = vector.broadcast %gt3A_1784 : f32 to vector<16xf32>
    %gt3A_1786 = arith.cmpf ogt, %bitcast_convert_type3A_1783, %gt3A_1785 : vector<16xf32>
    %broadcast_in_dim3A_1787 = arith.constant 1 : i32
    %broadcast_in_dim3A_1788 = vector.broadcast %broadcast_in_dim3A_1787 : i32 to vector<16xi32>
    %broadcast_in_dim3A_1789 = arith.constant 0 : i32
    %broadcast_in_dim3A_1790 = vector.broadcast %broadcast_in_dim3A_1789 : i32 to vector<16xi32>
    %mul3A_1791 = arith.constant 5.000000e-01 : f32
    %mul3A_1792 = vector.broadcast %mul3A_1791 : f32 to vector<16xf32>
    %mul3A_1793 = arith.mulf %bitcast_convert_type3A_1783, %mul3A_1792 : vector<16xf32>
    %select_n3A_1794 = arith.select %gt3A_1786, %mul3A_1793, %bitcast_convert_type3A_1783 : vector<16xi1>, vector<16xf32>
    %select_n3A_1795 = arith.select %gt3A_1786, %broadcast_in_dim3A_1788, %broadcast_in_dim3A_1790 : vector<16xi1>, vector<16xi32>
    %add3A_1796 = arith.addi %sub3A_1776, %select_n3A_1795 : vector<16xi32>
    %convert_element_type3A_1797 = arith.sitofp %add3A_1796 : vector<16xi32> to vector<16xf32>
    %sub3A_1798 = arith.constant 1.000000e+00 : f32
    %sub3A_1799 = vector.broadcast %sub3A_1798 : f32 to vector<16xf32>
    %sub3A_1800 = arith.subf %select_n3A_1794, %sub3A_1799 : vector<16xf32>
    %add3A_1801 = arith.constant 1.000000e+00 : f32
    %add3A_1802 = vector.broadcast %add3A_1801 : f32 to vector<16xf32>
    %add3A_1803 = arith.addf %select_n3A_1794, %add3A_1802 : vector<16xf32>
    %div3A_1804 = arith.divf %sub3A_1800, %add3A_1803 : vector<16xf32>
    %mul3A_1805 = arith.mulf %div3A_1804, %div3A_1804 : vector<16xf32>
    %mul3A_1806 = arith.constant 0.285714298 : f32
    %mul3A_1807 = vector.broadcast %mul3A_1806 : f32 to vector<16xf32>
    %mul3A_1808 = arith.mulf %mul3A_1805, %mul3A_1807 : vector<16xf32>
    %add3A_1809 = arith.constant 4.000000e-01 : f32
    %add3A_1810 = vector.broadcast %add3A_1809 : f32 to vector<16xf32>
    %add3A_1811 = arith.addf %add3A_1810, %mul3A_1808 : vector<16xf32>
    %mul3A_1812 = arith.mulf %mul3A_1805, %add3A_1811 : vector<16xf32>
    %add3A_1813 = arith.constant 0.666666686 : f32
    %add3A_1814 = vector.broadcast %add3A_1813 : f32 to vector<16xf32>
    %add3A_1815 = arith.addf %add3A_1814, %mul3A_1812 : vector<16xf32>
    %mul3A_1816 = arith.mulf %mul3A_1805, %add3A_1815 : vector<16xf32>
    %add3A_1817 = arith.constant 2.000000e+00 : f32
    %add3A_1818 = vector.broadcast %add3A_1817 : f32 to vector<16xf32>
    %add3A_1819 = arith.addf %add3A_1818, %mul3A_1816 : vector<16xf32>
    %mul3A_1820 = arith.constant 0.693147182 : f32
    %mul3A_1821 = vector.broadcast %mul3A_1820 : f32 to vector<16xf32>
    %mul3A_1822 = arith.mulf %convert_element_type3A_1797, %mul3A_1821 : vector<16xf32>
    %mul3A_1823 = arith.mulf %div3A_1804, %add3A_1819 : vector<16xf32>
    %add3A_1824 = arith.addf %mul3A_1822, %mul3A_1823 : vector<16xf32>
    %div3A_1825 = arith.constant 0.693147182 : f32
    %div3A_1826 = vector.broadcast %div3A_1825 : f32 to vector<16xf32>
    %div3A_1827 = arith.divf %div3A_1826, %add3A_1824 : vector<16xf32>
    %bitcast_convert_type3A_1828 = tpu.bitcast %scan3A_1762 : vector<16xf32> -> vector<16xi32>
    %shift_right_arithmetic3A_1829 = arith.constant 23 : i32
    %shift_right_arithmetic3A_1830 = vector.broadcast %shift_right_arithmetic3A_1829 : i32 to vector<16xi32>
    %shift_right_arithmetic3A_1831 = arith.shrsi %bitcast_convert_type3A_1828, %shift_right_arithmetic3A_1830 : vector<16xi32>
    %and3A_1832 = arith.constant 255 : i32
    %and3A_1833 = vector.broadcast %and3A_1832 : i32 to vector<16xi32>
    %and3A_1834 = arith.andi %shift_right_arithmetic3A_1831, %and3A_1833 : vector<16xi32>
    %sub3A_1835 = arith.constant 127 : i32
    %sub3A_1836 = vector.broadcast %sub3A_1835 : i32 to vector<16xi32>
    %sub3A_1837 = arith.subi %and3A_1834, %sub3A_1836 : vector<16xi32>
    %and3A_1838 = arith.constant 8388607 : i32
    %and3A_1839 = vector.broadcast %and3A_1838 : i32 to vector<16xi32>
    %and3A_1840 = arith.andi %bitcast_convert_type3A_1828, %and3A_1839 : vector<16xi32>
    %or3A_1841 = arith.constant 1065353216 : i32
    %or3A_1842 = vector.broadcast %or3A_1841 : i32 to vector<16xi32>
    %or3A_1843 = arith.ori %and3A_1840, %or3A_1842 : vector<16xi32>
    %bitcast_convert_type3A_1844 = tpu.bitcast %or3A_1843 : vector<16xi32> -> vector<16xf32>
    %gt3A_1845 = arith.constant 1.41421354 : f32
    %gt3A_1846 = vector.broadcast %gt3A_1845 : f32 to vector<16xf32>
    %gt3A_1847 = arith.cmpf ogt, %bitcast_convert_type3A_1844, %gt3A_1846 : vector<16xf32>
    %broadcast_in_dim3A_1848 = arith.constant 1 : i32
    %broadcast_in_dim3A_1849 = vector.broadcast %broadcast_in_dim3A_1848 : i32 to vector<16xi32>
    %broadcast_in_dim3A_1850 = arith.constant 0 : i32
    %broadcast_in_dim3A_1851 = vector.broadcast %broadcast_in_dim3A_1850 : i32 to vector<16xi32>
    %mul3A_1852 = arith.constant 5.000000e-01 : f32
    %mul3A_1853 = vector.broadcast %mul3A_1852 : f32 to vector<16xf32>
    %mul3A_1854 = arith.mulf %bitcast_convert_type3A_1844, %mul3A_1853 : vector<16xf32>
    %select_n3A_1855 = arith.select %gt3A_1847, %mul3A_1854, %bitcast_convert_type3A_1844 : vector<16xi1>, vector<16xf32>
    %select_n3A_1856 = arith.select %gt3A_1847, %broadcast_in_dim3A_1849, %broadcast_in_dim3A_1851 : vector<16xi1>, vector<16xi32>
    %add3A_1857 = arith.addi %sub3A_1837, %select_n3A_1856 : vector<16xi32>
    %convert_element_type3A_1858 = arith.sitofp %add3A_1857 : vector<16xi32> to vector<16xf32>
    %sub3A_1859 = arith.constant 1.000000e+00 : f32
    %sub3A_1860 = vector.broadcast %sub3A_1859 : f32 to vector<16xf32>
    %sub3A_1861 = arith.subf %select_n3A_1855, %sub3A_1860 : vector<16xf32>
    %add3A_1862 = arith.constant 1.000000e+00 : f32
    %add3A_1863 = vector.broadcast %add3A_1862 : f32 to vector<16xf32>
    %add3A_1864 = arith.addf %select_n3A_1855, %add3A_1863 : vector<16xf32>
    %div3A_1865 = arith.divf %sub3A_1861, %add3A_1864 : vector<16xf32>
    %mul3A_1866 = arith.mulf %div3A_1865, %div3A_1865 : vector<16xf32>
    %mul3A_1867 = arith.constant 0.285714298 : f32
    %mul3A_1868 = vector.broadcast %mul3A_1867 : f32 to vector<16xf32>
    %mul3A_1869 = arith.mulf %mul3A_1866, %mul3A_1868 : vector<16xf32>
    %add3A_1870 = arith.constant 4.000000e-01 : f32
    %add3A_1871 = vector.broadcast %add3A_1870 : f32 to vector<16xf32>
    %add3A_1872 = arith.addf %add3A_1871, %mul3A_1869 : vector<16xf32>
    %mul3A_1873 = arith.mulf %mul3A_1866, %add3A_1872 : vector<16xf32>
    %add3A_1874 = arith.constant 0.666666686 : f32
    %add3A_1875 = vector.broadcast %add3A_1874 : f32 to vector<16xf32>
    %add3A_1876 = arith.addf %add3A_1875, %mul3A_1873 : vector<16xf32>
    %mul3A_1877 = arith.mulf %mul3A_1866, %add3A_1876 : vector<16xf32>
    %add3A_1878 = arith.constant 2.000000e+00 : f32
    %add3A_1879 = vector.broadcast %add3A_1878 : f32 to vector<16xf32>
    %add3A_1880 = arith.addf %add3A_1879, %mul3A_1877 : vector<16xf32>
    %mul3A_1881 = arith.constant 0.693147182 : f32
    %mul3A_1882 = vector.broadcast %mul3A_1881 : f32 to vector<16xf32>
    %mul3A_1883 = arith.mulf %convert_element_type3A_1858, %mul3A_1882 : vector<16xf32>
    %mul3A_1884 = arith.mulf %div3A_1865, %add3A_1880 : vector<16xf32>
    %add3A_1885 = arith.addf %mul3A_1883, %mul3A_1884 : vector<16xf32>
    %sub3A_1886 = arith.subf %scan3A_1756#1, %get3A_1747 : vector<16xf32>
    %add3A_1887 = arith.addf %add3A_1885, %sub3A_1886 : vector<16xf32>
    %add3A_1888 = arith.constant 1.000000e+00 : f32
    %add3A_1889 = vector.broadcast %add3A_1888 : f32 to vector<16xf32>
    %add3A_1890 = arith.addf %scan3A_1756#0, %add3A_1889 : vector<16xf32>
    %div3A_1891 = arith.divf %broadcast_in_dim3A_1749, %add3A_1890 : vector<16xf32>
    %lt3A_1892 = arith.constant 1.000000e+00 : f32
    %lt3A_1893 = vector.broadcast %lt3A_1892 : f32 to vector<16xf32>
    %lt3A_1894 = arith.cmpf olt, %scan3A_1756#0, %lt3A_1893 : vector<16xf32>
    %select_n3A_1895 = arith.select %lt3A_1894, %broadcast_in_dim3A_1749, %broadcast_in_dim3A_1751 : vector<16xi1>, vector<16xf32>
    %add3A_1896 = arith.addf %add3A_1702, %select_n3A_1895 : vector<16xf32>
    %mul3A_1897 = arith.mulf %select_n3A_1895, %div3A_1827 : vector<16xf32>
    %add3A_1898 = arith.addf %add3A_1704, %mul3A_1897 : vector<16xf32>
    %lt3A_1899 = arith.constant 5.000000e+00 : f32
    %lt3A_1900 = vector.broadcast %lt3A_1899 : f32 to vector<16xf32>
    %lt3A_1901 = arith.cmpf olt, %scan3A_1756#0, %lt3A_1900 : vector<16xf32>
    %select_n3A_1902 = arith.select %lt3A_1901, %broadcast_in_dim3A_1749, %broadcast_in_dim3A_1751 : vector<16xi1>, vector<16xf32>
    %add3A_1903 = arith.addf %add3A_1709, %select_n3A_1902 : vector<16xf32>
    %mul3A_1904 = arith.mulf %select_n3A_1902, %div3A_1827 : vector<16xf32>
    %add3A_1905 = arith.addf %add3A_1711, %mul3A_1904 : vector<16xf32>
    %lt3A_1906 = arith.constant 1.000000e+01 : f32
    %lt3A_1907 = vector.broadcast %lt3A_1906 : f32 to vector<16xf32>
    %lt3A_1908 = arith.cmpf olt, %scan3A_1756#0, %lt3A_1907 : vector<16xf32>
    %select_n3A_1909 = arith.select %lt3A_1908, %broadcast_in_dim3A_1749, %broadcast_in_dim3A_1751 : vector<16xi1>, vector<16xf32>
    %add3A_1910 = arith.addf %add3A_1716, %select_n3A_1909 : vector<16xf32>
    %mul3A_1911 = arith.mulf %select_n3A_1909, %div3A_1827 : vector<16xf32>
    %add3A_1912 = arith.addf %add3A_1718, %mul3A_1911 : vector<16xf32>
    %add3A_1913 = arith.addf %add3A_1719, %div3A_1891 : vector<16xf32>
    %add3A_1914 = arith.addf %add3A_1720, %add3A_1887 : vector<16xf32>
    %swap3A_1915 = arith.constant 0 : index
    %swap3A_1916 = tpu.vector_load %arg12[%swap3A_1915] {strides = array<i32>} : memref<128xf32, #tpu.memory_space<vmem>>, vector<16xf32>,
    %swap3A_1917 = vector.shape_cast %swap3A_1916 : vector<16xf32> to vector<16xf32>
    %swap3A_1918 = vector.shape_cast %add3A_1896 : vector<16xf32> to vector<16xf32>
    tpu.vector_store %arg12[%swap3A_1915], %swap3A_1918 {strides = array<i32>} : memref<128xf32, #tpu.memory_space<vmem>>, vector<16xf32>,
    %swap3A_1919 = arith.constant 16 : index
    %swap3A_1920 = tpu.vector_load %arg12[%swap3A_1919] {strides = array<i32>} : memref<128xf32, #tpu.memory_space<vmem>>, vector<16xf32>,
    %swap3A_1921 = vector.shape_cast %swap3A_1920 : vector<16xf32> to vector<16xf32>
    %swap3A_1922 = vector.shape_cast %add3A_1898 : vector<16xf32> to vector<16xf32>
    tpu.vector_store %arg12[%swap3A_1919], %swap3A_1922 {strides = array<i32>} : memref<128xf32, #tpu.memory_space<vmem>>, vector<16xf32>,
    %swap3A_1923 = arith.constant 32 : index
    %swap3A_1924 = tpu.vector_load %arg12[%swap3A_1923] {strides = array<i32>} : memref<128xf32, #tpu.memory_space<vmem>>, vector<16xf32>,
    %swap3A_1925 = vector.shape_cast %swap3A_1924 : vector<16xf32> to vector<16xf32>
    %swap3A_1926 = vector.shape_cast %add3A_1903 : vector<16xf32> to vector<16xf32>
    tpu.vector_store %arg12[%swap3A_1923], %swap3A_1926 {strides = array<i32>} : memref<128xf32, #tpu.memory_space<vmem>>, vector<16xf32>,
    %swap3A_1927 = arith.constant 48 : index
    %swap3A_1928 = tpu.vector_load %arg12[%swap3A_1927] {strides = array<i32>} : memref<128xf32, #tpu.memory_space<vmem>>, vector<16xf32>,
    %swap3A_1929 = vector.shape_cast %swap3A_1928 : vector<16xf32> to vector<16xf32>
    %swap3A_1930 = vector.shape_cast %add3A_1905 : vector<16xf32> to vector<16xf32>
    tpu.vector_store %arg12[%swap3A_1927], %swap3A_1930 {strides = array<i32>} : memref<128xf32, #tpu.memory_space<vmem>>, vector<16xf32>,
    %swap3A_1931 = arith.constant 64 : index
    %swap3A_1932 = tpu.vector_load %arg12[%swap3A_1931] {strides = array<i32>} : memref<128xf32, #tpu.memory_space<vmem>>, vector<16xf32>,
    %swap3A_1933 = vector.shape_cast %swap3A_1932 : vector<16xf32> to vector<16xf32>
    %swap3A_1934 = vector.shape_cast %add3A_1910 : vector<16xf32> to vector<16xf32>
    tpu.vector_store %arg12[%swap3A_1931], %swap3A_1934 {strides = array<i32>} : memref<128xf32, #tpu.memory_space<vmem>>, vector<16xf32>,
    %swap3A_1935 = arith.constant 80 : index
    %swap3A_1936 = tpu.vector_load %arg12[%swap3A_1935] {strides = array<i32>} : memref<128xf32, #tpu.memory_space<vmem>>, vector<16xf32>,
    %swap3A_1937 = vector.shape_cast %swap3A_1936 : vector<16xf32> to vector<16xf32>
    %swap3A_1938 = vector.shape_cast %add3A_1912 : vector<16xf32> to vector<16xf32>
    tpu.vector_store %arg12[%swap3A_1935], %swap3A_1938 {strides = array<i32>} : memref<128xf32, #tpu.memory_space<vmem>>, vector<16xf32>,
    %swap3A_1939 = arith.constant 96 : index
    %swap3A_1940 = tpu.vector_load %arg12[%swap3A_1939] {strides = array<i32>} : memref<128xf32, #tpu.memory_space<vmem>>, vector<16xf32>,
    %swap3A_1941 = vector.shape_cast %swap3A_1940 : vector<16xf32> to vector<16xf32>
    %swap3A_1942 = vector.shape_cast %add3A_1913 : vector<16xf32> to vector<16xf32>
    tpu.vector_store %arg12[%swap3A_1939], %swap3A_1942 {strides = array<i32>} : memref<128xf32, #tpu.memory_space<vmem>>, vector<16xf32>,
    %swap3A_1943 = arith.constant 112 : index
    %swap3A_1944 = tpu.vector_load %arg12[%swap3A_1943] {strides = array<i32>} : memref<128xf32, #tpu.memory_space<vmem>>, vector<16xf32>,
    %swap3A_1945 = vector.shape_cast %swap3A_1944 : vector<16xf32> to vector<16xf32>
    %swap3A_1946 = vector.shape_cast %add3A_1914 : vector<16xf32> to vector<16xf32>
    tpu.vector_store %arg12[%swap3A_1943], %swap3A_1946 {strides = array<i32>} : memref<128xf32, #tpu.memory_space<vmem>>, vector<16xf32>,
    "tpu.region"() ({
      %run_scoped3A = tpu.sem_alloc : memref<!tpu.dma_semaphore, #tpu.memory_space<semaphore_mem>>
      %dma_start3A_1947 = arith.constant 0 : i32
      %dma_start3A_1948 = tpu.memref_slice %arg5[%add3A, %dma_start3A_1947] : memref<32x128xf32, #tpu.memory_space<hbm>> -> memref<1x128xf32, #tpu.memory_space<hbm>>
      %dma_start3A_1949 = tpu.memref_squeeze %dma_start3A_1948 : memref<1x128xf32, #tpu.memory_space<hbm>> -> memref<128xf32, #tpu.memory_space<hbm>>
      %dma_start3A_1950 = arith.constant 0 : i32
      %dma_start3A_1951 = tpu.memref_slice %arg5[%add3A, %dma_start3A_1950] : memref<32x128xf32, #tpu.memory_space<hbm>> -> memref<1x128xf32, #tpu.memory_space<hbm>>
      %dma_start3A_1952 = tpu.memref_squeeze %dma_start3A_1951 : memref<1x128xf32, #tpu.memory_space<hbm>> -> memref<128xf32, #tpu.memory_space<hbm>>
      tpu.enqueue_dma source(%arg12 : memref<128xf32, #tpu.memory_space<vmem>>) target(%dma_start3A_1952 : memref<128xf32, #tpu.memory_space<hbm>>) target_semaphore(%run_scoped3A : memref<!tpu.dma_semaphore, #tpu.memory_space<semaphore_mem>>)
      %dma_wait3A_1953 = arith.constant 0 : i32
      %dma_wait3A_1954 = tpu.memref_slice %arg5[%add3A, %dma_wait3A_1953] : memref<32x128xf32, #tpu.memory_space<hbm>> -> memref<1x128xf32, #tpu.memory_space<hbm>>
      %dma_wait3A_1955 = tpu.memref_squeeze %dma_wait3A_1954 : memref<1x128xf32, #tpu.memory_space<hbm>> -> memref<128xf32, #tpu.memory_space<hbm>>
      %dma_wait3A_1956 = arith.constant 0 : i32
      %dma_wait3A_1957 = tpu.memref_slice %arg5[%add3A, %dma_wait3A_1956] : memref<32x128xf32, #tpu.memory_space<hbm>> -> memref<1x128xf32, #tpu.memory_space<hbm>>
      %dma_wait3A_1958 = tpu.memref_squeeze %dma_wait3A_1957 : memref<1x128xf32, #tpu.memory_space<hbm>> -> memref<128xf32, #tpu.memory_space<hbm>>
      tpu.wait_dma2 semaphore(%run_scoped3A : memref<!tpu.dma_semaphore, #tpu.memory_space<semaphore_mem>>) src(%arg12 : memref<128xf32, #tpu.memory_space<vmem>>) dst(%dma_wait3A_1958 : memref<128xf32, #tpu.memory_space<hbm>>)
      tpu.yield
    }) : () -> ()
    return
  }
}

module attributes {stable_mosaic.version = 14 : i64} {
  func.func @body(%arg0: memref<32x128xf32, #tpu.memory_space<vmem>>, %arg1: memref<8xf32, #tpu.memory_space<smem>>) attributes {dimension_semantics = [], scalar_prefetch = 0 : i64, scratch_operands = 0 : i64, tpu.core_type = #tpu.core_type<tc>} {
    %get3A = arith.constant 0 : index
    %get3A_0 = arith.constant 0 : index
    %get3A_1 = vector.load %arg0[%get3A, %get3A_0] : memref<32x128xf32, #tpu.memory_space<vmem>>, vector<32x128xf32>
    %reduce_sum3A = arith.constant dense<0.000000e+00> : vector<128xf32>
    %reduce_sum3A_2 = vector.multi_reduction <add>, %get3A_1, %reduce_sum3A [0] : vector<32x128xf32> to vector<128xf32>
    %broadcast_in_dim3A = vector.shape_cast %reduce_sum3A_2 : vector<128xf32> to vector<1x128xf32>
    %slice3A = vector.extract_strided_slice %broadcast_in_dim3A {offsets = [0, 0], sizes = [1, 16], strides = [1, 1]} : vector<1x128xf32> to vector<1x16xf32>
    %reduce_sum3A_3 = vector.shape_cast %slice3A : vector<1x16xf32> to vector<1x1x16xf32>
    %reduce_sum3A_4 = arith.constant dense<0.000000e+00> : vector<1xf32>
    %reduce_sum3A_5 = vector.multi_reduction <add>, %reduce_sum3A_3, %reduce_sum3A_4 [1, 2] : vector<1x1x16xf32> to vector<1xf32>
    %reduce_sum3A_6 = vector.shape_cast %reduce_sum3A_5 : vector<1xf32> to vector<1x1x1xf32>
    %reduce_sum3A_7 = vector.extract %reduce_sum3A_6[0, 0, 0] : f32 from vector<1x1x1xf32>
    %mul3A = arith.constant 9.765625E-4 : f32
    %mul3A_8 = arith.mulf %reduce_sum3A_7, %mul3A : f32
    %swap3A = arith.constant 0 : index
    %swap3A_9 = memref.load %arg1[%swap3A] : memref<8xf32, #tpu.memory_space<smem>>
    memref.store %mul3A_8, %arg1[%swap3A] : memref<8xf32, #tpu.memory_space<smem>>
    %slice3A_10 = vector.extract_strided_slice %broadcast_in_dim3A {offsets = [0, 16], sizes = [1, 16], strides = [1, 1]} : vector<1x128xf32> to vector<1x16xf32>
    %reduce_sum3A_11 = vector.shape_cast %slice3A_10 : vector<1x16xf32> to vector<1x1x16xf32>
    %reduce_sum3A_12 = arith.constant dense<0.000000e+00> : vector<1xf32>
    %reduce_sum3A_13 = vector.multi_reduction <add>, %reduce_sum3A_11, %reduce_sum3A_12 [1, 2] : vector<1x1x16xf32> to vector<1xf32>
    %reduce_sum3A_14 = vector.shape_cast %reduce_sum3A_13 : vector<1xf32> to vector<1x1x1xf32>
    %reduce_sum3A_15 = vector.extract %reduce_sum3A_14[0, 0, 0] : f32 from vector<1x1x1xf32>
    %mul3A_16 = arith.constant 9.765625E-4 : f32
    %mul3A_17 = arith.mulf %reduce_sum3A_15, %mul3A_16 : f32
    %swap3A_18 = arith.constant 1 : index
    %swap3A_19 = memref.load %arg1[%swap3A_18] : memref<8xf32, #tpu.memory_space<smem>>
    memref.store %mul3A_17, %arg1[%swap3A_18] : memref<8xf32, #tpu.memory_space<smem>>
    %slice3A_20 = vector.extract_strided_slice %broadcast_in_dim3A {offsets = [0, 32], sizes = [1, 16], strides = [1, 1]} : vector<1x128xf32> to vector<1x16xf32>
    %reduce_sum3A_21 = vector.shape_cast %slice3A_20 : vector<1x16xf32> to vector<1x1x16xf32>
    %reduce_sum3A_22 = arith.constant dense<0.000000e+00> : vector<1xf32>
    %reduce_sum3A_23 = vector.multi_reduction <add>, %reduce_sum3A_21, %reduce_sum3A_22 [1, 2] : vector<1x1x16xf32> to vector<1xf32>
    %reduce_sum3A_24 = vector.shape_cast %reduce_sum3A_23 : vector<1xf32> to vector<1x1x1xf32>
    %reduce_sum3A_25 = vector.extract %reduce_sum3A_24[0, 0, 0] : f32 from vector<1x1x1xf32>
    %mul3A_26 = arith.constant 9.765625E-4 : f32
    %mul3A_27 = arith.mulf %reduce_sum3A_25, %mul3A_26 : f32
    %swap3A_28 = arith.constant 2 : index
    %swap3A_29 = memref.load %arg1[%swap3A_28] : memref<8xf32, #tpu.memory_space<smem>>
    memref.store %mul3A_27, %arg1[%swap3A_28] : memref<8xf32, #tpu.memory_space<smem>>
    %slice3A_30 = vector.extract_strided_slice %broadcast_in_dim3A {offsets = [0, 48], sizes = [1, 16], strides = [1, 1]} : vector<1x128xf32> to vector<1x16xf32>
    %reduce_sum3A_31 = vector.shape_cast %slice3A_30 : vector<1x16xf32> to vector<1x1x16xf32>
    %reduce_sum3A_32 = arith.constant dense<0.000000e+00> : vector<1xf32>
    %reduce_sum3A_33 = vector.multi_reduction <add>, %reduce_sum3A_31, %reduce_sum3A_32 [1, 2] : vector<1x1x16xf32> to vector<1xf32>
    %reduce_sum3A_34 = vector.shape_cast %reduce_sum3A_33 : vector<1xf32> to vector<1x1x1xf32>
    %reduce_sum3A_35 = vector.extract %reduce_sum3A_34[0, 0, 0] : f32 from vector<1x1x1xf32>
    %mul3A_36 = arith.constant 9.765625E-4 : f32
    %mul3A_37 = arith.mulf %reduce_sum3A_35, %mul3A_36 : f32
    %swap3A_38 = arith.constant 3 : index
    %swap3A_39 = memref.load %arg1[%swap3A_38] : memref<8xf32, #tpu.memory_space<smem>>
    memref.store %mul3A_37, %arg1[%swap3A_38] : memref<8xf32, #tpu.memory_space<smem>>
    %slice3A_40 = vector.extract_strided_slice %broadcast_in_dim3A {offsets = [0, 64], sizes = [1, 16], strides = [1, 1]} : vector<1x128xf32> to vector<1x16xf32>
    %reduce_sum3A_41 = vector.shape_cast %slice3A_40 : vector<1x16xf32> to vector<1x1x16xf32>
    %reduce_sum3A_42 = arith.constant dense<0.000000e+00> : vector<1xf32>
    %reduce_sum3A_43 = vector.multi_reduction <add>, %reduce_sum3A_41, %reduce_sum3A_42 [1, 2] : vector<1x1x16xf32> to vector<1xf32>
    %reduce_sum3A_44 = vector.shape_cast %reduce_sum3A_43 : vector<1xf32> to vector<1x1x1xf32>
    %reduce_sum3A_45 = vector.extract %reduce_sum3A_44[0, 0, 0] : f32 from vector<1x1x1xf32>
    %mul3A_46 = arith.constant 9.765625E-4 : f32
    %mul3A_47 = arith.mulf %reduce_sum3A_45, %mul3A_46 : f32
    %swap3A_48 = arith.constant 4 : index
    %swap3A_49 = memref.load %arg1[%swap3A_48] : memref<8xf32, #tpu.memory_space<smem>>
    memref.store %mul3A_47, %arg1[%swap3A_48] : memref<8xf32, #tpu.memory_space<smem>>
    %slice3A_50 = vector.extract_strided_slice %broadcast_in_dim3A {offsets = [0, 80], sizes = [1, 16], strides = [1, 1]} : vector<1x128xf32> to vector<1x16xf32>
    %reduce_sum3A_51 = vector.shape_cast %slice3A_50 : vector<1x16xf32> to vector<1x1x16xf32>
    %reduce_sum3A_52 = arith.constant dense<0.000000e+00> : vector<1xf32>
    %reduce_sum3A_53 = vector.multi_reduction <add>, %reduce_sum3A_51, %reduce_sum3A_52 [1, 2] : vector<1x1x16xf32> to vector<1xf32>
    %reduce_sum3A_54 = vector.shape_cast %reduce_sum3A_53 : vector<1xf32> to vector<1x1x1xf32>
    %reduce_sum3A_55 = vector.extract %reduce_sum3A_54[0, 0, 0] : f32 from vector<1x1x1xf32>
    %mul3A_56 = arith.constant 9.765625E-4 : f32
    %mul3A_57 = arith.mulf %reduce_sum3A_55, %mul3A_56 : f32
    %swap3A_58 = arith.constant 5 : index
    %swap3A_59 = memref.load %arg1[%swap3A_58] : memref<8xf32, #tpu.memory_space<smem>>
    memref.store %mul3A_57, %arg1[%swap3A_58] : memref<8xf32, #tpu.memory_space<smem>>
    %slice3A_60 = vector.extract_strided_slice %broadcast_in_dim3A {offsets = [0, 96], sizes = [1, 16], strides = [1, 1]} : vector<1x128xf32> to vector<1x16xf32>
    %reduce_sum3A_61 = vector.shape_cast %slice3A_60 : vector<1x16xf32> to vector<1x1x16xf32>
    %reduce_sum3A_62 = arith.constant dense<0.000000e+00> : vector<1xf32>
    %reduce_sum3A_63 = vector.multi_reduction <add>, %reduce_sum3A_61, %reduce_sum3A_62 [1, 2] : vector<1x1x16xf32> to vector<1xf32>
    %reduce_sum3A_64 = vector.shape_cast %reduce_sum3A_63 : vector<1xf32> to vector<1x1x1xf32>
    %reduce_sum3A_65 = vector.extract %reduce_sum3A_64[0, 0, 0] : f32 from vector<1x1x1xf32>
    %mul3A_66 = arith.constant 9.765625E-4 : f32
    %mul3A_67 = arith.mulf %reduce_sum3A_65, %mul3A_66 : f32
    %swap3A_68 = arith.constant 6 : index
    %swap3A_69 = memref.load %arg1[%swap3A_68] : memref<8xf32, #tpu.memory_space<smem>>
    memref.store %mul3A_67, %arg1[%swap3A_68] : memref<8xf32, #tpu.memory_space<smem>>
    %slice3A_70 = vector.extract_strided_slice %broadcast_in_dim3A {offsets = [0, 112], sizes = [1, 16], strides = [1, 1]} : vector<1x128xf32> to vector<1x16xf32>
    %reduce_sum3A_71 = vector.shape_cast %slice3A_70 : vector<1x16xf32> to vector<1x1x16xf32>
    %reduce_sum3A_72 = arith.constant dense<0.000000e+00> : vector<1xf32>
    %reduce_sum3A_73 = vector.multi_reduction <add>, %reduce_sum3A_71, %reduce_sum3A_72 [1, 2] : vector<1x1x16xf32> to vector<1xf32>
    %reduce_sum3A_74 = vector.shape_cast %reduce_sum3A_73 : vector<1xf32> to vector<1x1x1xf32>
    %reduce_sum3A_75 = vector.extract %reduce_sum3A_74[0, 0, 0] : f32 from vector<1x1x1xf32>
    %mul3A_76 = arith.constant 9.765625E-4 : f32
    %mul3A_77 = arith.mulf %reduce_sum3A_75, %mul3A_76 : f32
    %swap3A_78 = arith.constant 7 : index
    %swap3A_79 = memref.load %arg1[%swap3A_78] : memref<8xf32, #tpu.memory_space<smem>>
    memref.store %mul3A_77, %arg1[%swap3A_78] : memref<8xf32, #tpu.memory_space<smem>>
    return
  }
}

</mosaic_0001>

<sc_bundles>
// kernel: kernel.4.cloned.1.call-start
scs
__scs_entry_jumppad:
0x0: {  	(pc) =	sbr.rel $0x88, $3  }
0x1: {  	(tag) =	ssettag $0x0;
	lr =	simm.s32 $0x1  }
0x2: {  	[smem:$0x3F9F] =	sst lr;
	_ =	strace $0xD0000000  }
0x3: {  	_ = 	snop  }
0x4: {  	_ = 	snop  }
0x5: {  	_ = 	snop  }
0x6: {  	_ = 	snop  }
0x7: {  	_ = 	snop  }
__scs_overlays_trampoline_lowered:
0x8: {  	[smem:$0x3FAE] =	sst s0  }
0x9: {  	[smem:$0x3FAF] =	sst s1  }
0xa: {  	[smem:$0x3FB0] =	sst s2  }
0xb: {  	[smem:$0x3FB1] =	sst s3  }
0xc: {  	[smem:$0x3FB2] =	sst s4  }
0xd: {  	[smem:$0x3FB3] =	sst s5  }
0xe: {  	[smem:$0x3FB4] =	sst s6  }
0xf: {  	[smem:$0x3FB5] =	sst s7  }
0x10: {  	[smem:$0x3FB6] =	sst s8  }
0x11: {  	[smem:$0x3FB7] =	sst s9;
	s0 =	simm.s32 @!p0 $0x0  }
0x12: {  	s1 =	sld [smem:$0x3F9D];
	s0 =	simm.s32 @p0 $0x1  }
0x13: {  	[smem:$0x3FB8] =	sst s0;
	s0 =	simm.s32 @!p1 $0x0  }
0x14: {  	s2 =	sld [smem:$0x3F9C];
	s0 =	simm.s32 @p1 $0x1  }
0x15: {  	[smem:$0x3FB9] =	sst s0;
	s0 =	simm.s32 @!p2 $0x0  }
0x16: {  	s3 =	sld [smem:$0x3FDB];
	s0 =	simm.s32 @p2 $0x1  }
0x17: {  	s4 =	simm.s32 $0x1BF5;
	[smem:$0x3FBB] =	sst s0  }
0x18: {  	s0 =	sld [smem:$0x3F9E];
	_ =	swait.ge [sflag:s4], $0x0  }
0x19: {  	s7 =	sld [smem:$0x3F9F]  }
0x1a: {  	s8 =	sadd.s32 $0xFFFFE003, lr  }
0x1b: {  	s9 =	sadd.s32 $0xFFFFFEF7, lr;
	s5 =	simm.s32 $0xFFFFFFFF;
	p2 =	slt.u32 s8, $0xFFFFF086  }
0x1c: {  	p1 =	slt.u32 s9, $0xF7A;
	s5 =	simm.s32 @!p2 $0x0  }
0x1d: {  	s5 =	simm.s32 @p1 $0x1;
	p0 =	seq.s32 s7, s2  }
0x1e: {  	s7 =	smul.u32 @!p0 $0xF7A, s2;
	p2 =	seq.s32 @!p0 s5, $0x0  }
0x1f: {  	s9 =	smul.u32 $0xF7A, s1;
	s8 =	simm.s32 @!p0 $0x1BF5;
	p2 =	por !p2, p0  }
0x20: {  	[sflag:s8] =	ssyncset.s32 @!p0 $0xFFFFF086;
	s6 =	sadd.s32 @!p0 s3, s7;
	s7 =	simm.s32 @!p0 $0x108  }
0x21: {  	s3 =	sadd.s32 s3, s9;
	s6 =	sadd.s32 @!p0 $0x88, s6;
	s7 =	simm.s32 @p2 $0x1082  }
0x22: {  	[simem:s7], [sflag:s8] =	dma.local @!p0 [hbm:s6], $0xF7A  }
0x23: {  	s9 =	sor.u32 $0xD0000000, s2;
	s6 =	simm.s32 $0x108;
	_ =	swait.ge @!p0 [sflag:s8], $0x0  }
0x24: {  	s3 =	sadd.s32 $0x88, s3;
	s6 =	simm.s32 @!p1 $0x1082;
	[sflag:s4] =	ssyncset.s32 $0xFFFFF086  }
0x25: {  	[simem:s6], [sflag:s4] =	dma.local [hbm:s3], $0xF7A  }
0x26: {  	[smem:$0x3F9F] =	sst s1;
	(tag) =	ssettag s2;
	_ =	strace s9  }
0x27: {  	s1 =	sld [smem:$0x3FAF]  }
0x28: {  	s2 =	sld [smem:$0x3FB0]  }
0x29: {  	s4 =	sld [smem:$0x3FB2]  }
0x2a: {  	p0 =	seq.s32 s5, $0x0;
	s5 =	sld [smem:$0x3FB3]  }
0x2b: {  	s6 =	sld [smem:$0x3FB4]  }
0x2c: {  	s7 =	sld [smem:$0x3FB5]  }
0x2d: {  	s3 =	simm.s32 $0x108;
	s8 =	sld [smem:$0x3FB6]  }
0x2e: {  	s3 =	simm.s32 @!p0 $0x1082;
	s9 =	sld [smem:$0x3FB7]  }
0x2f: {  	lr =	sadd.s32 s0, s3;
	s0 =	sld [smem:$0x3FAE]  }
0x30: {  	s3 =	sld [smem:$0x3FB1]  }
0x31: {  	[smem:$0x3FBA] =	sst s10  }
0x32: {  	s10 =	sld [smem:$0x3FB8];
	_ =	sdelay $0x3  }
0x33: {  	p0 =	seq.s32 s10, $0x1;
	s10 =	sld [smem:$0x3FBA];
	_ =	sdelay $0x3  }
0x34: {  	[smem:$0x3FBA] =	sst s10  }
0x35: {  	s10 =	sld [smem:$0x3FB9];
	_ =	sdelay $0x3  }
0x36: {  	p1 =	seq.s32 s10, $0x1;
	s10 =	sld [smem:$0x3FBA];
	_ =	sdelay $0x3  }
0x37: {  	[smem:$0x3FBA] =	sst s10  }
0x38: {  	s10 =	sld [smem:$0x3FBB]  }
0x39: {  	_ = 	snop;
	(pc) =	sbr.ind lr, $3  }
0x3a: {  	_ = 	snop  }
0x3b: {  	_ = 	snop  }
0x3c: {  	p2 =	seq.s32 s10, $0x1;
	s10 =	sld [smem:$0x3FBA]  }
0x3d: {  	_ =	shalt  }
0x3e: {  	_ =	shalt  }
0x3f: {  	_ =	shalt  }
0x40: {  	_ =	shalt  }
0x41: {  	_ =	shalt  }
0x42: {  	_ =	shalt  }
0x43: {  	_ =	shalt  }
0x44: {  	_ =	shalt  }
0x45: {  	_ =	shalt  }
0x46: {  	_ =	shalt  }
0x47: {  	_ =	shalt  }
0x48: {  	_ =	shalt  }
0x49: {  	_ =	shalt  }
0x4a: {  	_ =	shalt  }
0x4b: {  	_ =	shalt  }
0x4c: {  	_ =	shalt  }
0x4d: {  	_ =	shalt  }
0x4e: {  	_ =	shalt  }
0x4f: {  	_ =	shalt  }
0x50: {  	_ =	shalt  }
0x51: {  	_ =	shalt  }
0x52: {  	_ =	shalt  }
0x53: {  	_ =	shalt  }
0x54: {  	_ =	shalt  }
0x55: {  	_ =	shalt  }
0x56: {  	_ =	shalt  }
0x57: {  	_ =	shalt  }
0x58: {  	_ =	shalt  }
0x59: {  	_ =	shalt  }
0x5a: {  	_ =	shalt  }
0x5b: {  	_ =	shalt  }
0x5c: {  	_ =	shalt  }
0x5d: {  	_ =	shalt  }
0x5e: {  	_ =	shalt  }
0x5f: {  	_ =	shalt  }
0x60: {  	_ =	shalt  }
0x61: {  	_ =	shalt  }
0x62: {  	_ =	shalt  }
0x63: {  	_ =	shalt  }
0x64: {  	_ =	shalt  }
0x65: {  	_ =	shalt  }
0x66: {  	_ =	shalt  }
0x67: {  	_ =	shalt  }
0x68: {  	_ =	shalt  }
0x69: {  	_ =	shalt  }
0x6a: {  	_ =	shalt  }
0x6b: {  	_ =	shalt  }
0x6c: {  	_ =	shalt  }
0x6d: {  	_ =	shalt  }
0x6e: {  	_ =	shalt  }
0x6f: {  	_ =	shalt  }
0x70: {  	_ =	shalt  }
0x71: {  	_ =	shalt  }
0x72: {  	_ =	shalt  }
0x73: {  	_ =	shalt  }
0x74: {  	_ =	shalt  }
0x75: {  	_ =	shalt  }
0x76: {  	_ =	shalt  }
0x77: {  	_ =	shalt  }
0x78: {  	_ =	shalt  }
0x79: {  	_ =	shalt  }
0x7a: {  	_ =	shalt  }
0x7b: {  	_ =	shalt  }
0x7c: {  	_ =	shalt  }
0x7d: {  	_ =	shalt  }
0x7e: {  	_ =	shalt  }
0x7f: {  	_ =	shalt  }
0x80: {  	_ =	shalt  }
0x81: {  	_ =	shalt  }
0x82: {  	_ =	shalt  }
0x83: {  	_ =	shalt  }
0x84: {  	_ =	shalt  }
0x85: {  	_ =	shalt  }
0x86: {  	_ =	shalt  }
0x87: {  	_ =	shalt  }
.Lfunc_end0:
.L_simem_size_0:
called_computation_lowered:
.L_overlay_start_0:
0x88: {  	s2 =	sld [smem:$0x3FD9]  }
0x89: {  	s3 =	sld [smem:$0x3FFE];
	_ =	sdelay $0x1  }
0x8a: {  	s1 =	srdreg.scid  }
0x8b: {  	s0 =	sand.u32 $0x1, s1  }
0x8c: {  	s17 =	sshll.u32 s0, $0xA;
	s2 =	sadd.s32 s3, s2  }
0x8d: {  	s2 =	sadd.s32 s2, s17  }
0x8e: {  	[smem:$0x3FC6] =	sst s2  }
0x8f: {  	_ = 	snop  }
0x90: {  	s2 =	sld [smem:$0x3FC9]  }
0x91: {  	s18 =	sld [smem:$0x3FC8];
	(tm) =	ssettm $0x1  }
0x92: {  	s4 =	sld [smem:$0x3FFB];
	_ =	sdelay $0x3  }
0x93: {  	_ =	strace s4  }
0x94: {  	s4 =	sld [smem:$0x3FFC];
	_ =	sdelay $0x3  }
0x95: {  	_ =	strace s4  }
0x96: {  	s4 =	sld [smem:$0x3FFD];
	_ =	sdelay $0x3  }
0x97: {  	_ =	strace s4  }
0x98: {  	_ =	strace $0x8FFFFFFF  }
0x99: {  	s19 =	sld [smem:$0x3FDB];
	_ =	sdelay $0x1  }
0x9a: {  	s5 =	simm.s32 $_scs_section_size  }
0x9b: {  	s6 =	simm.s32 $_size__tile_overlayer_lowered;
	s7 =	simm.s32 $_tile_overlayer_lowered  }
0x9c: {  	s22 =	simm.s32 $0x1BFF;
	s21 =	sshll.u32 s7, $0x1;
	s4 =	sadd.s32 s5, s19  }
0x9d: {  	s8 =	simm.s32 $0x0;
	s20 =	sshll.u32 s6, $0x1;
	s6 =	sadd.s32 s21, s4  }
0x9e: {  	[timem:s8], [sflag:s22] =	dma.local [hbm:s6], s20  }
0x9f: {  	_ =	swait.ge [sflag:s22], s20  }
0xa0: {  	s5 =	ssub.s32 $0x0, s20;
	[sflag:s22] =	ssyncset.done $0x0  }
0xa1: {  	[sflag:s22] =	ssyncadd.s32 s5;
	_ =	sdelay $0x1  }
0xa2: {  	s23 =	simm.s32 $0x1B8B  }
0xa3: {  	_ =	swait.ge [sflag:s23], $0x1  }
0xa4: {  	[sflag:s23] =	ssyncset.done $0x0  }
0xa5: {  	s25 =	simm.s32 $0x1B8E;
	s24 =	sld [smem:$0x3FFE];
	[sflag:s23] =	ssyncadd.s32 $0xFFFFFFFF  }
0xa6: {  	s26 =	simm.s32 $execute0_lowered;
	[smem:$0x3FD2] =	sst s25  }
0xa7: {  	s6 =	sshll.u32 s26, $0x1;
	_ =	strace $0x80000046;
	[dreg:$0x1] =	wrdreg $0xFFFFFFFF  }
0xa8: {  	s28 =	simm.s32 $_size_execute0_lowered;
	s4 =	sadd.s32 s4, s6;
	[dreg:$0x0] =	wrdreg $0x0  }
0xa9: {  	s6 =	sshll.u32 s28, $0x1;
	[dreg:$0x2] =	wrdreg s4  }
0xaa: {  	[dreg:$0x3] =	wrdreg s6  }
0xab: {  	[dreg:$0x4] =	wrdreg $0xC0  }
0xac: {  	_ =	task [dreg:s8], $0x5FFFF  }
0xad: {  	[dreg:$0x1] =	wrdreg $0xFFFFFFFF  }
0xae: {  	[dreg:$0x0] =	wrdreg $0x60  }
0xaf: {  	[dreg:$0x2] =	wrdreg s2  }
0xb0: {  	[dreg:$0x3] =	wrdreg s18  }
0xb1: {  	[dreg:$0x4] =	wrdreg s24  }
0xb2: {  	[dreg:$0x5] =	wrdreg $0x9  }
0xb3: {  	_ =	task.clear_ibuf [dreg:s8], $0x6FFFF;
	_ =	strace $0x90000046  }
0xb4: {  	s29 =	simm.s32 $0x9;
	_ =	strace $0x80000048  }
0xb5: {  	_ =	swait.ge [sflag:s29], $0x1  }
0xb6: {  	[sflag:s29] =	ssyncadd.s32 $0xFFFFFFFF  }
0xb7: {  	_ =	strace $0x90000048  }
0xb8: {  	_ =	sfence  }
0xb9: {  	s30 =	sld [smem:$0x0];
	_ =	sdelay $0x2  }
0xba: {  	s31 =	sshll.u32 s1, $0xD;
	s1 =	sshrl.u32 s1, $0x2  }
0xbb: {  	s3 =	sand.u32 $0x4000, s31;
	s1 =	sadd.s32 s1, s30  }
0xbc: {  	s0 =	sor.u32 s3, s0;
	s1 =	sshll.u32 s1, $0x11  }
0xbd: {  	s0 =	sor.u32 s1, s0  }
0xbe: {  	s0 =	sadd.s32 $0x8F2B, s0  }
0xbf: {  	[sflag:s0] =	ssyncadd.remote.s32 $0x1  }
0xc0: {  	_ =	sfence.sel $0xFFFF  }
0xc1: {  	[dreg:$0x0] =	wrdreg $0xFFFFFFFF;
	(pc) =	sbr.abs _section_cstart, $3  }
0xc2: {  	[dreg:$0x1] =	wrdreg $0xFFFFFFFF  }
0xc3: {  	_ =	task.clear_ibuf [dreg:s8], $0x2FFFF;
	_ =	strace $0x9FFFFFFF  }
0xc4: {  	(tm) =	ssettm $0x7FFFFFFF  }
0xc5: {  	_ =	shalt  }
tec
execute0_lowered:
.L_overlay_start_1:
0x0: {  	(tag) =	ssettag $0x1  }
0x1: {  	s1 =	rddreg [dreg:$0x0]  }
0x2: {  	s0 =	rddreg [dreg:$0x1];
	s2 =	srdreg.scid  }
0x3: {  	s3 =	stileid.u32;
	s4 =	rddreg [dreg:$0x2]  }
0x4: {  	s18 =	simm.s32 $0x13F8;
	s19 =	simm.s32 $0x17F8;
	s20 =	simm.s32 $0x1470  }
0x5: {  	s21 =	simm.s32 $0x1870;
	s22 =	simm.s32 $0x14E8;
	s23 =	simm.s32 $0x18E8  }
0x6: {  	s24 =	simm.s32 $0x1560;
	s25 =	simm.s32 $0x1960;
	s26 =	simm.s32 $0x15D8  }
0x7: {  	s28 =	simm.s32 $0x19D8;
	s29 =	simm.s32 $0x1650;
	s30 =	simm.s32 $0x1A50  }
0x8: {  	s31 =	simm.s32 $0x16C8;
	s11 =	simm.s32 $0x3;
	s12 =	simm.s32 $0x0  }
0x9: {  	s2 =	sand.u32 $0x1, s2;
	s5 =	sshll.u32 s3, $0x1;
	s3 =	simm.s32 $0x0  }
0xa: {  	s5 =	sor.u32 s2, s5;
	[smem:$0x7FF] =	sst s3;
	s2 =	ssub.s32 $0x2, s2  }
0xb: {  	s6 =	sshll.u32 s5, $0x7;
	_ =	strace $0x80000047;
	s10 =	sshll.u32 s5, $0x5  }
0xc: {  	v1 =	vlaneseq.u32;
	s5 =	sshll.u32 s5, $0x4;
	s15 =	sshrl.u32 s2, $0x1;
	s7 =	sadd.s32 s6, s4  }
0xd: {  	s14 =	sand.u32 $0x380, s10;
	s8 =	sadd.s32 s5, s4;
	s17 =	sor.u32 $0x10, s10;
	v0 =	vmov s10;
	v2 =	vor.u32 s10, v1  }
0xe: {  	s16 =	ssub.s32 s2, s15;
	s5 =	sand.u32 $0x60, s10;
	s15 =	simm.s32 $0x78;
	v0 =	vshll.u32 v0, $0x3;
	v3 =	vmov s17;
	v1 =	vor.u32 s17, v1  }
0xf: {  	s2 =	simm.s32 $0x1AC8;
	s10 =	simm.s32 $0x1B80;
	s4 =	sadd.s32 s0, s14;
	v2 =	vand.u32 $0x6F, v2;
	v0 =	vand.u32 $0x7FFFFC00, v0;
	v3 =	vshll.u32 v3, $0x3  }
0x10: {  	s7 =	sadd.s32 $0x600, s7;
	s8 =	sadd.s32 $0x1600, s8;
	s9 =	smax.u32 s16, $0x1;
	v1 =	vand.u32 $0x7F, v1;
	v0 =	vor.u32 v2, v0;
	v2 =	vand.u32 $0x7FFFFC00, v3  }
0x11: {  	s14 =	simm.s32 $0x1;
	s0 =	simm.s32 $0x2;
	s6 =	sadd.s32 $0x800, s4;
	v3 =	vimm.f32 $0.0e+00;
	v1 =	vor.u32 v1, v2;
	v2 =	vimm.s32 $0x0  }
.LBB2_1:
0x12: {  	s13 =	simm.s32 $0x400;
	s16 =	simm.s32 $0x2000  }
0x13: {  	[tilespmem:s3], [sflag:$0x1] =	stream.strided.gather [hbm4b:s4+s13], $0x800, s16, s13, $0x38;
	[tilespmem:$0x1C00] =	vst v63  }
0x14: {  	s17 =	simm.s32 $0x800  }
0x15: {  	[tilespmem:s17], [sflag:$0x1] =	stream.linear.gather [hbm4b:s6+s3], $0x200, $0x38;
	[tilespmem:$0x1C00] =	vst v63  }
0x16: {  	s16 =	simm.s32 $0xC00  }
0x17: {  	[tilespmem:s16], [sflag:$0x1] =	stream.linear.gather [hbm4b:s7+s3], $0x400, $0x38;
	[tilespmem:$0x1C00] =	vst v63  }
0x18: {  	_ =	swait.ge [sflag:s14], $0xA00  }
0x19: {  	[sflag:s14] =	ssyncset.done $0x0  }
0x1a: {  	[sflag:s14] =	ssyncadd.s32 $0xFFFFF600  }
0x1b: {  	_ =	swait.ge [sflag:s14], $0x400  }
0x1c: {  	[sflag:s14] =	ssyncset.done $0x0  }
0x1d: {  	[sflag:s14] =	ssyncadd.s32 $0xFFFFFC00  }
0x1e: {  	v4 =	vld [tilespmem:s5+$0x0]  }
0x1f: {  	v5 =	vld [tilespmem:s5+$0x80]  }
0x20: {  	v6 =	vld [tilespmem:s5+$0x100]  }
0x21: {  	v7 =	vld [tilespmem:s5+$0x180]  }
0x22: {  	v8 =	vld [tilespmem:s5+$0x200]  }
0x23: {  	v9 =	vld [tilespmem:s5+$0x280]  }
0x24: {  	v10 =	vld [tilespmem:s5+$0x300]  }
0x25: {  	v11 =	vld [tilespmem:s5+$0x380]  }
0x26: {  	v12 =	vld [tilespmem:s5+$0x400]  }
0x27: {  	v13 =	vld [tilespmem:s5+$0x480]  }
0x28: {  	v14 =	vld [tilespmem:s5+$0x500]  }
0x29: {  	v15 =	vld [tilespmem:s5+$0x580]  }
0x2a: {  	v16 =	vld [tilespmem:s5+$0x600]  }
0x2b: {  	v17 =	vld [tilespmem:s5+$0x680]  }
0x2c: {  	v18 =	vld [tilespmem:s5+$0x700];
	vm0 =	vgt.s32 v4, v5  }
0x2d: {  	v19 =	vld [tilespmem:s5+$0x780];
	vm1 =	vgt.s32 v6, v7;
	v22 =	vsel vm0, v5, v4;
	v5 =	vsel vm0, v4, v5  }
0x2e: {  	v20 =	vld [tilespmem:s5+$0x800];
	v23 =	vsel vm1, v7, v6;
	v6 =	vsel vm1, v6, v7;
	vm0 =	vgt.s32 v8, v9  }
0x2f: {  	v21 =	vld [tilespmem:s5+$0x880];
	vm1 =	vgt.s32 v10, v11;
	v7 =	vsel vm0, v9, v8;
	v8 =	vsel vm0, v8, v9  }
0x30: {  	v24 =	vld [tilespmem:s5+$0x900];
	v9 =	vsel vm1, v11, v10;
	v10 =	vsel vm1, v10, v11;
	vm0 =	vgt.s32 v12, v13  }
0x31: {  	v4 =	vld [tilespmem:s5+$0x980];
	vm1 =	vgt.s32 v14, v15;
	v11 =	vsel vm0, v13, v12;
	v12 =	vsel vm0, v12, v13  }
0x32: {  	v13 =	vsel vm1, v15, v14;
	v14 =	vsel vm1, v14, v15;
	vm0 =	vgt.s32 v16, v17  }
0x33: {  	vm1 =	vgt.s32 v18, v19;
	v15 =	vsel vm0, v17, v16;
	v16 =	vsel vm0, v16, v17  }
0x34: {  	v17 =	vsel vm1, v19, v18;
	v18 =	vsel vm1, v18, v19;
	vm0 =	vgt.s32 v20, v21  }
0x35: {  	v19 =	vsel vm0, v21, v20;
	v20 =	vsel vm0, v20, v21;
	vm0 =	vgt.s32 v22, v23  }
0x36: {  	vm1 =	vgt.s32 v24, v4;
	v25 =	vsel vm0, v23, v22  }
0x37: {  	v22 =	vsel vm0, v22, v23;
	vm0 =	vgt.s32 v7, v9;
	v21 =	vsel vm1, v4, v24  }
0x38: {  	v24 =	vsel vm1, v24, v4;
	vm1 =	vgt.s32 v5, v6;
	v27 =	vsel vm0, v9, v7  }
0x39: {  	v7 =	vsel vm0, v7, v9;
	vm0 =	vgt.s32 v11, v13;
	v23 =	vsel vm1, v6, v5  }
0x3a: {  	v26 =	vsel vm1, v5, v6;
	vm1 =	vgt.s32 v8, v10;
	v28 =	vsel vm0, v13, v11  }
0x3b: {  	v9 =	vsel vm1, v10, v8;
	v10 =	vsel vm1, v8, v10;
	vm1 =	vgt.s32 v12, v14  }
0x3c: {  	v8 =	vsel vm0, v11, v13;
	vm0 =	vgt.s32 v15, v17;
	v11 =	vsel vm1, v14, v12  }
0x3d: {  	v12 =	vsel vm1, v12, v14;
	vm1 =	vgt.s32 v16, v18;
	v13 =	vsel vm0, v17, v15  }
0x3e: {  	v14 =	vsel vm0, v15, v17;
	vm0 =	vgt.s32 v19, v21;
	v15 =	vsel vm1, v18, v16  }
0x3f: {  	v16 =	vsel vm1, v16, v18;
	vm1 =	vgt.s32 v20, v24;
	v6 =	vsel vm0, v21, v19  }
0x40: {  	v17 =	vsel vm0, v19, v21;
	vm0 =	vgt.s32 v23, v22;
	v18 =	vsel vm1, v24, v20  }
0x41: {  	v5 =	vsel vm1, v20, v24;
	vm1 =	vgt.s32 v9, v7;
	v19 =	vsel vm0, v22, v23  }
0x42: {  	v20 =	vsel vm0, v23, v22;
	vm0 =	vgt.s32 v11, v8;
	v21 =	vsel vm1, v7, v9  }
0x43: {  	v9 =	vsel vm1, v9, v7;
	vm1 =	vgt.s32 v15, v14;
	v22 =	vsel vm0, v8, v11  }
0x44: {  	v11 =	vsel vm0, v11, v8;
	vm0 =	vgt.s32 v18, v17;
	v23 =	vsel vm1, v14, v15  }
0x45: {  	v14 =	vsel vm1, v15, v14;
	vm1 =	vgt.s32 v25, v27;
	v8 =	vsel vm0, v17, v18  }
0x46: {  	v7 =	vsel vm0, v18, v17;
	vm0 =	vgt.s32 v19, v21;
	v15 =	vsel vm1, v27, v25  }
0x47: {  	v17 =	vsel vm1, v25, v27;
	vm1 =	vgt.s32 v20, v9;
	v18 =	vsel vm0, v21, v19  }
0x48: {  	v19 =	vsel vm0, v19, v21;
	vm0 =	vgt.s32 v26, v10;
	v21 =	vsel vm1, v9, v20  }
0x49: {  	v9 =	vsel vm1, v20, v9;
	vm1 =	vgt.s32 v28, v13;
	v20 =	vsel vm0, v10, v26  }
0x4a: {  	v10 =	vsel vm0, v26, v10;
	vm0 =	vgt.s32 v22, v23;
	v24 =	vsel vm1, v13, v28  }
0x4b: {  	v13 =	vsel vm1, v28, v13;
	vm1 =	vgt.s32 v11, v14;
	v25 =	vsel vm0, v23, v22  }
0x4c: {  	v22 =	vsel vm0, v22, v23;
	vm0 =	vgt.s32 v12, v16;
	v23 =	vsel vm1, v14, v11  }
0x4d: {  	v11 =	vsel vm1, v11, v14;
	vm1 =	vgt.s32 v21, v17;
	v14 =	vsel vm0, v16, v12  }
0x4e: {  	v12 =	vsel vm0, v12, v16;
	vm0 =	vgt.s32 v20, v19;
	v16 =	vsel vm1, v17, v21  }
0x4f: {  	v17 =	vsel vm1, v21, v17;
	vm1 =	vgt.s32 v23, v13;
	v21 =	vsel vm0, v19, v20  }
0x50: {  	v19 =	vsel vm0, v20, v19;
	vm0 =	vgt.s32 v14, v22;
	v20 =	vsel vm1, v13, v23  }
0x51: {  	v13 =	vsel vm1, v23, v13;
	vm1 =	vgt.s32 v18, v16;
	v23 =	vsel vm0, v22, v14  }
0x52: {  	v14 =	vsel vm0, v14, v22;
	vm0 =	vgt.s32 v21, v17;
	v22 =	vsel vm1, v16, v18  }
0x53: {  	v16 =	vsel vm1, v18, v16;
	vm1 =	vgt.s32 v19, v9;
	v18 =	vsel vm0, v17, v21  }
0x54: {  	v17 =	vsel vm0, v21, v17;
	vm0 =	vgt.s32 v25, v20;
	v21 =	vsel vm1, v9, v19  }
0x55: {  	v9 =	vsel vm1, v19, v9;
	vm1 =	vgt.s32 v23, v13;
	v19 =	vsel vm0, v20, v25  }
0x56: {  	v20 =	vsel vm0, v25, v20;
	vm0 =	vgt.s32 v14, v11;
	v25 =	vsel vm1, v13, v23  }
0x57: {  	v13 =	vsel vm1, v23, v13;
	vm1 =	vgt.s32 v15, v24;
	v23 =	vsel vm0, v11, v14  }
0x58: {  	v11 =	vsel vm0, v14, v11;
	vm0 =	vgt.s32 v22, v19;
	v14 =	vsel vm1, v24, v15  }
0x59: {  	v15 =	vsel vm1, v15, v24;
	vm1 =	vgt.s32 v16, v20;
	v24 =	vsel vm0, v19, v22  }
0x5a: {  	v19 =	vsel vm0, v22, v19;
	vm0 =	vgt.s32 v18, v25;
	v22 =	vsel vm1, v20, v16  }
0x5b: {  	v16 =	vsel vm1, v16, v20;
	vm1 =	vgt.s32 v17, v13;
	v20 =	vsel vm0, v25, v18  }
0x5c: {  	v18 =	vsel vm0, v18, v25;
	vm0 =	vgt.s32 v21, v23;
	v25 =	vsel vm1, v13, v17  }
0x5d: {  	v13 =	vsel vm1, v17, v13;
	vm1 =	vgt.s32 v9, v11;
	v17 =	vsel vm0, v23, v21  }
0x5e: {  	v21 =	vsel vm0, v21, v23;
	vm0 =	vgt.s32 v10, v12;
	v23 =	vsel vm1, v11, v9  }
0x5f: {  	v11 =	vsel vm1, v9, v11;
	vm1 =	vgt.s32 v25, v15;
	v26 =	vsel vm0, v12, v10  }
0x60: {  	v9 =	vsel vm0, v10, v12;
	vm0 =	vgt.s32 v17, v19;
	v10 =	vsel vm1, v15, v25  }
0x61: {  	v12 =	vsel vm1, v25, v15;
	vm1 =	vgt.s32 v23, v16;
	v15 =	vsel vm0, v19, v17  }
0x62: {  	v17 =	vsel vm0, v17, v19;
	vm0 =	vgt.s32 v26, v18;
	v19 =	vsel vm1, v16, v23  }
0x63: {  	v16 =	vsel vm1, v23, v16;
	vm1 =	vgt.s32 v22, v10;
	v23 =	vsel vm0, v18, v26  }
0x64: {  	v18 =	vsel vm0, v26, v18;
	vm0 =	vgt.s32 v20, v15;
	v25 =	vsel vm1, v10, v22  }
0x65: {  	v10 =	vsel vm1, v22, v10;
	vm1 =	vgt.s32 v19, v12;
	v22 =	vsel vm0, v15, v20  }
0x66: {  	v15 =	vsel vm0, v20, v15;
	vm0 =	vgt.s32 v23, v17;
	v20 =	vsel vm1, v12, v19  }
0x67: {  	v12 =	vsel vm1, v19, v12;
	vm1 =	vgt.s32 v16, v13;
	v19 =	vsel vm0, v17, v23  }
0x68: {  	v17 =	vsel vm0, v23, v17;
	vm0 =	vgt.s32 v18, v21;
	v23 =	vsel vm1, v13, v16  }
0x69: {  	v13 =	vsel vm1, v16, v13;
	vm1 =	vgt.s32 v24, v25;
	v16 =	vsel vm0, v21, v18  }
0x6a: {  	v18 =	vsel vm0, v18, v21;
	vm0 =	vgt.s32 v22, v10;
	v21 =	vsel vm1, v25, v24  }
0x6b: {  	v24 =	vsel vm1, v24, v25;
	vm1 =	vgt.s32 v15, v20;
	v25 =	vsel vm0, v10, v22  }
0x6c: {  	v10 =	vsel vm0, v22, v10;
	vm0 =	vgt.s32 v19, v12;
	v22 =	vsel vm1, v20, v15  }
0x6d: {  	v15 =	vsel vm1, v15, v20;
	vm1 =	vgt.s32 v17, v23;
	v20 =	vsel vm0, v12, v19  }
0x6e: {  	v12 =	vsel vm0, v19, v12;
	vm0 =	vgt.s32 v16, v13;
	v19 =	vsel vm1, v23, v17  }
0x6f: {  	v17 =	vsel vm1, v17, v23;
	vm1 =	vgt.s32 v18, v11;
	v23 =	vsel vm0, v13, v16  }
0x70: {  	v13 =	vsel vm0, v16, v13;
	vm0 =	vgt.s32 v14, v6;
	v16 =	vsel vm1, v11, v18  }
0x71: {  	v11 =	vsel vm1, v18, v11;
	vm1 =	vgt.s32 v21, v8;
	v18 =	vsel vm0, v6, v14  }
0x72: {  	v6 =	vsel vm0, v14, v6;
	vm0 =	vgt.s32 v24, v7;
	v14 =	vsel vm1, v8, v21  }
0x73: {  	v8 =	vsel vm1, v21, v8;
	vm1 =	vgt.s32 v25, v5;
	v21 =	vsel vm0, v7, v24  }
0x74: {  	v7 =	vsel vm0, v24, v7;
	vm0 =	vgt.s32 v12, v6;
	v24 =	vsel vm1, v5, v25  }
0x75: {  	v5 =	vsel vm1, v25, v5;
	vm1 =	vgt.s32 v19, v8;
	v25 =	vsel vm0, v6, v12  }
0x76: {  	v6 =	vsel vm0, v12, v6;
	vm0 =	vgt.s32 v17, v7;
	v12 =	vsel vm1, v8, v19  }
0x77: {  	v8 =	vsel vm1, v19, v8;
	vm1 =	vgt.s32 v23, v5;
	v19 =	vsel vm0, v7, v17  }
0x78: {  	v17 =	vsel vm0, v17, v7;
	vm0 =	vgt.s32 v10, v25;
	v7 =	vsel vm1, v5, v23  }
0x79: {  	v23 =	vsel vm1, v23, v5;
	vm1 =	vgt.s32 v22, v12;
	v5 =	vsel vm0, v25, v10  }
0x7a: {  	v10 =	vsel vm0, v10, v25;
	vm0 =	vgt.s32 v15, v19;
	v25 =	vsel vm1, v12, v22  }
0x7b: {  	v12 =	vsel vm1, v22, v12;
	vm1 =	vgt.s32 v20, v7;
	v22 =	vsel vm0, v19, v15  }
0x7c: {  	v15 =	vsel vm0, v15, v19;
	vm0 =	vgt.s32 v13, v6;
	vm2 =	vgt.s32 v21, v5  }
0x7d: {  	v19 =	vsel vm1, v7, v20;
	v7 =	vsel vm1, v20, v7;
	vm1 =	vgt.s32 v16, v8  }
0x7e: {  	v20 =	vsel vm0, v6, v13;
	v13 =	vsel vm0, v13, v6;
	vm0 =	vgt.s32 v9, v23  }
0x7f: {  	v26 =	vsel vm2, v5, v21;
	vm3 =	vgt.s32 v24, v25;
	v5 =	vsel vm2, v21, v5  }
0x80: {  	vm2 =	vgt.s32 v22, v10;
	v6 =	vsel vm1, v8, v16;
	v16 =	vsel vm1, v16, v8  }
0x81: {  	[tilespmem:$0x1000] =	vst v18;
	v27 =	vsel vm0, v23, v9;
	vm4 =	vgt.s32 v14, v26;
	v9 =	vsel vm0, v9, v23  }
0x82: {  	vm1 =	vgt.s32 v11, v17;
	v21 =	vsel vm3, v25, v24;
	v28 =	vsel vm4, v26, v14;
	[tilespmem:$0x1130] =	vst v9  }
0x83: {  	v18 =	vsel vm3, v24, v25;
	v14 =	vsel vm4, v14, v26;
	vm4 =	vgt.s32 v21, v5;
	[tilespmem:$0x1010] =	vst v28  }
0x84: {  	v24 =	vsel vm2, v10, v22;
	vm3 =	vgt.s32 v19, v12;
	v25 =	vsel vm4, v5, v21;
	[tilespmem:$0x1020] =	vst v14  }
0x85: {  	v10 =	vsel vm2, v22, v10;
	v5 =	vsel vm4, v21, v5;
	vm4 =	vgt.s32 v18, v24;
	[tilespmem:$0x1030] =	vst v25  }
0x86: {  	vm2 =	vgt.s32 v15, v20;
	v14 =	vsel vm3, v12, v19;
	v21 =	vsel vm4, v24, v18;
	[tilespmem:$0x1040] =	vst v5  }
0x87: {  	v8 =	vsel vm1, v17, v11;
	v5 =	vsel vm4, v18, v24;
	vm4 =	vgt.s32 v14, v10;
	[tilespmem:$0x1050] =	vst v21  }
0x88: {  	v12 =	vsel vm3, v19, v12;
	v18 =	vsel vm2, v20, v15;
	v19 =	vsel vm4, v10, v14;
	[tilespmem:$0x1060] =	vst v5  }
0x89: {  	v33 =	vld [tilespmem:$0xC60];
	vm3 =	vgt.s32 v7, v6;
	v5 =	vsel vm4, v14, v10;
	vm4 =	vgt.s32 v12, v18;
	[tilespmem:$0x1070] =	vst v19  }
0x8a: {  	v34 =	vld [tilespmem:$0xC80];
	v10 =	vsel vm2, v15, v20;
	v14 =	vsel vm3, v6, v7;
	v15 =	vsel vm4, v18, v12;
	[tilespmem:$0x1080] =	vst v5  }
0x8b: {  	v35 =	vld [tilespmem:$0xD40];
	vm2 =	vgt.s32 v8, v13;
	v12 =	vsel vm4, v12, v18;
	vm4 =	vgt.s32 v14, v10;
	[tilespmem:$0x1090] =	vst v15  }
0x8c: {  	v36 =	vld [tilespmem:$0xCD0];
	v18 =	vsel vm2, v13, v8;
	v15 =	vsel vm3, v7, v6;
	v7 =	vsel vm4, v10, v14;
	[tilespmem:$0x10A0] =	vst v12  }
0x8d: {  	v23 =	vld [tilespmem:$0xD60];
	vm3 =	vgt.s32 v27, v16;
	v10 =	vsel vm4, v14, v10;
	vm4 =	vgt.s32 v15, v18;
	[tilespmem:$0x10B0] =	vst v7  }
0x8e: {  	v26 =	vld [tilespmem:$0xC90];
	v12 =	vsel vm2, v8, v13;
	v13 =	vsel vm3, v16, v27;
	[tilespmem:$0x10C0] =	vst v10;
	v8 =	vsel vm4, v18, v15  }
0x8f: {  	v11 =	vsel vm1, v11, v17;
	v17 =	vld [tilespmem:$0xCA0];
	v10 =	vsel vm4, v15, v18;
	vm2 =	vgt.s32 v13, v12;
	[tilespmem:$0x10D0] =	vst v8  }
0x90: {  	v24 =	vld [tilespmem:$0xC50];
	v15 =	vsel vm3, v27, v16;
	v16 =	vsel vm2, v12, v13;
	[tilespmem:$0x10E0] =	vst v10  }
0x91: {  	v5 =	vld [tilespmem:$0xC00];
	v10 =	vsel vm2, v13, v12;
	vm1 =	vgt.s32 v15, v11;
	[tilespmem:$0x10F0] =	vst v16  }
0x92: {  	v6 =	vld [tilespmem:$0xC10];
	v12 =	vsel vm1, v11, v15;
	[tilespmem:$0x1100] =	vst v10  }
0x93: {  	v14 =	vld [tilespmem:$0xC30];
	v10 =	vsel vm1, v15, v11;
	[tilespmem:$0x1110] =	vst v12  }
0x94: {  	s17 =	simm.s32 $0x0;
	v7 =	vld [tilespmem:$0xC20];
	[tilespmem:$0x1120] =	vst v10  }
0x95: {  	v40 =	vld [tilespmem:s17+$0x1000]  }
0x96: {  	v8 =	vld [tilespmem:$0xC40]  }
0x97: {  	v16 =	vld [tilespmem:$0xC70]  }
0x98: {  	v15 =	vld [tilespmem:$0xD20]  }
0x99: {  	v10 =	vld [tilespmem:$0xD30]  }
0x9a: {  	v9 =	vld [tilespmem:$0xCC0];
	vm5 =	vge.s32 v5, v40;
	vm1 =	vge.s32 v6, v40;
	vm0 =	vge.s32 v7, v40  }
0x9b: {  	v11 =	vld [tilespmem:$0xCF0];
	vm6 =	vge.s32 v14, v40;
	vm3 =	vge.s32 v8, v40;
	vm4 =	vge.s32 v23, v40  }
0x9c: {  	v42 =	vld [tilespmem:$0xD00];
	vm7 =	vge.s32 v33, v40;
	vm8 =	vge.s32 v16, v40;
	vm2 =	vge.s32 v35, v40  }
0x9d: {  	v31 =	vld [tilespmem:$0xD80];
	vm9 =	vge.s32 v26, v40;
	vm10 =	vge.s32 v36, v40;
	vm11 =	vge.s32 v15, v40  }
0x9e: {  	vm12 =	vge.s32 v10, v40;
	vm15 =	vge.s32 v24, v40;
	v22 =	vsel vm1, $0x1, v2  }
0x9f: {  	v39 =	vld [tilespmem:$0xD10];
	vm1 =	vge.s32 v17, v40;
	v25 =	vsel vm3, $0x1, v2;
	vm3 =	vge.s32 v9, v40  }
0xa0: {  	v28 =	vld [tilespmem:$0xCB0];
	v29 =	vsel vm5, $0x1, v2;
	v41 =	vsel vm7, $0x1, v2;
	vm5 =	vge.s32 v11, v40  }
0xa1: {  	v13 =	vsel vm6, $0x1, v2;
	v18 =	vsel vm8, $0x1, v2;
	vm6 =	vge.s32 v42, v40  }
0xa2: {  	vm7 =	vge.s32 v31, v40;
	vm8 =	vge.s32 v34, v40;
	v44 =	vsel vm10, $0x1, v2  }
0xa3: {  	v37 =	vsel vm12, $0x1, v2;
	v32 =	vsel vm9, $0x1, v2;
	v30 =	vsel vm15, $0x1, v2  }
0xa4: {  	v46 =	vsel vm4, $0x1, v2;
	v20 =	vsel vm5, $0x1, v2;
	v19 =	vadd.s32 v13, v14  }
0xa5: {  	v12 =	vld [tilespmem:$0xD50];
	vm5 =	vge.s32 v28, v40;
	v43 =	vsel vm6, $0x1, v2;
	vm6 =	vge.s32 v39, v40  }
0xa6: {  	v21 =	vld [tilespmem:$0xCE0];
	v14 =	vsel vm11, $0x1, v2;
	v27 =	vsel vm1, $0x1, v2;
	v30 =	vadd.s32 v30, v24  }
0xa7: {  	v47 =	vsel vm7, $0x1, v2;
	v24 =	vadd.s32 v46, v23;
	v13 =	vadd.s32 v20, v11;
	v11 =	vld [tilespmem:$0xD70]  }
0xa8: {  	v32 =	vadd.s32 v32, v26;
	v20 =	vadd.s32 v18, v16;
	v18 =	vadd.s32 v14, v15;
	v14 =	vld [tilespmem:$0xD90]  }
0xa9: {  	v26 =	vsel vm2, $0x1, v2;
	v63 =	vsel vm8, $0x1, v2;
	v45 =	vsel vm6, $0x1, v2;
	v15 =	vld [tilespmem:$0xDA0]  }
0xaa: {  	vm6 =	vge.s32 v12, v40;
	v16 =	vld [tilespmem:$0xDB0];
	v27 =	vadd.s32 v27, v17;
	v48 =	vsel vm5, $0x1, v2  }
0xab: {  	v17 =	vld [tilespmem:$0xDC0];
	v23 =	vadd.s32 v47, v31;
	v26 =	vadd.s32 v26, v35;
	v35 =	vadd.s32 v41, v33  }
0xac: {  	v33 =	vadd.s32 v44, v36;
	v36 =	vadd.s32 v63, v34;
	v34 =	vadd.s32 v43, v42  }
0xad: {  	v38 =	vsel vm6, $0x1, v2;
	v31 =	vadd.s32 v48, v28;
	vm6 =	vge.s32 v21, v40  }
0xae: {  	v28 =	vadd.s32 v45, v39;
	v39 =	vsel vm3, $0x1, v2;
	v41 =	vsel vm6, $0x1, v2  }
0xaf: {  	vm1 =	vge.s32 v11, v40;
	vm5 =	vge.s32 v15, v40;
	vm4 =	vge.s32 v14, v40  }
0xb0: {  	s13 =	simm.s32 $0x40;
	vm3 =	vge.s32 v16, v40;
	vm2 =	vge.s32 v17, v40;
	v40 =	vsel vm5, $0x1, v2  }
.LBB2_2:
0xb1: {  	s16 =	sshra.s32 s13, $0x2;
	p0 =	sne.s32 s13, $0x4C0;
	s13 =	sadd.s32 $0x40, s13;
	v42 =	vsel vm1, $0x1, v2;
	v43 =	vsel vm4, $0x1, v2;
	v15 =	vadd.s32 v40, v15  }
0xb2: {  	v40 =	vld [tilespmem:s16+$0x1000];
	v11 =	vadd.s32 v42, v11;
	v14 =	vadd.s32 v43, v14;
	v42 =	vsel vm3, $0x1, v2  }
0xb3: {  	v9 =	vadd.s32 v39, v9;
	v12 =	vadd.s32 v38, v12;
	v16 =	vadd.s32 v42, v16  }
0xb4: {  	v21 =	vadd.s32 v41, v21;
	v10 =	vadd.s32 v37, v10;
	v37 =	vsel vm2, $0x1, v2  }
0xb5: {  	v38 =	vsel vm0, $0x1, v2;
	v8 =	vadd.s32 v25, v8;
	v17 =	vadd.s32 v37, v17  }
0xb6: {  	v5 =	vadd.s32 v29, v5;
	v6 =	vadd.s32 v22, v6;
	v7 =	vadd.s32 v38, v7  }
0xb7: {  	vm5 =	vge.s32 v5, v40;
	vm1 =	vge.s32 v6, v40;
	vm0 =	vge.s32 v7, v40  }
0xb8: {  	vm7 =	vge.s32 v19, v40;
	vm2 =	vge.s32 v8, v40;
	vm4 =	vge.s32 v24, v40  }
0xb9: {  	vm8 =	vge.s32 v35, v40;
	vm9 =	vge.s32 v20, v40;
	vm3 =	vge.s32 v26, v40  }
0xba: {  	vm6 =	vge.s32 v32, v40;
	v22 =	vsel vm1, $0x1, v2;
	vm1 =	vge.s32 v27, v40  }
0xbb: {  	vm10 =	vge.s32 v33, v40;
	v25 =	vsel vm2, $0x1, v2;
	vm2 =	vge.s32 v9, v40  }
0xbc: {  	v29 =	vsel vm5, $0x1, v2;
	v39 =	vsel vm8, $0x1, v2;
	vm5 =	vge.s32 v13, v40  }
0xbd: {  	v37 =	vsel vm7, $0x1, v2;
	v38 =	vsel vm9, $0x1, v2;
	v41 =	vsel vm5, $0x1, v2  }
0xbe: {  	vm7 =	vge.s32 v31, v40;
	v19 =	vadd.s32 v37, v19;
	v13 =	vadd.s32 v41, v13  }
0xbf: {  	vm8 =	vge.s32 v34, v40;
	vm9 =	vge.s32 v23, v40;
	v20 =	vadd.s32 v38, v20  }
0xc0: {  	vm11 =	vge.s32 v18, v40;
	vm12 =	vge.s32 v10, v40;
	vm5 =	vge.s32 v36, v40  }
0xc1: {  	v42 =	vsel vm8, $0x1, v2;
	vm8 =	vge.s32 v28, v40;
	v37 =	vsel vm11, $0x1, v2  }
0xc2: {  	v41 =	vsel vm10, $0x1, v2;
	v18 =	vadd.s32 v37, v18;
	v37 =	vsel vm12, $0x1, v2  }
0xc3: {  	v43 =	vsel vm6, $0x1, v2;
	vm6 =	vge.s32 v12, v40;
	v44 =	vsel vm8, $0x1, v2  }
0xc4: {  	v45 =	vsel vm1, $0x1, v2;
	vm1 =	vge.s32 v11, v40;
	vm8 =	vge.s32 v30, v40  }
0xc5: {  	v47 =	vsel vm4, $0x1, v2;
	v38 =	vsel vm6, $0x1, v2;
	v46 =	vsel vm8, $0x1, v2  }
0xc6: {  	v27 =	vadd.s32 v45, v27;
	v45 =	vsel vm9, $0x1, v2;
	v30 =	vadd.s32 v46, v30  }
0xc7: {  	v24 =	vadd.s32 v47, v24;
	v23 =	vadd.s32 v45, v23;
	v46 =	vsel vm7, $0x1, v2  }
0xc8: {  	v32 =	vadd.s32 v43, v32;
	v43 =	vsel vm3, $0x1, v2;
	v31 =	vadd.s32 v46, v31  }
.Ltmp0:
0xc9: {  	v26 =	vadd.s32 v43, v26;
	v45 =	vsel vm5, $0x1, v2;
	v28 =	vadd.s32 v44, v28;
	(pc) =	sbr.rel @p0 .LBB2_2-.Ltmp0, $4  }
0xca: {  	v35 =	vadd.s32 v39, v35;
	v33 =	vadd.s32 v41, v33;
	vm5 =	vge.s32 v15, v40  }
0xcb: {  	vm4 =	vge.s32 v14, v40;
	v39 =	vsel vm2, $0x1, v2;
	vm6 =	vge.s32 v21, v40  }
0xcc: {  	vm3 =	vge.s32 v16, v40;
	vm2 =	vge.s32 v17, v40;
	v36 =	vadd.s32 v45, v36  }
0xcd: {  	v34 =	vadd.s32 v42, v34;
	v41 =	vsel vm6, $0x1, v2;
	v40 =	vsel vm5, $0x1, v2  }
0xce: {  	[tilespmem:$0x1180] =	vst v4  }
0xcf: {  	[tilespmem:$0x11C0] =	vst v19  }
0xd0: {  	[tilespmem:$0x11E0] =	vst v30  }
0xd1: {  	[tilespmem:$0x11F0] =	vst v35  }
0xd2: {  	[tilespmem:$0x1200] =	vst v20  }
0xd3: {  	[tilespmem:$0x1210] =	vst v36  }
0xd4: {  	[tilespmem:$0x1220] =	vst v32  }
0xd5: {  	[tilespmem:$0x1230] =	vst v27  }
0xd6: {  	[tilespmem:$0x1240] =	vst v31  }
0xd7: {  	[tilespmem:$0x1260] =	vst v33  }
0xd8: {  	[tilespmem:$0x1280] =	vst v13  }
0xd9: {  	[tilespmem:$0x1290] =	vst v34  }
0xda: {  	[tilespmem:$0x12A0] =	vst v28  }
0xdb: {  	[tilespmem:$0x12B0] =	vst v18  }
0xdc: {  	[tilespmem:$0x12D0] =	vst v26  }
0xdd: {  	[tilespmem:$0x12F0] =	vst v24  }
0xde: {  	v5 =	vadd.s32 v29, v5;
	[tilespmem:$0x1310] =	vst v23  }
0xdf: {  	v4 =	vsel vm0, $0x1, v2;
	v6 =	vadd.s32 v22, v6;
	[tilespmem:$0x1190] =	vst v5  }
0xe0: {  	v4 =	vadd.s32 v4, v7;
	[tilespmem:$0x11A0] =	vst v6  }
0xe1: {  	[tilespmem:$0x11B0] =	vst v4;
	v4 =	vadd.s32 v25, v8  }
0xe2: {  	[tilespmem:$0x11D0] =	vst v4;
	v4 =	vadd.s32 v39, v9  }
0xe3: {  	[tilespmem:$0x1250] =	vst v4;
	v4 =	vadd.s32 v41, v21  }
0xe4: {  	[tilespmem:$0x1270] =	vst v4;
	v4 =	vadd.s32 v37, v10  }
0xe5: {  	v5 =	vsel vm1, $0x1, v2;
	[tilespmem:$0x12C0] =	vst v4;
	v4 =	vadd.s32 v38, v12  }
0xe6: {  	[tilespmem:$0x12E0] =	vst v4;
	v4 =	vadd.s32 v5, v11;
	v5 =	vsel vm4, $0x1, v2  }
0xe7: {  	[tilespmem:$0x1300] =	vst v4;
	v4 =	vadd.s32 v5, v14  }
0xe8: {  	v6 =	vsel vm3, $0x1, v2;
	v5 =	vadd.s32 v40, v15;
	[tilespmem:$0x1320] =	vst v4  }
0xe9: {  	v4 =	vadd.s32 v6, v16;
	v6 =	vsel vm2, $0x1, v2;
	[tilespmem:$0x1330] =	vst v5  }
0xea: {  	v5 =	vadd.s32 v6, v17;
	[tilespmem:$0x1340] =	vst v4  }
0xeb: {  	s13 =	simm.s32 $0x0;
	[tilespmem:$0x1350] =	vst v5  }
0xec: {  	v4 =	vld [tilespmem:s13+$0x1180];
	_ =	sdelay $0x2  }
0xed: {  	s16 =	simm.s32 $0x40  }
.LBB2_4:
0xee: {  	p0 =	sne.s32 s16, $0x740  }
.Ltmp1:
0xef: {  	s17 =	sshra.s32 s16, $0x2;
	s16 =	sadd.s32 $0x40, s16;
	v5 =	vshll.u32 v4, $0x7;
	(pc) =	sbr.rel @p0 .LBB2_4-.Ltmp1, $4  }
0xf0: {  	v6 =	vshll.u32 v4, $0xA;
	v4 =	vld [tilespmem:s17+$0x1180];
	v5 =	vand.u32 $0x380, v5  }
0xf1: {  	v6 =	vand.u32 $0xFFFFE000, v6;
	v5 =	vor.u32 v5, v0  }
0xf2: {  	v5 =	vadd.s32 v6, v5  }
0xf3: {  	[tilespmem:s13+$0x1380] =	vst v5;
	s13 =	smov.u32 s17  }
0xf4: {  	_ = 	snop  }
0xf5: {  	v5 =	vshll.u32 v4, $0x7  }
0xf6: {  	v4 =	vshll.u32 v4, $0xA;
	v5 =	vand.u32 $0x380, v5  }
0xf7: {  	v4 =	vand.u32 $0xFFFFE000, v4;
	v5 =	vor.u32 v5, v0  }
0xf8: {  	v4 =	vadd.s32 v4, v5  }
0xf9: {  	s17 =	simm.s32 $0x1380;
	s16 =	simm.s32 $0x1780;
	[tilespmem:s13+$0x1380] =	vst v4  }
0xfa: {  	[tilespmem:s16], [sflag:$0x2] =	stream.indirect.gather [hbm4b:s1+s15], $0x1, s17, s15, $0xb8;
	[tilespmem:$0x1C00] =	vst v63  }
0xfb: {  	_ = 	snop  }
0xfc: {  	[tilespmem:s19], [sflag:$0x2] =	stream.indirect.gather [hbm4b:s1+s15], $0x1, s18, s15, $0xb8;
	[tilespmem:$0x1C00] =	vst v63  }
0xfd: {  	_ = 	snop  }
0xfe: {  	[tilespmem:s21], [sflag:$0x2] =	stream.indirect.gather [hbm4b:s1+s15], $0x1, s20, s15, $0xb8;
	[tilespmem:$0x1C00] =	vst v63  }
0xff: {  	_ = 	snop  }
0x100: {  	[tilespmem:s23], [sflag:$0x2] =	stream.indirect.gather [hbm4b:s1+s15], $0x1, s22, s15, $0xb8;
	[tilespmem:$0x1C00] =	vst v63  }
0x101: {  	v4 =	vld [tilespmem:s5+$0x10]  }
0x102: {  	v5 =	vld [tilespmem:s5+$0x90]  }
0x103: {  	v6 =	vld [tilespmem:s5+$0x110]  }
0x104: {  	v7 =	vld [tilespmem:s5+$0x190]  }
0x105: {  	v8 =	vld [tilespmem:s5+$0x210]  }
0x106: {  	v9 =	vld [tilespmem:s5+$0x290]  }
0x107: {  	v10 =	vld [tilespmem:s5+$0x310]  }
0x108: {  	v11 =	vld [tilespmem:s5+$0x390]  }
0x109: {  	v12 =	vld [tilespmem:s5+$0x410]  }
0x10a: {  	v13 =	vld [tilespmem:s5+$0x490]  }
0x10b: {  	v14 =	vld [tilespmem:s5+$0x510]  }
0x10c: {  	v15 =	vld [tilespmem:s5+$0x590]  }
0x10d: {  	v16 =	vld [tilespmem:s5+$0x610]  }
0x10e: {  	v17 =	vld [tilespmem:s5+$0x690]  }
0x10f: {  	v18 =	vld [tilespmem:s5+$0x710];
	vm0 =	vgt.s32 v4, v5  }
0x110: {  	v19 =	vld [tilespmem:s5+$0x790];
	vm1 =	vgt.s32 v6, v7;
	v22 =	vsel vm0, v5, v4;
	v5 =	vsel vm0, v4, v5  }
0x111: {  	v20 =	vld [tilespmem:s5+$0x810];
	v23 =	vsel vm1, v7, v6;
	v6 =	vsel vm1, v6, v7;
	vm0 =	vgt.s32 v8, v9  }
0x112: {  	v21 =	vld [tilespmem:s5+$0x890];
	vm1 =	vgt.s32 v10, v11;
	v7 =	vsel vm0, v9, v8;
	v8 =	vsel vm0, v8, v9  }
0x113: {  	v24 =	vld [tilespmem:s5+$0x910];
	v9 =	vsel vm1, v11, v10;
	v10 =	vsel vm1, v10, v11;
	vm0 =	vgt.s32 v12, v13  }
0x114: {  	v4 =	vld [tilespmem:s5+$0x990];
	vm1 =	vgt.s32 v14, v15;
	v11 =	vsel vm0, v13, v12;
	v12 =	vsel vm0, v12, v13  }
0x115: {  	v13 =	vsel vm1, v15, v14;
	v14 =	vsel vm1, v14, v15;
	vm0 =	vgt.s32 v16, v17  }
0x116: {  	vm1 =	vgt.s32 v18, v19;
	v15 =	vsel vm0, v17, v16;
	v16 =	vsel vm0, v16, v17  }
0x117: {  	v17 =	vsel vm1, v19, v18;
	v18 =	vsel vm1, v18, v19;
	vm0 =	vgt.s32 v20, v21  }
0x118: {  	v19 =	vsel vm0, v21, v20;
	v20 =	vsel vm0, v20, v21;
	vm0 =	vgt.s32 v22, v23  }
0x119: {  	vm1 =	vgt.s32 v24, v4;
	v25 =	vsel vm0, v23, v22  }
0x11a: {  	v22 =	vsel vm0, v22, v23;
	vm0 =	vgt.s32 v7, v9;
	v21 =	vsel vm1, v4, v24  }
0x11b: {  	v24 =	vsel vm1, v24, v4;
	vm1 =	vgt.s32 v5, v6;
	v27 =	vsel vm0, v9, v7  }
0x11c: {  	v7 =	vsel vm0, v7, v9;
	vm0 =	vgt.s32 v11, v13;
	v23 =	vsel vm1, v6, v5  }
0x11d: {  	v26 =	vsel vm1, v5, v6;
	vm1 =	vgt.s32 v8, v10;
	v28 =	vsel vm0, v13, v11  }
0x11e: {  	v9 =	vsel vm1, v10, v8;
	v10 =	vsel vm1, v8, v10;
	vm1 =	vgt.s32 v12, v14  }
0x11f: {  	v8 =	vsel vm0, v11, v13;
	vm0 =	vgt.s32 v15, v17;
	v11 =	vsel vm1, v14, v12  }
0x120: {  	v12 =	vsel vm1, v12, v14;
	vm1 =	vgt.s32 v16, v18;
	v13 =	vsel vm0, v17, v15  }
0x121: {  	v14 =	vsel vm0, v15, v17;
	vm0 =	vgt.s32 v19, v21;
	v15 =	vsel vm1, v18, v16  }
0x122: {  	v16 =	vsel vm1, v16, v18;
	vm1 =	vgt.s32 v20, v24;
	v6 =	vsel vm0, v21, v19  }
0x123: {  	v17 =	vsel vm0, v19, v21;
	vm0 =	vgt.s32 v23, v22;
	v18 =	vsel vm1, v24, v20  }
0x124: {  	v5 =	vsel vm1, v20, v24;
	vm1 =	vgt.s32 v9, v7;
	v19 =	vsel vm0, v22, v23  }
0x125: {  	v20 =	vsel vm0, v23, v22;
	vm0 =	vgt.s32 v11, v8;
	v21 =	vsel vm1, v7, v9  }
0x126: {  	v9 =	vsel vm1, v9, v7;
	vm1 =	vgt.s32 v15, v14;
	v22 =	vsel vm0, v8, v11  }
0x127: {  	v11 =	vsel vm0, v11, v8;
	vm0 =	vgt.s32 v18, v17;
	v23 =	vsel vm1, v14, v15  }
0x128: {  	v14 =	vsel vm1, v15, v14;
	vm1 =	vgt.s32 v25, v27;
	v8 =	vsel vm0, v17, v18  }
0x129: {  	v7 =	vsel vm0, v18, v17;
	vm0 =	vgt.s32 v19, v21;
	v15 =	vsel vm1, v27, v25  }
0x12a: {  	v17 =	vsel vm1, v25, v27;
	vm1 =	vgt.s32 v20, v9;
	v18 =	vsel vm0, v21, v19  }
0x12b: {  	v19 =	vsel vm0, v19, v21;
	vm0 =	vgt.s32 v26, v10;
	v21 =	vsel vm1, v9, v20  }
0x12c: {  	v9 =	vsel vm1, v20, v9;
	vm1 =	vgt.s32 v28, v13;
	v20 =	vsel vm0, v10, v26  }
0x12d: {  	v10 =	vsel vm0, v26, v10;
	vm0 =	vgt.s32 v22, v23;
	v24 =	vsel vm1, v13, v28  }
0x12e: {  	v13 =	vsel vm1, v28, v13;
	vm1 =	vgt.s32 v11, v14;
	v25 =	vsel vm0, v23, v22  }
0x12f: {  	v22 =	vsel vm0, v22, v23;
	vm0 =	vgt.s32 v12, v16;
	v23 =	vsel vm1, v14, v11  }
0x130: {  	v11 =	vsel vm1, v11, v14;
	vm1 =	vgt.s32 v21, v17;
	v14 =	vsel vm0, v16, v12  }
0x131: {  	v12 =	vsel vm0, v12, v16;
	vm0 =	vgt.s32 v20, v19;
	v16 =	vsel vm1, v17, v21  }
0x132: {  	v17 =	vsel vm1, v21, v17;
	vm1 =	vgt.s32 v23, v13;
	v21 =	vsel vm0, v19, v20  }
0x133: {  	v19 =	vsel vm0, v20, v19;
	vm0 =	vgt.s32 v14, v22;
	v20 =	vsel vm1, v13, v23  }
0x134: {  	v13 =	vsel vm1, v23, v13;
	vm1 =	vgt.s32 v18, v16;
	v23 =	vsel vm0, v22, v14  }
0x135: {  	v14 =	vsel vm0, v14, v22;
	vm0 =	vgt.s32 v21, v17;
	v22 =	vsel vm1, v16, v18  }
0x136: {  	v16 =	vsel vm1, v18, v16;
	vm1 =	vgt.s32 v19, v9;
	v18 =	vsel vm0, v17, v21  }
0x137: {  	v17 =	vsel vm0, v21, v17;
	vm0 =	vgt.s32 v25, v20;
	v21 =	vsel vm1, v9, v19  }
0x138: {  	v9 =	vsel vm1, v19, v9;
	vm1 =	vgt.s32 v23, v13;
	v19 =	vsel vm0, v20, v25  }
0x139: {  	v20 =	vsel vm0, v25, v20;
	vm0 =	vgt.s32 v14, v11;
	v25 =	vsel vm1, v13, v23  }
0x13a: {  	v13 =	vsel vm1, v23, v13;
	vm1 =	vgt.s32 v15, v24;
	v23 =	vsel vm0, v11, v14  }
0x13b: {  	v11 =	vsel vm0, v14, v11;
	vm0 =	vgt.s32 v22, v19;
	v14 =	vsel vm1, v24, v15  }
0x13c: {  	v15 =	vsel vm1, v15, v24;
	vm1 =	vgt.s32 v16, v20;
	v24 =	vsel vm0, v19, v22  }
0x13d: {  	v19 =	vsel vm0, v22, v19;
	vm0 =	vgt.s32 v18, v25;
	v22 =	vsel vm1, v20, v16  }
0x13e: {  	v16 =	vsel vm1, v16, v20;
	vm1 =	vgt.s32 v17, v13;
	v20 =	vsel vm0, v25, v18  }
0x13f: {  	v18 =	vsel vm0, v18, v25;
	vm0 =	vgt.s32 v21, v23;
	v25 =	vsel vm1, v13, v17  }
0x140: {  	v13 =	vsel vm1, v17, v13;
	vm1 =	vgt.s32 v9, v11;
	v17 =	vsel vm0, v23, v21  }
0x141: {  	v21 =	vsel vm0, v21, v23;
	vm0 =	vgt.s32 v10, v12;
	v23 =	vsel vm1, v11, v9  }
0x142: {  	v11 =	vsel vm1, v9, v11;
	vm1 =	vgt.s32 v25, v15;
	v26 =	vsel vm0, v12, v10  }
0x143: {  	v9 =	vsel vm0, v10, v12;
	vm0 =	vgt.s32 v17, v19;
	v10 =	vsel vm1, v15, v25  }
0x144: {  	v12 =	vsel vm1, v25, v15;
	vm1 =	vgt.s32 v23, v16;
	v15 =	vsel vm0, v19, v17  }
0x145: {  	v17 =	vsel vm0, v17, v19;
	vm0 =	vgt.s32 v26, v18;
	v19 =	vsel vm1, v16, v23  }
0x146: {  	v16 =	vsel vm1, v23, v16;
	vm1 =	vgt.s32 v22, v10;
	v23 =	vsel vm0, v18, v26  }
0x147: {  	v18 =	vsel vm0, v26, v18;
	vm0 =	vgt.s32 v20, v15;
	v25 =	vsel vm1, v10, v22  }
0x148: {  	v10 =	vsel vm1, v22, v10;
	vm1 =	vgt.s32 v19, v12;
	v22 =	vsel vm0, v15, v20  }
0x149: {  	v15 =	vsel vm0, v20, v15;
	vm0 =	vgt.s32 v23, v17;
	v20 =	vsel vm1, v12, v19  }
0x14a: {  	v12 =	vsel vm1, v19, v12;
	vm1 =	vgt.s32 v16, v13;
	v19 =	vsel vm0, v17, v23  }
0x14b: {  	v17 =	vsel vm0, v23, v17;
	vm0 =	vgt.s32 v18, v21;
	v23 =	vsel vm1, v13, v16  }
0x14c: {  	v13 =	vsel vm1, v16, v13;
	vm1 =	vgt.s32 v24, v25;
	v16 =	vsel vm0, v21, v18  }
0x14d: {  	v18 =	vsel vm0, v18, v21;
	vm0 =	vgt.s32 v22, v10;
	v21 =	vsel vm1, v25, v24  }
0x14e: {  	v24 =	vsel vm1, v24, v25;
	vm1 =	vgt.s32 v15, v20;
	v25 =	vsel vm0, v10, v22  }
0x14f: {  	v10 =	vsel vm0, v22, v10;
	vm0 =	vgt.s32 v19, v12;
	v22 =	vsel vm1, v20, v15  }
0x150: {  	v15 =	vsel vm1, v15, v20;
	vm1 =	vgt.s32 v17, v23;
	v20 =	vsel vm0, v12, v19  }
0x151: {  	v12 =	vsel vm0, v19, v12;
	vm0 =	vgt.s32 v16, v13;
	v19 =	vsel vm1, v23, v17  }
0x152: {  	v17 =	vsel vm1, v17, v23;
	vm1 =	vgt.s32 v18, v11;
	v23 =	vsel vm0, v13, v16  }
0x153: {  	v13 =	vsel vm0, v16, v13;
	vm0 =	vgt.s32 v14, v6;
	v16 =	vsel vm1, v11, v18  }
0x154: {  	v11 =	vsel vm1, v18, v11;
	vm1 =	vgt.s32 v21, v8;
	v18 =	vsel vm0, v6, v14  }
0x155: {  	v6 =	vsel vm0, v14, v6;
	vm0 =	vgt.s32 v24, v7;
	v14 =	vsel vm1, v8, v21  }
0x156: {  	v8 =	vsel vm1, v21, v8;
	vm1 =	vgt.s32 v25, v5;
	v21 =	vsel vm0, v7, v24  }
0x157: {  	v7 =	vsel vm0, v24, v7;
	vm0 =	vgt.s32 v12, v6;
	v24 =	vsel vm1, v5, v25  }
0x158: {  	v5 =	vsel vm1, v25, v5;
	vm1 =	vgt.s32 v19, v8;
	v25 =	vsel vm0, v6, v12  }
0x159: {  	v6 =	vsel vm0, v12, v6;
	vm0 =	vgt.s32 v17, v7;
	v12 =	vsel vm1, v8, v19  }
0x15a: {  	v8 =	vsel vm1, v19, v8;
	vm1 =	vgt.s32 v23, v5;
	v19 =	vsel vm0, v7, v17  }
0x15b: {  	v17 =	vsel vm0, v17, v7;
	vm0 =	vgt.s32 v10, v25;
	v7 =	vsel vm1, v5, v23  }
0x15c: {  	v23 =	vsel vm1, v23, v5;
	vm1 =	vgt.s32 v22, v12;
	v5 =	vsel vm0, v25, v10  }
0x15d: {  	v10 =	vsel vm0, v10, v25;
	vm0 =	vgt.s32 v15, v19;
	v25 =	vsel vm1, v12, v22  }
0x15e: {  	v12 =	vsel vm1, v22, v12;
	vm1 =	vgt.s32 v20, v7;
	v22 =	vsel vm0, v19, v15  }
0x15f: {  	v15 =	vsel vm0, v15, v19;
	vm0 =	vgt.s32 v13, v6;
	vm2 =	vgt.s32 v21, v5  }
0x160: {  	v19 =	vsel vm1, v7, v20;
	v7 =	vsel vm1, v20, v7;
	vm1 =	vgt.s32 v16, v8  }
0x161: {  	v20 =	vsel vm0, v6, v13;
	v13 =	vsel vm0, v13, v6;
	vm0 =	vgt.s32 v9, v23  }
0x162: {  	v26 =	vsel vm2, v5, v21;
	vm3 =	vgt.s32 v24, v25;
	v5 =	vsel vm2, v21, v5  }
0x163: {  	vm2 =	vgt.s32 v22, v10;
	v6 =	vsel vm1, v8, v16;
	v16 =	vsel vm1, v16, v8  }
0x164: {  	[tilespmem:$0x1000] =	vst v18;
	v27 =	vsel vm0, v23, v9;
	vm4 =	vgt.s32 v14, v26;
	v9 =	vsel vm0, v9, v23  }
0x165: {  	vm1 =	vgt.s32 v11, v17;
	v21 =	vsel vm3, v25, v24;
	v28 =	vsel vm4, v26, v14;
	[tilespmem:$0x1130] =	vst v9  }
0x166: {  	v18 =	vsel vm3, v24, v25;
	v14 =	vsel vm4, v14, v26;
	vm4 =	vgt.s32 v21, v5;
	[tilespmem:$0x1010] =	vst v28  }
0x167: {  	v24 =	vsel vm2, v10, v22;
	vm3 =	vgt.s32 v19, v12;
	v25 =	vsel vm4, v5, v21;
	[tilespmem:$0x1020] =	vst v14  }
0x168: {  	v10 =	vsel vm2, v22, v10;
	v5 =	vsel vm4, v21, v5;
	vm4 =	vgt.s32 v18, v24;
	[tilespmem:$0x1030] =	vst v25  }
0x169: {  	vm2 =	vgt.s32 v15, v20;
	v14 =	vsel vm3, v12, v19;
	v21 =	vsel vm4, v24, v18;
	[tilespmem:$0x1040] =	vst v5  }
0x16a: {  	v8 =	vsel vm1, v17, v11;
	v5 =	vsel vm4, v18, v24;
	vm4 =	vgt.s32 v14, v10;
	[tilespmem:$0x1050] =	vst v21  }
0x16b: {  	v12 =	vsel vm3, v19, v12;
	v18 =	vsel vm2, v20, v15;
	v19 =	vsel vm4, v10, v14;
	[tilespmem:$0x1060] =	vst v5  }
0x16c: {  	v33 =	vld [tilespmem:$0xE60];
	vm3 =	vgt.s32 v7, v6;
	v5 =	vsel vm4, v14, v10;
	vm4 =	vgt.s32 v12, v18;
	[tilespmem:$0x1070] =	vst v19  }
0x16d: {  	v34 =	vld [tilespmem:$0xE80];
	v10 =	vsel vm2, v15, v20;
	v14 =	vsel vm3, v6, v7;
	v15 =	vsel vm4, v18, v12;
	[tilespmem:$0x1080] =	vst v5  }
0x16e: {  	v35 =	vld [tilespmem:$0xF40];
	vm2 =	vgt.s32 v8, v13;
	v12 =	vsel vm4, v12, v18;
	vm4 =	vgt.s32 v14, v10;
	[tilespmem:$0x1090] =	vst v15  }
0x16f: {  	v36 =	vld [tilespmem:$0xED0];
	v18 =	vsel vm2, v13, v8;
	v15 =	vsel vm3, v7, v6;
	v7 =	vsel vm4, v10, v14;
	[tilespmem:$0x10A0] =	vst v12  }
0x170: {  	v23 =	vld [tilespmem:$0xF60];
	vm3 =	vgt.s32 v27, v16;
	v10 =	vsel vm4, v14, v10;
	vm4 =	vgt.s32 v15, v18;
	[tilespmem:$0x10B0] =	vst v7  }
0x171: {  	v26 =	vld [tilespmem:$0xE90];
	v12 =	vsel vm2, v8, v13;
	v13 =	vsel vm3, v16, v27;
	[tilespmem:$0x10C0] =	vst v10;
	v8 =	vsel vm4, v18, v15  }
0x172: {  	v11 =	vsel vm1, v11, v17;
	v17 =	vld [tilespmem:$0xEA0];
	v10 =	vsel vm4, v15, v18;
	vm2 =	vgt.s32 v13, v12;
	[tilespmem:$0x10D0] =	vst v8  }
0x173: {  	v24 =	vld [tilespmem:$0xE50];
	v15 =	vsel vm3, v27, v16;
	v16 =	vsel vm2, v12, v13;
	[tilespmem:$0x10E0] =	vst v10  }
0x174: {  	v5 =	vld [tilespmem:$0xE00];
	v10 =	vsel vm2, v13, v12;
	vm1 =	vgt.s32 v15, v11;
	[tilespmem:$0x10F0] =	vst v16  }
0x175: {  	v6 =	vld [tilespmem:$0xE10];
	v12 =	vsel vm1, v11, v15;
	[tilespmem:$0x1100] =	vst v10  }
0x176: {  	v14 =	vld [tilespmem:$0xE30];
	v10 =	vsel vm1, v15, v11;
	[tilespmem:$0x1110] =	vst v12  }
0x177: {  	s17 =	simm.s32 $0x0;
	v7 =	vld [tilespmem:$0xE20];
	[tilespmem:$0x1120] =	vst v10  }
0x178: {  	v40 =	vld [tilespmem:s17+$0x1000]  }
0x179: {  	v8 =	vld [tilespmem:$0xE40]  }
0x17a: {  	v16 =	vld [tilespmem:$0xE70]  }
0x17b: {  	v15 =	vld [tilespmem:$0xF20]  }
0x17c: {  	v10 =	vld [tilespmem:$0xF30]  }
0x17d: {  	v9 =	vld [tilespmem:$0xEC0];
	vm5 =	vge.s32 v5, v40;
	vm1 =	vge.s32 v6, v40;
	vm0 =	vge.s32 v7, v40  }
0x17e: {  	v11 =	vld [tilespmem:$0xEF0];
	vm6 =	vge.s32 v14, v40;
	vm3 =	vge.s32 v8, v40;
	vm4 =	vge.s32 v23, v40  }
0x17f: {  	v42 =	vld [tilespmem:$0xF00];
	vm7 =	vge.s32 v33, v40;
	vm8 =	vge.s32 v16, v40;
	vm2 =	vge.s32 v35, v40  }
0x180: {  	v31 =	vld [tilespmem:$0xF80];
	vm9 =	vge.s32 v26, v40;
	vm10 =	vge.s32 v36, v40;
	vm11 =	vge.s32 v15, v40  }
0x181: {  	vm12 =	vge.s32 v10, v40;
	vm15 =	vge.s32 v24, v40;
	v22 =	vsel vm1, $0x1, v2  }
0x182: {  	v39 =	vld [tilespmem:$0xF10];
	vm1 =	vge.s32 v17, v40;
	v25 =	vsel vm3, $0x1, v2;
	vm3 =	vge.s32 v9, v40  }
0x183: {  	v28 =	vld [tilespmem:$0xEB0];
	v29 =	vsel vm5, $0x1, v2;
	v41 =	vsel vm7, $0x1, v2;
	vm5 =	vge.s32 v11, v40  }
0x184: {  	v13 =	vsel vm6, $0x1, v2;
	v18 =	vsel vm8, $0x1, v2;
	vm6 =	vge.s32 v42, v40  }
0x185: {  	vm7 =	vge.s32 v31, v40;
	vm8 =	vge.s32 v34, v40;
	v44 =	vsel vm10, $0x1, v2  }
0x186: {  	v37 =	vsel vm12, $0x1, v2;
	v32 =	vsel vm9, $0x1, v2;
	v30 =	vsel vm15, $0x1, v2  }
0x187: {  	v46 =	vsel vm4, $0x1, v2;
	v20 =	vsel vm5, $0x1, v2;
	v19 =	vadd.s32 v13, v14  }
0x188: {  	v12 =	vld [tilespmem:$0xF50];
	vm5 =	vge.s32 v28, v40;
	v43 =	vsel vm6, $0x1, v2;
	vm6 =	vge.s32 v39, v40  }
0x189: {  	v21 =	vld [tilespmem:$0xEE0];
	v14 =	vsel vm11, $0x1, v2;
	v27 =	vsel vm1, $0x1, v2;
	v30 =	vadd.s32 v30, v24  }
0x18a: {  	v47 =	vsel vm7, $0x1, v2;
	v24 =	vadd.s32 v46, v23;
	v13 =	vadd.s32 v20, v11;
	v11 =	vld [tilespmem:$0xF70]  }
0x18b: {  	v32 =	vadd.s32 v32, v26;
	v20 =	vadd.s32 v18, v16;
	v18 =	vadd.s32 v14, v15;
	v14 =	vld [tilespmem:$0xF90]  }
0x18c: {  	v26 =	vsel vm2, $0x1, v2;
	v63 =	vsel vm8, $0x1, v2;
	v45 =	vsel vm6, $0x1, v2;
	v15 =	vld [tilespmem:$0xFA0]  }
0x18d: {  	vm6 =	vge.s32 v12, v40;
	v16 =	vld [tilespmem:$0xFB0];
	v27 =	vadd.s32 v27, v17;
	v48 =	vsel vm5, $0x1, v2  }
0x18e: {  	v17 =	vld [tilespmem:$0xFC0];
	v23 =	vadd.s32 v47, v31;
	v26 =	vadd.s32 v26, v35;
	v35 =	vadd.s32 v41, v33  }
0x18f: {  	v33 =	vadd.s32 v44, v36;
	v36 =	vadd.s32 v63, v34;
	v34 =	vadd.s32 v43, v42  }
0x190: {  	v38 =	vsel vm6, $0x1, v2;
	v31 =	vadd.s32 v48, v28;
	vm6 =	vge.s32 v21, v40  }
0x191: {  	v28 =	vadd.s32 v45, v39;
	v39 =	vsel vm3, $0x1, v2;
	v41 =	vsel vm6, $0x1, v2  }
0x192: {  	vm1 =	vge.s32 v11, v40;
	vm5 =	vge.s32 v15, v40;
	vm4 =	vge.s32 v14, v40  }
0x193: {  	s13 =	simm.s32 $0x40;
	vm3 =	vge.s32 v16, v40;
	vm2 =	vge.s32 v17, v40;
	v40 =	vsel vm5, $0x1, v2  }
.LBB2_6:
0x194: {  	s16 =	sshra.s32 s13, $0x2;
	p0 =	sne.s32 s13, $0x4C0;
	s13 =	sadd.s32 $0x40, s13;
	v42 =	vsel vm1, $0x1, v2;
	v43 =	vsel vm4, $0x1, v2;
	v15 =	vadd.s32 v40, v15  }
0x195: {  	v40 =	vld [tilespmem:s16+$0x1000];
	v11 =	vadd.s32 v42, v11;
	v14 =	vadd.s32 v43, v14;
	v42 =	vsel vm3, $0x1, v2  }
0x196: {  	v9 =	vadd.s32 v39, v9;
	v12 =	vadd.s32 v38, v12;
	v16 =	vadd.s32 v42, v16  }
0x197: {  	v21 =	vadd.s32 v41, v21;
	v10 =	vadd.s32 v37, v10;
	v37 =	vsel vm2, $0x1, v2  }
0x198: {  	v38 =	vsel vm0, $0x1, v2;
	v8 =	vadd.s32 v25, v8;
	v17 =	vadd.s32 v37, v17  }
0x199: {  	v5 =	vadd.s32 v29, v5;
	v6 =	vadd.s32 v22, v6;
	v7 =	vadd.s32 v38, v7  }
0x19a: {  	vm5 =	vge.s32 v5, v40;
	vm1 =	vge.s32 v6, v40;
	vm0 =	vge.s32 v7, v40  }
0x19b: {  	vm7 =	vge.s32 v19, v40;
	vm2 =	vge.s32 v8, v40;
	vm4 =	vge.s32 v24, v40  }
0x19c: {  	vm8 =	vge.s32 v35, v40;
	vm9 =	vge.s32 v20, v40;
	vm3 =	vge.s32 v26, v40  }
0x19d: {  	vm6 =	vge.s32 v32, v40;
	v22 =	vsel vm1, $0x1, v2;
	vm1 =	vge.s32 v27, v40  }
0x19e: {  	vm10 =	vge.s32 v33, v40;
	v25 =	vsel vm2, $0x1, v2;
	vm2 =	vge.s32 v9, v40  }
0x19f: {  	v29 =	vsel vm5, $0x1, v2;
	v39 =	vsel vm8, $0x1, v2;
	vm5 =	vge.s32 v13, v40  }
0x1a0: {  	v37 =	vsel vm7, $0x1, v2;
	v38 =	vsel vm9, $0x1, v2;
	v41 =	vsel vm5, $0x1, v2  }
0x1a1: {  	vm7 =	vge.s32 v31, v40;
	v19 =	vadd.s32 v37, v19;
	v13 =	vadd.s32 v41, v13  }
0x1a2: {  	vm8 =	vge.s32 v34, v40;
	vm9 =	vge.s32 v23, v40;
	v20 =	vadd.s32 v38, v20  }
0x1a3: {  	vm11 =	vge.s32 v18, v40;
	vm12 =	vge.s32 v10, v40;
	vm5 =	vge.s32 v36, v40  }
0x1a4: {  	v42 =	vsel vm8, $0x1, v2;
	vm8 =	vge.s32 v28, v40;
	v37 =	vsel vm11, $0x1, v2  }
0x1a5: {  	v41 =	vsel vm10, $0x1, v2;
	v18 =	vadd.s32 v37, v18;
	v37 =	vsel vm12, $0x1, v2  }
0x1a6: {  	v43 =	vsel vm6, $0x1, v2;
	vm6 =	vge.s32 v12, v40;
	v44 =	vsel vm8, $0x1, v2  }
0x1a7: {  	v45 =	vsel vm1, $0x1, v2;
	vm1 =	vge.s32 v11, v40;
	vm8 =	vge.s32 v30, v40  }
0x1a8: {  	v47 =	vsel vm4, $0x1, v2;
	v38 =	vsel vm6, $0x1, v2;
	v46 =	vsel vm8, $0x1, v2  }
0x1a9: {  	v27 =	vadd.s32 v45, v27;
	v45 =	vsel vm9, $0x1, v2;
	v30 =	vadd.s32 v46, v30  }
0x1aa: {  	v24 =	vadd.s32 v47, v24;
	v23 =	vadd.s32 v45, v23;
	v46 =	vsel vm7, $0x1, v2  }
0x1ab: {  	v32 =	vadd.s32 v43, v32;
	v43 =	vsel vm3, $0x1, v2;
	v31 =	vadd.s32 v46, v31  }
.Ltmp2:
0x1ac: {  	v26 =	vadd.s32 v43, v26;
	v45 =	vsel vm5, $0x1, v2;
	v28 =	vadd.s32 v44, v28;
	(pc) =	sbr.rel @p0 .LBB2_6-.Ltmp2, $4  }
0x1ad: {  	v35 =	vadd.s32 v39, v35;
	v33 =	vadd.s32 v41, v33;
	vm5 =	vge.s32 v15, v40  }
0x1ae: {  	vm4 =	vge.s32 v14, v40;
	v39 =	vsel vm2, $0x1, v2;
	vm6 =	vge.s32 v21, v40  }
0x1af: {  	vm3 =	vge.s32 v16, v40;
	vm2 =	vge.s32 v17, v40;
	v36 =	vadd.s32 v45, v36  }
0x1b0: {  	v34 =	vadd.s32 v42, v34;
	v41 =	vsel vm6, $0x1, v2;
	v40 =	vsel vm5, $0x1, v2  }
0x1b1: {  	[tilespmem:$0x1180] =	vst v4  }
0x1b2: {  	[tilespmem:$0x11C0] =	vst v19  }
0x1b3: {  	[tilespmem:$0x11E0] =	vst v30  }
0x1b4: {  	[tilespmem:$0x11F0] =	vst v35  }
0x1b5: {  	[tilespmem:$0x1200] =	vst v20  }
0x1b6: {  	[tilespmem:$0x1210] =	vst v36  }
0x1b7: {  	[tilespmem:$0x1220] =	vst v32  }
0x1b8: {  	[tilespmem:$0x1230] =	vst v27  }
0x1b9: {  	[tilespmem:$0x1240] =	vst v31  }
0x1ba: {  	[tilespmem:$0x1260] =	vst v33  }
0x1bb: {  	[tilespmem:$0x1280] =	vst v13  }
0x1bc: {  	[tilespmem:$0x1290] =	vst v34  }
0x1bd: {  	[tilespmem:$0x12A0] =	vst v28  }
0x1be: {  	[tilespmem:$0x12B0] =	vst v18  }
0x1bf: {  	[tilespmem:$0x12D0] =	vst v26  }
0x1c0: {  	[tilespmem:$0x12F0] =	vst v24  }
0x1c1: {  	v5 =	vadd.s32 v29, v5;
	[tilespmem:$0x1310] =	vst v23  }
0x1c2: {  	v4 =	vsel vm0, $0x1, v2;
	v6 =	vadd.s32 v22, v6;
	[tilespmem:$0x1190] =	vst v5  }
0x1c3: {  	v4 =	vadd.s32 v4, v7;
	[tilespmem:$0x11A0] =	vst v6  }
0x1c4: {  	[tilespmem:$0x11B0] =	vst v4;
	v4 =	vadd.s32 v25, v8  }
0x1c5: {  	[tilespmem:$0x11D0] =	vst v4;
	v4 =	vadd.s32 v39, v9  }
0x1c6: {  	[tilespmem:$0x1250] =	vst v4;
	v4 =	vadd.s32 v41, v21  }
0x1c7: {  	[tilespmem:$0x1270] =	vst v4;
	v4 =	vadd.s32 v37, v10  }
0x1c8: {  	v5 =	vsel vm1, $0x1, v2;
	[tilespmem:$0x12C0] =	vst v4;
	v4 =	vadd.s32 v38, v12  }
0x1c9: {  	[tilespmem:$0x12E0] =	vst v4;
	v4 =	vadd.s32 v5, v11;
	v5 =	vsel vm4, $0x1, v2  }
0x1ca: {  	[tilespmem:$0x1300] =	vst v4;
	v4 =	vadd.s32 v5, v14  }
0x1cb: {  	v6 =	vsel vm3, $0x1, v2;
	v5 =	vadd.s32 v40, v15;
	[tilespmem:$0x1320] =	vst v4  }
0x1cc: {  	v4 =	vadd.s32 v6, v16;
	v6 =	vsel vm2, $0x1, v2;
	[tilespmem:$0x1330] =	vst v5  }
0x1cd: {  	v5 =	vadd.s32 v6, v17;
	[tilespmem:$0x1340] =	vst v4  }
0x1ce: {  	s13 =	simm.s32 $0x0;
	[tilespmem:$0x1350] =	vst v5  }
0x1cf: {  	v4 =	vld [tilespmem:s13+$0x1180];
	_ =	sdelay $0x2  }
0x1d0: {  	s16 =	simm.s32 $0x40  }
.LBB2_8:
0x1d1: {  	p0 =	sne.s32 s16, $0x740  }
.Ltmp3:
0x1d2: {  	s17 =	sshra.s32 s16, $0x2;
	s16 =	sadd.s32 $0x40, s16;
	v5 =	vshll.u32 v4, $0x7;
	(pc) =	sbr.rel @p0 .LBB2_8-.Ltmp3, $4  }
0x1d3: {  	v6 =	vshll.u32 v4, $0xA;
	v4 =	vld [tilespmem:s17+$0x1180];
	v5 =	vand.u32 $0x380, v5  }
0x1d4: {  	v6 =	vand.u32 $0xFFFFE000, v6;
	v5 =	vor.u32 v5, v1  }
0x1d5: {  	v5 =	vadd.s32 v6, v5  }
0x1d6: {  	[tilespmem:s13+$0x1560] =	vst v5;
	s13 =	smov.u32 s17  }
0x1d7: {  	_ = 	snop  }
0x1d8: {  	v5 =	vshll.u32 v4, $0x7  }
0x1d9: {  	v4 =	vshll.u32 v4, $0xA;
	v5 =	vand.u32 $0x380, v5  }
0x1da: {  	v4 =	vand.u32 $0xFFFFE000, v4;
	v5 =	vor.u32 v5, v1  }
0x1db: {  	v4 =	vadd.s32 v4, v5  }
0x1dc: {  	[tilespmem:s13+$0x1560] =	vst v4  }
0x1dd: {  	[tilespmem:s25], [sflag:$0x1] =	stream.indirect.gather [hbm4b:s1+s15], $0x1, s24, s15, $0xb8;
	[tilespmem:$0x1C00] =	vst v63  }
0x1de: {  	_ = 	snop  }
0x1df: {  	[tilespmem:s28], [sflag:$0x1] =	stream.indirect.gather [hbm4b:s1+s15], $0x1, s26, s15, $0xb8;
	[tilespmem:$0x1C00] =	vst v63  }
0x1e0: {  	_ = 	snop  }
0x1e1: {  	[tilespmem:s30], [sflag:$0x1] =	stream.indirect.gather [hbm4b:s1+s15], $0x1, s29, s15, $0xb8;
	[tilespmem:$0x1C00] =	vst v63  }
0x1e2: {  	_ = 	snop  }
0x1e3: {  	[tilespmem:s2], [sflag:$0x1] =	stream.indirect.gather [hbm4b:s1+s15], $0x1, s31, s15, $0xb8;
	[tilespmem:$0x1C00] =	vst v63  }
0x1e4: {  	_ =	swait.ge [sflag:s0], $0x78  }
0x1e5: {  	[sflag:s0] =	ssyncset.done $0x0  }
0x1e6: {  	[sflag:s0] =	ssyncadd.s32 $0xFFFFFF88  }
0x1e7: {  	_ =	swait.ge [sflag:s0], $0x78  }
0x1e8: {  	[sflag:s0] =	ssyncset.done $0x0  }
0x1e9: {  	[sflag:s0] =	ssyncadd.s32 $0xFFFFFF88  }
0x1ea: {  	_ =	swait.ge [sflag:s0], $0x78  }
0x1eb: {  	[sflag:s0] =	ssyncset.done $0x0  }
0x1ec: {  	[sflag:s0] =	ssyncadd.s32 $0xFFFFFF88  }
0x1ed: {  	_ =	swait.ge [sflag:s0], $0x78  }
0x1ee: {  	[sflag:s0] =	ssyncset.done $0x0  }
0x1ef: {  	[sflag:s0] =	ssyncadd.s32 $0xFFFFFF88  }
0x1f0: {  	v4 =	vld [tilespmem:$0x1780];
	_ =	sdelay $0x2  }
0x1f1: {  	s16 =	simm.s32 $0x10  }
0x1f2: {  	v7 =	vld [tilespmem:s16+$0x1780]  }
0x1f3: {  	v8 =	vimm.f32 $0.0e+00;
	v6 =	vimm.f32 $0.0e+00;
	s13 =	simm.s32 $0x80;
	v5 =	vmov v4  }
.LBB2_10:
0x1f4: {  	p0 =	sne.s32 s13, $0x740  }
.Ltmp4:
0x1f5: {  	_ = 	snop;
	(pc) =	sbr.rel @p0 .LBB2_10-.Ltmp4, $4  }
0x1f6: {  	_ = 	snop  }
0x1f7: {  	s16 =	sshra.s32 s13, $0x2;
	s13 =	sadd.s32 $0x40, s13;
	vm0 =	vgt.f32 v7, v4;
	v5 =	vmax.f32 v5, v7  }
0x1f8: {  	v7 =	vld [tilespmem:s16+$0x1780];
	v9 =	vsel vm0, $0x3F800000, v8  }
0x1f9: {  	v6 =	vadd.f32 v9, v6  }
0x1fa: {  	s13 =	simm.s32 $0x0  }
0x1fb: {  	v9 =	vld [tilespmem:s13+$0x1780];
	_ =	sdelay $0x1  }
0x1fc: {  	s17 =	simm.s32 $0x10  }
0x1fd: {  	v10 =	vld [tilespmem:s17+$0x1780]  }
0x1fe: {  	v5 =	vmax.f32 v5, v7  }
0x1ff: {  	v9 =	vsub.f32 v9, v5;
	_ =	sdelay $0x1  }
0x200: {  	v9 =	vmul.f32 $1.442695020e+00, v9  }
0x201: {  	v10 =	vsub.f32 v10, v5  }
0x202: {  	(erf) = vpow2.f32 v9  }
0x203: {  	vm0 =	vgt.f32 v7, v4;
	v10 =	vmul.f32 $1.442695020e+00, v10  }
0x204: {  	s16 =	simm.s32 $0x20;
	v7 =	vsel vm0, $0x3F800000, v8  }
0x205: {  	v6 =	vadd.f32 v7, v6;
	v7 =	vld [tilespmem:s16+$0x1780];
	(erf) = vpow2.f32 v10;
	_ =	sdelay $0x2  }
0x206: {  	s13 =	simm.s32 $0xC0  }
.LBB2_12:
0x207: {  	p0 =	sne.s32 s13, $0x740  }
.Ltmp5:
0x208: {  	s16 =	sshra.s32 s13, $0x2;
	s13 =	sadd.s32 $0x40, s13;
	v9 =	vsub.f32 v7, v5;
	(pc) =	sbr.rel @p0 .LBB2_12-.Ltmp5, $3  }
0x209: {  	v7 =	vld [tilespmem:s16+$0x1780];
	v10 =	vpop (erf)  }
0x20a: {  	v9 =	vmul.f32 $1.442695020e+00, v9;
	v8 =	vadd.f32 v10, v8;
	_ =	sdelay $0x1  }
0x20b: {  	(erf) = vpow2.f32 v9  }
0x20c: {  	_ = 	snop  }
0x20d: {  	v7 =	vsub.f32 v7, v5;
	_ =	sdelay $0x1  }
0x20e: {  	v7 =	vmul.f32 $1.442695020e+00, v7;
	_ =	sdelay $0x1  }
0x20f: {  	(erf) = vpow2.f32 v7;
	_ =	sdelay $0x6  }
0x210: {  	v9 =	vpop (erf)  }
0x211: {  	v10 =	vpop (erf)  }
0x212: {  	v11 =	vpop (erf)  }
0x213: {  	_ =	swait.ge [sflag:s14], $0x78  }
0x214: {  	[sflag:s14] =	ssyncset.done $0x0  }
0x215: {  	[sflag:s14] =	ssyncadd.s32 $0xFFFFFF88  }
0x216: {  	_ =	swait.ge [sflag:s14], $0x78  }
0x217: {  	[sflag:s14] =	ssyncset.done $0x0  }
0x218: {  	[sflag:s14] =	ssyncadd.s32 $0xFFFFFF88  }
0x219: {  	_ =	swait.ge [sflag:s14], $0x78  }
0x21a: {  	[sflag:s14] =	ssyncset.done $0x0  }
0x21b: {  	[sflag:s14] =	ssyncadd.s32 $0xFFFFFF88  }
0x21c: {  	_ =	swait.ge [sflag:s14], $0x78  }
0x21d: {  	[sflag:s14] =	ssyncset.done $0x0  }
0x21e: {  	v8 =	vadd.f32 v9, v8;
	[sflag:s14] =	ssyncadd.s32 $0xFFFFFF88  }
0x21f: {  	v7 =	vld [tilespmem:$0x1960]  }
0x220: {  	v8 =	vadd.f32 v10, v8;
	_ =	sdelay $0x1  }
0x221: {  	s13 =	simm.s32 $0x0  }
0x222: {  	v12 =	vld [tilespmem:s13+$0x1970]  }
0x223: {  	s16 =	simm.s32 $0x40;
	v9 =	vimm.f32 $0.0e+00;
	v10 =	vadd.f32 v11, v8;
	v11 =	vimm.f32 $0.0e+00;
	v8 =	vmovc v7  }
.LBB2_14:
0x224: {  	p0 =	sne.s32 s16, $0x700  }
.Ltmp6:
0x225: {  	_ = 	snop;
	(pc) =	sbr.rel @p0 .LBB2_14-.Ltmp6, $4  }
0x226: {  	_ = 	snop  }
0x227: {  	s17 =	sshra.s32 s16, $0x2;
	s16 =	sadd.s32 $0x40, s16;
	vm0 =	vgt.f32 v12, v7;
	v8 =	vmax.f32 v8, v12  }
0x228: {  	v12 =	vld [tilespmem:s17+$0x1970];
	v13 =	vsel vm0, $0x3F800000, v11  }
0x229: {  	v9 =	vadd.f32 v13, v9  }
0x22a: {  	v13 =	vld [tilespmem:s13+$0x1960];
	_ =	sdelay $0x1  }
0x22b: {  	s17 =	simm.s32 $0x10  }
0x22c: {  	v14 =	vld [tilespmem:s17+$0x1960]  }
0x22d: {  	v8 =	vmax.f32 v8, v12  }
0x22e: {  	v13 =	vsub.f32 v13, v8;
	_ =	sdelay $0x1  }
0x22f: {  	v13 =	vmul.f32 $1.442695020e+00, v13  }
0x230: {  	v14 =	vsub.f32 v14, v8  }
0x231: {  	(erf) = vpow2.f32 v13  }
0x232: {  	vm0 =	vgt.f32 v12, v7;
	v14 =	vmul.f32 $1.442695020e+00, v14  }
0x233: {  	s16 =	simm.s32 $0x20;
	v12 =	vsel vm0, $0x3F800000, v11  }
0x234: {  	v9 =	vadd.f32 v12, v9;
	v12 =	vld [tilespmem:s16+$0x1960];
	(erf) = vpow2.f32 v14;
	_ =	sdelay $0x2  }
0x235: {  	s13 =	simm.s32 $0xC0  }
.LBB2_16:
0x236: {  	p0 =	sne.s32 s13, $0x740  }
.Ltmp7:
0x237: {  	s16 =	sshra.s32 s13, $0x2;
	s13 =	sadd.s32 $0x40, s13;
	v13 =	vsub.f32 v12, v8;
	(pc) =	sbr.rel @p0 .LBB2_16-.Ltmp7, $3  }
0x238: {  	v12 =	vld [tilespmem:s16+$0x1960];
	v14 =	vpop (erf)  }
0x239: {  	v13 =	vmul.f32 $1.442695020e+00, v13;
	v11 =	vadd.f32 v14, v11;
	_ =	sdelay $0x1  }
0x23a: {  	(erf) = vpow2.f32 v13  }
0x23b: {  	v13 =	vadd.f32 $2.000000000e+00, v6;
	_ =	sdelay $0x1  }
0x23c: {  	v14 =	vand.u32 $0x7FFFFF, v13  }
0x23d: {  	v14 =	vor.u32 $0x3F800000, v14  }
0x23e: {  	v12 =	vsub.f32 v12, v8;
	v15 =	vmul.f32 $5.000000000e-01, v14  }
0x23f: {  	vm0 =	vgt.f32 v14, $1.414213540e+00  }
0x240: {  	v12 =	vmul.f32 $1.442695020e+00, v12;
	v14 =	vsel vm0, v15, v14  }
0x241: {  	v15 =	vadd.f32 $1.000000000e+00, v14  }
0x242: {  	(erf) = vpow2.f32 v12  }
0x243: {  	(erf) = vrcp.f32 v15;
	_ =	sdelay $0x5  }
0x244: {  	v60 =	vpop (erf)  }
0x245: {  	v61 =	vpop (erf)  }
0x246: {  	v14 =	vadd.f32 $-1.000000000e+00, v14;
	v16 =	vpop (erf)  }
0x247: {  	v17 =	vpop (erf)  }
0x248: {  	v14 =	vmul.f32 v17, v14;
	_ =	sdelay $0x1  }
0x249: {  	v17 =	vmul.f32 v14, v14;
	_ =	sdelay $0x1  }
0x24a: {  	v18 =	vmul.f32 $2.857142980e-01, v17;
	_ =	sdelay $0x1  }
0x24b: {  	v18 =	vadd.f32 $4.000000060e-01, v18;
	_ =	sdelay $0x1  }
0x24c: {  	v18 =	vmul.f32 v18, v17  }
0x24d: {  	v13 =	vshrl.u32 v13, $0x17  }
0x24e: {  	v13 =	vand.u32 $0xFF, v13;
	v19 =	vsel vm0, $0x1, v2;
	v18 =	vadd.f32 $6.666666860e-01, v18  }
0x24f: {  	v13 =	vadd.s32 v19, v13  }
0x250: {  	v13 =	vadd.s32 $0xFFFFFF81, v13;
	v17 =	vmul.f32 v18, v17  }
0x251: {  	v13 =	vcvt.s32.f32 v13  }
0x252: {  	v62 =	vand.u32 $0x7FFFFF, v10;
	v63 =	vadd.f32 $2.000000000e+00, v9;
	v17 =	vadd.f32 $2.000000000e+00, v17  }
0x253: {  	v13 =	vmul.f32 $6.931471820e-01, v13;
	v18 =	vor.u32 $0x3F800000, v62  }
0x254: {  	v20 =	vand.u32 $0x7FFFFF, v63;
	v24 =	vmul.f32 $5.000000000e-01, v18;
	v14 =	vmul.f32 v17, v14  }
0x255: {  	v20 =	vor.u32 $0x3F800000, v20;
	vm9 =	vgt.f32 v18, $1.414213540e+00  }
0x256: {  	v26 =	vmul.f32 $5.000000000e-01, v20;
	v25 =	vsel vm9, v24, v18;
	v13 =	vadd.f32 v14, v13  }
0x257: {  	vm1 =	vgt.f32 v20, $1.414213540e+00;
	v18 =	vadd.f32 $1.000000000e+00, v25  }
0x258: {  	v27 =	vadd.f32 $1.000000000e+00, v6;
	v17 =	vsel vm1, v26, v20;
	(erf) = vrcp.f32 v13  }
0x259: {  	v28 =	vadd.f32 $1.000000000e+00, v17;
	(erf) = vrcp.f32 v18  }
0x25a: {  	(erf) = vrcp.f32 v27  }
0x25b: {  	(erf) = vrcp.f32 v28;
	_ =	sdelay $0x5  }
0x25c: {  	v29 =	vpop (erf)  }
0x25d: {  	v30 =	vpop (erf)  }
0x25e: {  	v17 =	vadd.f32 $-1.000000000e+00, v17;
	v31 =	vpop (erf)  }
0x25f: {  	v21 =	vpop (erf)  }
0x260: {  	v17 =	vmul.f32 v21, v17;
	_ =	sdelay $0x1  }
0x261: {  	v21 =	vmul.f32 v17, v17;
	_ =	sdelay $0x1  }
0x262: {  	v22 =	vmul.f32 $2.857142980e-01, v21;
	_ =	sdelay $0x1  }
0x263: {  	v22 =	vadd.f32 $4.000000060e-01, v22;
	_ =	sdelay $0x1  }
0x264: {  	v11 =	vadd.f32 v60, v11;
	v32 =	vmul.f32 v22, v21  }
0x265: {  	v33 =	vshrl.u32 v63, $0x17;
	v34 =	vsel vm1, $0x1, v2  }
0x266: {  	v11 =	vadd.f32 v61, v11;
	v15 =	vand.u32 $0xFF, v33;
	v12 =	vadd.f32 $6.666666860e-01, v32  }
0x267: {  	v15 =	vadd.s32 v34, v15  }
0x268: {  	v15 =	vadd.s32 $0xFFFFFF81, v15;
	v11 =	vadd.f32 v16, v11;
	v12 =	vmul.f32 v12, v21  }
0x269: {  	v15 =	vcvt.s32.f32 v15  }
0x26a: {  	v16 =	vand.u32 $0x7FFFFF, v11;
	v12 =	vadd.f32 $2.000000000e+00, v12  }
0x26b: {  	v15 =	vmul.f32 $6.931471820e-01, v15;
	v16 =	vor.u32 $0x3F800000, v16  }
0x26c: {  	v35 =	vmul.f32 $5.000000000e-01, v16;
	v12 =	vmul.f32 v12, v17  }
0x26d: {  	vm10 =	vgt.f32 v16, $1.414213540e+00  }
0x26e: {  	v36 =	vsel vm10, v35, v16;
	v12 =	vadd.f32 v12, v15  }
0x26f: {  	v16 =	vadd.f32 $1.000000000e+00, v36  }
0x270: {  	(erf) = vrcp.f32 v12  }
0x271: {  	(erf) = vrcp.f32 v16;
	_ =	sdelay $0x4  }
0x272: {  	v14 =	vadd.f32 $-1.000000000e+00, v25  }
0x273: {  	v40 =	vshrl.u32 v10, $0x17;
	vm11 =	vlt.f32 v6, $1.000000000e+00  }
0x274: {  	v4 =	vsub.f32 v5, v4;
	vm12 =	vlt.f32 v6, $5.000000000e+00;
	v14 =	vmul.f32 v30, v14  }
0x275: {  	vm2 =	vlt.f32 v6, $1.000000000e+01;
	v52 =	vadd.f32 $1.000000000e+00, v9;
	v15 =	vadd.f32 $-1.000000000e+00, v36;
	v39 =	vpop (erf)  }
0x276: {  	vm13 =	vlt.f32 v9, $1.000000000e+00;
	vm14 =	vlt.f32 v9, $5.000000000e+00;
	v37 =	vmul.f32 v14, v14;
	v41 =	vpop (erf)  }
0x277: {  	vm15 =	vlt.f32 v9, $1.000000000e+01;
	v10 =	vand.u32 $0xFF, v40;
	v15 =	vmul.f32 v41, v15  }
0x278: {  	v5 =	vsel vm11, $0x3F800000, v3;
	v47 =	vsel vm12, $0x3F800000, v3;
	v38 =	vmul.f32 $2.857142980e-01, v37  }
0x279: {  	v48 =	vsel vm2, $0x3F800000, v3;
	v54 =	vsel vm13, $0x3F800000, v3;
	v43 =	vmul.f32 v15, v15  }
0x27a: {  	v56 =	vsel vm14, $0x3F800000, v3;
	v11 =	vshrl.u32 v11, $0x17;
	v16 =	vadd.f32 $4.000000060e-01, v38  }
0x27b: {  	v11 =	vand.u32 $0xFF, v11;
	v51 =	vsel vm10, $0x1, v2;
	v44 =	vmul.f32 $2.857142980e-01, v43  }
0x27c: {  	v11 =	vadd.s32 v51, v11;
	v42 =	vsel vm9, $0x1, v2;
	v16 =	vmul.f32 v16, v37  }
0x27d: {  	v11 =	vadd.s32 $0xFFFFFF81, v11;
	v10 =	vadd.s32 v42, v10;
	v45 =	vadd.f32 $4.000000060e-01, v44  }
0x27e: {  	v11 =	vcvt.s32.f32 v11;
	v10 =	vadd.s32 $0xFFFFFF81, v10;
	v16 =	vadd.f32 $6.666666860e-01, v16  }
0x27f: {  	v59 =	vsel vm15, $0x3F800000, v3;
	v10 =	vcvt.s32.f32 v10;
	v46 =	vmul.f32 v45, v43  }
0x280: {  	v58 =	vadd.f32 v56, v47;
	v13 =	vmul.f32 $6.931471820e-01, v29;
	v12 =	vmul.f32 v16, v37  }
0x281: {  	v11 =	vmul.f32 $6.931471820e-01, v11;
	v10 =	vmul.f32 $6.931471820e-01, v10;
	v6 =	vadd.f32 $6.666666860e-01, v46  }
0x282: {  	v49 =	vmul.f32 v13, v5;
	v12 =	vadd.f32 $2.000000000e+00, v12;
	(erf) = vrcp.f32 v52  }
0x283: {  	v62 =	vadd.f32 v59, v48;
	v50 =	vmul.f32 v13, v47;
	v6 =	vmul.f32 v6, v43  }
0x284: {  	v5 =	vadd.f32 v54, v5;
	v53 =	vmul.f32 $6.931471820e-01, v39;
	v12 =	vmul.f32 v12, v14  }
0x285: {  	v13 =	vmul.f32 v13, v48;
	v55 =	vadd.f32 $0.0e+00, v31;
	v6 =	vadd.f32 $2.000000000e+00, v6  }
0x286: {  	v18 =	vadd.f32 $0.0e+00, v50;
	v57 =	vmul.f32 v53, v56;
	v10 =	vadd.f32 v12, v10  }
0x287: {  	v13 =	vadd.f32 $0.0e+00, v13;
	[tilespmem:$0x1B80] =	vst v5;
	v5 =	vsub.f32 v8, v7;
	v6 =	vmul.f32 v6, v15  }
0x288: {  	v61 =	vmul.f32 v53, v59;
	v60 =	vadd.f32 v57, v18;
	v4 =	vadd.f32 v10, v4  }
0x289: {  	[tilespmem:$0x1BA0] =	vst v58;
	v10 =	vadd.f32 $0.0e+00, v49;
	v15 =	vmul.f32 v53, v54;
	v6 =	vadd.f32 v6, v11  }
0x28a: {  	[tilespmem:$0x1BC0] =	vst v62;
	v8 =	vadd.f32 v61, v13;
	v4 =	vadd.f32 $0.0e+00, v4  }
0x28b: {  	[tilespmem:$0x1BB0] =	vst v60;
	v63 =	vpop (erf);
	v10 =	vadd.f32 v15, v10;
	v5 =	vadd.f32 v6, v5  }
0x28c: {  	[tilespmem:$0x1BD0] =	vst v8;
	v6 =	vadd.f32 v63, v55  }
0x28d: {  	s12 =	sadd.s32 $0x1, s12;
	[tilespmem:$0x1B90] =	vst v10;
	v4 =	vadd.f32 v5, v4  }
0x28e: {  	p0 =	sne.s32 s12, s9;
	[tilespmem:$0x1BE0] =	vst v6  }
.Ltmp8:
0x28f: {  	[tilespmem:$0x1BF0] =	vst v4;
	(pc) =	sbr.rel @p0 .LBB2_1-.Ltmp8, $4  }
0x290: {  	[hbm4b:s8+s3] =	stream.linear.scatter [tilespmem:s10], [sflag:$0x3], $0x80, $0x38;
	[tilespmem:$0x1C00] =	vst v63  }
0x291: {  	_ =	swait.ge [sflag:s11], $0x80  }
0x292: {  	[sflag:s11] =	ssyncset.done $0x0  }
0x293: {  	[sflag:s11] =	ssyncadd.s32 $0xFFFFFF80  }
0x294: {  	_ =	sfence.sel $0x180000  }
0x295: {  	[bflag:$0x0] =	sbarrier.arrive $0xFFFF  }
0x296: {  	_ =	strace $0x90000047  }
0x297: {  	s0 =	stileid.u32;
	[bflag:$0x2] =	sbarrier.arrive $0xFFFF  }
0x298: {  	p0 =	sne.s32 s0, $0x0;
	s0 =	rddreg [dreg:$0x3]  }
0x299: {  	s0 =	sadd.s32 @!p0 $0x100000, s0  }
0x29a: {  	[sflag:s0] =	ssyncadd.tile.s32 @!p0 $0x1;
	_ =	shalt  }
.Lfunc_end2:
_tile_overlayer_lowered:
.L_overlay_start_2:
0x29b: {  	(tag) =	ssettag $0x2  }
0x29c: {  	s0 =	rddreg [dreg:$0x0];
	s2 =	stileid.u32  }
0x29d: {  	s1 =	rddreg [dreg:$0x1];
	p0 =	sne.s32 s2, $0x0  }
0x29e: {  	s3 =	rddreg [dreg:$0x2];
	[bflag:$0x3] =	sbarrier.arrive $0xFFFF;
	s2 =	simm.s32 @!p0 $0x1C03  }
0x29f: {  	[timem:s3], [sflag:s2] =	dma.local @!p0 [hbm:s0], s1  }
0x2a0: {  	s0 =	simm.s32 @!p0 $0x3  }
0x2a1: {  	_ =	swait.ge @!p0 [sflag:s0], s1  }
0x2a2: {  	s1 =	ssub.s32 @!p0 $0x0, s1;
	[sflag:s0] =	ssyncset.done @!p0 $0x0  }
0x2a3: {  	[sflag:s0] =	ssyncadd.s32 @!p0 s1  }
0x2a4: {  	[bflag:$0x3] =	sbarrier.arrive $0xFFFF  }
0x2a5: {  	_ =	shalt  }

</sc_bundles>
